<compile_context>
chip_gen: v7x
topology: tpu7x:2x2x1
jax: 0.10.2.dev20260603
libtpu: 0.0.44.dev20260713+nightly
codegen_flags: <defaults>
</compile_context>

<pallas_src>
import functools

import jax
import jax.numpy as jnp
from jax import lax
from jax.experimental import pallas as pl
from jax.experimental.pallas import tpu as pltpu
from jax.experimental.pallas import tpu_sc as plsc

_B, _L, _C = 4, 8192, 3
_R = 3 * _B
_REL_MIN = 0.15
_EPS = 1e-8
_Q_CONF = 0.7
_Q_CON = 0.3
_MAX_FINITE_BITS = 0x7F7FFFFF
_INF_BITS = 0x7F800000

_NC, _NS = 2, 16


def _prep_body(post_ref, scores_ref, refs_ref, dpinf_ref, dbits_ref, pk_ref, aux_ref):
    p0 = post_ref[0]
    p1 = post_ref[1]
    p2 = post_ref[2]
    h = -(
        (p0 * jnp.log(p0 + _EPS) + p1 * jnp.log(p1 + _EPS))
        + p2 * jnp.log(p2 + _EPS)
    )
    hmax = jnp.log(jnp.float32(_C))
    rel = 1.0 - jnp.clip(h / jnp.maximum(hmax, 1e-8), 0.0, 1.0)
    valid = rel >= _REL_MIN
    d = jnp.abs(scores_ref[...] - refs_ref[...])
    dpinf = jnp.where(valid, d, jnp.inf)
    dpinf_ref[...] = dpinf
    bits = lax.bitcast_convert_type(dpinf, jnp.int32)
    dbits_ref[...] = bits
    bt = lax.shift_right_logical(bits, 16)
    pk_ref[...] = lax.shift_left(bt[:, : _L // 2], 16) | bt[:, _L // 2 :]

    nf = jnp.sum(jnp.where(valid, 1.0, 0.0), axis=1, keepdims=True)

    def rank_of(q):
        pos = jnp.float32(q) * (nf - 1.0)
        lo = jnp.clip(jnp.floor(pos).astype(jnp.int32), 0, _L - 1)
        hi = jnp.clip(jnp.ceil(pos).astype(jnp.int32), 0, _L - 1)
        return lo, hi

    lo1, hi1 = rank_of(_Q_CONF)
    lo2, hi2 = rank_of(_Q_CON)
    n = nf.astype(jnp.int32)
    kmed = jnp.clip(lax.shift_right_arithmetic(n - 1, 1), 0, _L - 1)

    lanes = lax.broadcasted_iota(jnp.int32, (_R, 128), 1)
    aux = jnp.where(
        lanes == 0,
        lo1,
        jnp.where(
            lanes == 1,
            hi1,
            jnp.where(
                lanes == 2,
                lo2,
                jnp.where(lanes == 3, hi2, jnp.where(lanes == 4, kmed, 0)),
            ),
        ),
    )
    aux_ref[...] = aux


_prep = pl.pallas_call(
    _prep_body,
    out_shape=(
        jax.ShapeDtypeStruct((_R, _L), jnp.float32),
        jax.ShapeDtypeStruct((_R, _L), jnp.int32),
        jax.ShapeDtypeStruct((_R, _L // 2), jnp.int32),
        jax.ShapeDtypeStruct((_R, 128), jnp.int32),
    ),
)


def _sc_select_body(dbits_hbm, pk_hbm, aux_hbm, out_hbm, db_v, pk_v, aux_v, out_v):
    wid = lax.axis_index("s") * _NC + lax.axis_index("c")

    ones = jnp.full((16,), 1, jnp.int32)
    zeros = jnp.full((16,), 0, jnp.int32)

    def do_unit(u):
        row = u // 5
        slot = u - row * 5

        pltpu.sync_copy(aux_hbm.at[row], aux_v)
        a = aux_v[pl.ds(0, 16)]
        k = jnp.where(
            slot == 0,
            a[0],
            jnp.where(
                slot == 1,
                a[1],
                jnp.where(slot == 2, a[2], jnp.where(slot == 3, a[3], a[4])),
            ),
        )
        pltpu.sync_copy(dbits_hbm.at[row], db_v)
        pltpu.sync_copy(pk_hbm.at[row], pk_v)

        swar_bias = jnp.int32(-2147450880)
        swar_mask = jnp.int32(0x00010001)

        def count_le16(t):
            s = jnp.full((16,), t * 65537 + swar_bias, jnp.int32)

            def body(j, accs):
                base = j * 256
                new = list(accs)
                for uu in range(16):
                    p = pk_v[pl.ds(base + uu * 16, 16)]
                    y = lax.shift_right_logical(s - p, 15) & swar_mask
                    new[uu % 4] = new[uu % 4] + y
                return tuple(new)

            accs = plsc.parallel_loop(
                0, _L // 512, carry=(zeros, zeros, zeros, zeros)
            )(body)
            accT = (accs[0] + accs[1]) + (accs[2] + accs[3])
            tot = (accT & 0xFFFF) + lax.shift_right_logical(accT, 16)
            c = tot[0]
            for i in range(1, 16):
                c = c + tot[i]
            return c

        def count_le(thr):
            def body(j, accs):
                base = j * 256
                new = list(accs)
                for uu in range(16):
                    bits = db_v[pl.ds(base + uu * 16, 16)]
                    new[uu % 4] = new[uu % 4] + jnp.where(
                        bits <= thr, ones, zeros
                    )
                return tuple(new)

            accs = plsc.parallel_loop(
                0, _L // 256, carry=(zeros, zeros, zeros, zeros)
            )(body)
            acc = (accs[0] + accs[1]) + (accs[2] + accs[3])
            c = acc[0]
            for i in range(1, 16):
                c = c + acc[i]
            return c

        def search16_body(_, carry):
            lo, hi = carry
            mid = lo + lax.shift_right_logical(hi - lo, 1)
            ge = count_le16(mid) >= k + 1
            return jnp.where(ge, lo, mid + 1), jnp.where(ge, mid, hi)

        t16, _ = lax.fori_loop(
            0, 15, search16_body,
            (jnp.int32(0), jnp.int32(_INF_BITS >> 16)),
        )

        def search_body(_, carry):
            lo, hi = carry
            mid = lo + lax.shift_right_logical(hi - lo, 1)
            ge = count_le(mid) >= k + 1
            return jnp.where(ge, lo, mid + 1), jnp.where(ge, mid, hi)

        lo, _hi = lax.fori_loop(
            0, 16, search_body,
            (
                lax.shift_left(t16, 16),
                lax.shift_left(t16, 16) + jnp.int32(0xFFFF),
            ),
        )
        out_v[...] = jnp.full((16,), lo, jnp.int32)
        pltpu.sync_copy(out_v, out_hbm.at[u])

    do_unit(wid)

    @pl.when(wid + 32 < _R * 5)
    def _():
        do_unit(wid + 32)


@functools.cache
def _sc_select():
    return pl.kernel(
        _sc_select_body,
        out_type=jax.ShapeDtypeStruct((64, 16), jnp.int32),
        mesh=plsc.VectorSubcoreMesh(
            core_axis_name="c", subcore_axis_name="s", num_cores=_NC,
            num_subcores=_NS,
        ),
        scratch_types=[
            pltpu.VMEM((_L,), jnp.int32),
            pltpu.VMEM((_L // 2,), jnp.int32),
            pltpu.VMEM((128,), jnp.int32),
            pltpu.VMEM((16,), jnp.int32),
        ],
    )


def _finalize_body(dpinf_ref, sel_ref, scores_ref, refs_ref, con_ref, conf_ref):
    dp = dpinf_ref[...]
    valid = dp < jnp.inf
    d = jnp.abs(scores_ref[...] - refs_ref[...])
    dn = jnp.where(valid, d, -jnp.inf)

    def sbit(i):
        return lax.bitcast_convert_type(sel_ref[:, i : i + 1], jnp.float32)

    s_lo1, s_hi1 = sbit(0), sbit(1)
    s_lo2, s_hi2 = sbit(2), sbit(3)
    med = sbit(4)
    nf = jnp.sum(jnp.where(valid, 1.0, 0.0), axis=1, keepdims=True)

    def frac_of(q):
        pos = jnp.float32(q) * (nf - 1.0)
        lo = jnp.clip(jnp.floor(pos).astype(jnp.int32), 0, _L - 1)
        return pos - lo.astype(jnp.float32)

    thr_conf = s_lo1 + frac_of(_Q_CONF) * (s_hi1 - s_lo1)
    thr_con = s_lo2 + frac_of(_Q_CON) * (s_hi2 - s_lo2)

    conf0 = dn >= thr_conf
    con0 = dp <= thr_con
    ov = conf0 & con0
    gt = d > med
    con1 = con0 & jnp.logical_not(ov & gt)
    conf1 = conf0 & jnp.logical_not(ov & jnp.logical_not(gt))
    con1f = jnp.where(con1, 1.0, 0.0)
    conf1f = jnp.where(conf1, 1.0, 0.0)

    cnt_conf = jnp.sum(conf1f, axis=1, keepdims=True)
    cnt_con = jnp.sum(con1f, axis=1, keepdims=True)

    iota = lax.broadcasted_iota(jnp.int32, (_R, _L), 1)
    dmax = jnp.max(d, axis=1, keepdims=True)
    amax = jnp.min(
        jnp.where(d == dmax, iota, _L), axis=1, keepdims=True
    )
    dmin = jnp.min(d, axis=1, keepdims=True)
    amin = jnp.min(
        jnp.where(d == dmin, iota, _L), axis=1, keepdims=True
    )
    onehot_amax = jnp.where(iota == amax, 1.0, 0.0)
    onehot_amin = jnp.where(iota == amin, 1.0, 0.0)
    onehot0 = jnp.where(iota == 0, 1.0, 0.0)
    onehot1 = jnp.where(iota == 1, 1.0, 0.0)

    conf2f = jnp.where(cnt_conf == 0.0, onehot_amax, conf1f)
    con2f = jnp.where(cnt_con == 0.0, onehot_amin, con1f)

    empty = nf == 0.0
    conf3f = jnp.where(empty, onehot0, conf2f)
    con3f = jnp.where(empty, onehot1, con2f)

    con_ref[...] = con3f
    conf_ref[...] = conf3f


_finalize = pl.pallas_call(
    _finalize_body,
    out_shape=(
        jax.ShapeDtypeStruct((_R, _L), jnp.float32),
        jax.ShapeDtypeStruct((_R, _L), jnp.float32),
    ),
)


def kernel(
    posteriors_T,
    posteriors_A,
    posteriors_V,
    senti_scores_T,
    senti_scores_A,
    senti_scores_V,
    senti_ref_T,
    senti_ref_A,
    senti_ref_V,
):
    post = jnp.stack([posteriors_T, posteriors_A, posteriors_V], axis=0)
    post = post.transpose(3, 0, 1, 2).reshape(_C, _R, _L)
    scores = jnp.stack(
        [senti_scores_T, senti_scores_A, senti_scores_V], axis=0
    ).reshape(_R, _L)
    refs = jnp.stack([senti_ref_T, senti_ref_A, senti_ref_V], axis=0).reshape(
        _R, _L
    )

    dpinf, dbits, pk, aux = _prep(post, scores, refs)
    sel_raw = _sc_select()(dbits, pk, aux)
    sel = sel_raw[: _R * 5, 0].reshape(_R, 5)
    con, conf = _finalize(dpinf, sel, scores, refs)

    con = con.astype(jnp.bool_).reshape(3, _B, _L)
    conf = conf.astype(jnp.bool_).reshape(3, _B, _L)
    return (con[0], con[1], con[2], conf[0], conf[1], conf[2])

# --- scband reference (transcript-rebuilt; emitter-appended) ---
"""Pipeline reference for scband-evidence-splitter-83004537962994 (READ-ONLY COPY).

The authoritative reference and input builder live on the scoring server;
editing this copy changes nothing except your own understanding.
"""

import jax, jax.numpy as jnp
import numpy as np

B, L, C = 4, 8192, 3
REL_MIN = 0.15
CONF_RATIO = 0.3
CON_RATIO = 0.3
EPS = 1e-8


def setup_inputs(seed: int = 0):
    key = jax.random.key(seed)
    ks = jax.random.split(key, 9)
    return {
        "posteriors_T": jax.random.uniform(ks[0], (B, L, C), dtype=jnp.float32),
        "posteriors_A": jax.random.uniform(ks[1], (B, L, C), dtype=jnp.float32),
        "posteriors_V": jax.random.uniform(ks[2], (B, L, C), dtype=jnp.float32),
        "senti_scores_T": jax.random.normal(ks[3], (B, L), dtype=jnp.float32),
        "senti_scores_A": jax.random.normal(ks[4], (B, L), dtype=jnp.float32),
        "senti_scores_V": jax.random.normal(ks[5], (B, L), dtype=jnp.float32),
        "senti_ref_T": jax.random.normal(ks[6], (B, L), dtype=jnp.float32),
        "senti_ref_A": jax.random.normal(ks[7], (B, L), dtype=jnp.float32),
        "senti_ref_V": jax.random.normal(ks[8], (B, L), dtype=jnp.float32),
    }


def _split(posteriors, scores, ref):
    # reliability from entropy: Rel = 1 - H/log(C), clamped to [0,1]
    H = -jnp.sum(posteriors * jnp.log(posteriors + EPS), axis=-1)
    Hmax = jnp.log(jnp.asarray(float(posteriors.shape[-1]), dtype=posteriors.dtype))
    Rel = 1.0 - jnp.clip(H / jnp.maximum(Hmax, 1e-8), 0.0, 1.0)
    valid = Rel >= REL_MIN  # mask_dict is None -> all-ones mask
    d = jnp.abs(scores - ref)
    Bn, Ln = scores.shape
    con_rows, conf_rows = [], []
    for b in range(Bn):
        vb = valid[b]
        db = d[b]
        n = jnp.sum(vb.astype(jnp.int32))
        nf = n.astype(jnp.float32)
        # sort valid entries to front (invalid padded with +inf)
        s = jnp.sort(jnp.where(vb, db, jnp.inf))

        def q_at(q):
            # torch.quantile linear interpolation over the n valid entries
            pos = q * (nf - 1.0)
            lo = jnp.clip(jnp.floor(pos).astype(jnp.int32), 0, Ln - 1)
            hi = jnp.clip(jnp.ceil(pos).astype(jnp.int32), 0, Ln - 1)
            frac = pos - lo.astype(jnp.float32)
            return s[lo] + frac * (s[hi] - s[lo])

        thr_conf = q_at(1.0 - CONF_RATIO)
        thr_con = q_at(CON_RATIO)
        conf = vb & (db >= thr_conf)
        con = vb & (db <= thr_con)
        # overlap resolution using torch.median semantics (lower middle element)
        overlap = conf & con
        med = s[jnp.clip((n - 1) // 2, 0, Ln - 1)]
        gt = db > med
        con = con & jnp.logical_not(overlap & gt)
        conf = conf & jnp.logical_not(overlap & jnp.logical_not(gt))
        # empty-class fallbacks (argmax/argmin over full d[b], matching torch)
        conf = jnp.where(jnp.sum(conf) == 0, jnp.zeros(Ln, dtype=bool).at[jnp.argmax(db)].set(True), conf)
        con = jnp.where(jnp.sum(con) == 0, jnp.zeros(Ln, dtype=bool).at[jnp.argmin(db)].set(True), con)
        # no-valid-token branch: conf[0]=True, con[min(1, L-1)]=True
        empty = n == 0
        conf = jnp.where(empty, jnp.zeros(Ln, dtype=bool).at[0].set(True), conf)
        con = jnp.where(empty, jnp.zeros(Ln, dtype=bool).at[min(1, Ln - 1)].set(True), con)
        con_rows.append(con)
        conf_rows.append(conf)
    return jnp.stack(con_rows), jnp.stack(conf_rows)


def reference(posteriors_T, posteriors_A, posteriors_V, senti_scores_T, senti_scores_A, senti_scores_V, senti_ref_T, senti_ref_A, senti_ref_V):
    con_T, conf_T = _split(posteriors_T, senti_scores_T, senti_ref_T)
    con_A, conf_A = _split(posteriors_A, senti_scores_A, senti_ref_A)
    con_V, conf_V = _split(posteriors_V, senti_scores_V, senti_ref_V)
    # (con_masks, conf_masks) dicts flattened in T, A, V order
    return (con_T, con_A, con_V, conf_T, conf_A, conf_V)

if __name__ == "__main__":
    import jax
    _d = setup_inputs()
    print(jax.jit(kernel)(*tuple(_d.values())))

</pallas_src>

<mosaic_0001>
#map = affine_map<(d0, d1) -> (0, 0)>
module attributes {stable_mosaic.version = 14 : i64} {
  func.func @_sc_select_body(%arg0: i32, %arg1: i32, %arg2: memref<12x8192xi32, #tpu.memory_space<hbm>>, %arg3: memref<12x4096xi32, #tpu.memory_space<hbm>>, %arg4: memref<12x128xi32, #tpu.memory_space<hbm>>, %arg5: memref<64x16xi32, #tpu.memory_space<hbm>>, %arg6: memref<8192xi32, #tpu.memory_space<vmem>>, %arg7: memref<4096xi32, #tpu.memory_space<vmem>>, %arg8: memref<128xi32, #tpu.memory_space<vmem>>, %arg9: memref<16xi32, #tpu.memory_space<vmem>>) attributes {dimension_semantics = [#tpu.dimension_semantics<core_parallel>, #tpu.dimension_semantics<subcore_parallel>], iteration_bounds = array<i64: 2, 16>, scalar_prefetch = 0 : i64, scratch_operands = 4 : i64, tpu.core_type = #tpu.core_type<sc_vector_subcore>, window_params = [{transform_indices = #map}, {transform_indices = #map}, {transform_indices = #map}, {transform_indices = #map}]} {
    %mul3A = arith.constant 2 : i32
    %mul3A_0 = arith.muli %arg1, %mul3A : i32
    %add3A = arith.addi %mul3A_0, %arg0 : i32
    %broadcast_in_dim3A = arith.constant 1 : i32
    %broadcast_in_dim3A_1 = vector.broadcast %broadcast_in_dim3A : i32 to vector<16xi32>
    %broadcast_in_dim3A_2 = arith.constant 0 : i32
    %broadcast_in_dim3A_3 = vector.broadcast %broadcast_in_dim3A_2 : i32 to vector<16xi32>
    %jit3A = arith.constant 5 : i32
    %div3A = arith.divsi %add3A, %jit3A : i32
    %sign3A = arith.constant 0 : i32
    %sign3A_4 = arith.cmpi sgt, %add3A, %sign3A : i32
    %sign3A_5 = arith.extui %sign3A_4 : i1 to i32
    %sign3A_6 = arith.constant 0 : i32
    %sign3A_7 = arith.cmpi slt, %add3A, %sign3A_6 : i32
    %sign3A_8 = arith.extui %sign3A_7 : i1 to i32
    %sign3A_9 = arith.subi %sign3A_5, %sign3A_8 : i32
    %sign3A_10 = arith.constant 0 : i32
    %sign3A_11 = arith.cmpi sgt, %jit3A, %sign3A_10 : i32
    %sign3A_12 = arith.extui %sign3A_11 : i1 to i32
    %sign3A_13 = arith.constant 0 : i32
    %sign3A_14 = arith.cmpi slt, %jit3A, %sign3A_13 : i32
    %sign3A_15 = arith.extui %sign3A_14 : i1 to i32
    %sign3A_16 = arith.subi %sign3A_12, %sign3A_15 : i32
    %ne3A = arith.cmpi ne, %sign3A_9, %sign3A_16 : i32
    %rem3A = arith.remsi %add3A, %jit3A : i32
    %ne3A_17 = arith.constant 0 : i32
    %ne3A_18 = arith.cmpi ne, %rem3A, %ne3A_17 : i32
    %and3A = arith.andi %ne3A, %ne3A_18 : i1
    %sub3A = arith.constant 1 : i32
    %sub3A_19 = arith.subi %div3A, %sub3A : i32
    %select_n3A = arith.select %and3A, %sub3A_19, %div3A : i32
    %mul3A_20 = arith.constant 5 : i32
    %mul3A_21 = arith.muli %select_n3A, %mul3A_20 : i32
    %sub3A_22 = arith.subi %add3A, %mul3A_21 : i32
    "tpu.region"() ({
      %run_scoped3A = tpu.sem_alloc : memref<!tpu.dma_semaphore, #tpu.memory_space<semaphore_mem>>
      %dma_start3A = arith.constant 0 : i32
      %dma_start3A_72 = tpu.memref_slice %arg4[%select_n3A, %dma_start3A] : memref<12x128xi32, #tpu.memory_space<hbm>> -> memref<1x128xi32, #tpu.memory_space<hbm>>
      %dma_start3A_73 = tpu.memref_squeeze %dma_start3A_72 : memref<1x128xi32, #tpu.memory_space<hbm>> -> memref<128xi32, #tpu.memory_space<hbm>>
      %dma_start3A_74 = arith.constant 0 : i32
      %dma_start3A_75 = tpu.memref_slice %arg4[%select_n3A, %dma_start3A_74] : memref<12x128xi32, #tpu.memory_space<hbm>> -> memref<1x128xi32, #tpu.memory_space<hbm>>
      %dma_start3A_76 = tpu.memref_squeeze %dma_start3A_75 : memref<1x128xi32, #tpu.memory_space<hbm>> -> memref<128xi32, #tpu.memory_space<hbm>>
      tpu.enqueue_dma source(%dma_start3A_76 : memref<128xi32, #tpu.memory_space<hbm>>) target(%arg8 : memref<128xi32, #tpu.memory_space<vmem>>) target_semaphore(%run_scoped3A : memref<!tpu.dma_semaphore, #tpu.memory_space<semaphore_mem>>)
      %dma_wait3A = arith.constant 0 : i32
      %dma_wait3A_77 = tpu.memref_slice %arg4[%select_n3A, %dma_wait3A] : memref<12x128xi32, #tpu.memory_space<hbm>> -> memref<1x128xi32, #tpu.memory_space<hbm>>
      %dma_wait3A_78 = tpu.memref_squeeze %dma_wait3A_77 : memref<1x128xi32, #tpu.memory_space<hbm>> -> memref<128xi32, #tpu.memory_space<hbm>>
      %dma_wait3A_79 = arith.constant 0 : i32
      %dma_wait3A_80 = tpu.memref_slice %arg4[%select_n3A, %dma_wait3A_79] : memref<12x128xi32, #tpu.memory_space<hbm>> -> memref<1x128xi32, #tpu.memory_space<hbm>>
      %dma_wait3A_81 = tpu.memref_squeeze %dma_wait3A_80 : memref<1x128xi32, #tpu.memory_space<hbm>> -> memref<128xi32, #tpu.memory_space<hbm>>
      tpu.wait_dma2 semaphore(%run_scoped3A : memref<!tpu.dma_semaphore, #tpu.memory_space<semaphore_mem>>) src(%dma_wait3A_81 : memref<128xi32, #tpu.memory_space<hbm>>) dst(%arg8 : memref<128xi32, #tpu.memory_space<vmem>>)
      tpu.yield
    }) : () -> ()
    %get3A = arith.constant 0 : index
    %get3A_23 = tpu.vector_load %arg8[%get3A] {strides = array<i32>} : memref<128xi32, #tpu.memory_space<vmem>>, vector<16xi32>,
    %get3A_24 = vector.shape_cast %get3A_23 : vector<16xi32> to vector<16xi32>
    %eq3A = arith.constant 0 : i32
    %eq3A_25 = arith.cmpi eq, %sub3A_22, %eq3A : i32
    %slice3A = vector.extract_strided_slice %get3A_24 {offsets = [0], sizes = [1], strides = [1]} : vector<16xi32> to vector<1xi32>
    %squeeze3A = vector.extract %slice3A[0] : i32 from vector<1xi32>
    %eq3A_26 = arith.constant 1 : i32
    %eq3A_27 = arith.cmpi eq, %sub3A_22, %eq3A_26 : i32
    %slice3A_28 = vector.extract_strided_slice %get3A_24 {offsets = [1], sizes = [1], strides = [1]} : vector<16xi32> to vector<1xi32>
    %squeeze3A_29 = vector.extract %slice3A_28[0] : i32 from vector<1xi32>
    %eq3A_30 = arith.constant 2 : i32
    %eq3A_31 = arith.cmpi eq, %sub3A_22, %eq3A_30 : i32
    %slice3A_32 = vector.extract_strided_slice %get3A_24 {offsets = [2], sizes = [1], strides = [1]} : vector<16xi32> to vector<1xi32>
    %squeeze3A_33 = vector.extract %slice3A_32[0] : i32 from vector<1xi32>
    %eq3A_34 = arith.constant 3 : i32
    %eq3A_35 = arith.cmpi eq, %sub3A_22, %eq3A_34 : i32
    %slice3A_36 = vector.extract_strided_slice %get3A_24 {offsets = [3], sizes = [1], strides = [1]} : vector<16xi32> to vector<1xi32>
    %squeeze3A_37 = vector.extract %slice3A_36[0] : i32 from vector<1xi32>
    %slice3A_38 = vector.extract_strided_slice %get3A_24 {offsets = [4], sizes = [1], strides = [1]} : vector<16xi32> to vector<1xi32>
    %squeeze3A_39 = vector.extract %slice3A_38[0] : i32 from vector<1xi32>
    %select_n3A_40 = arith.select %eq3A_35, %squeeze3A_37, %squeeze3A_39 : i32
    %select_n3A_41 = arith.select %eq3A_31, %squeeze3A_33, %select_n3A_40 : i32
    %select_n3A_42 = arith.select %eq3A_27, %squeeze3A_29, %select_n3A_41 : i32
    %select_n3A_43 = arith.select %eq3A_25, %squeeze3A, %select_n3A_42 : i32
    "tpu.region"() ({
      %run_scoped3A = tpu.sem_alloc : memref<!tpu.dma_semaphore, #tpu.memory_space<semaphore_mem>>
      %dma_start3A = arith.constant 0 : i32
      %dma_start3A_72 = tpu.memref_slice %arg2[%select_n3A, %dma_start3A] : memref<12x8192xi32, #tpu.memory_space<hbm>> -> memref<1x8192xi32, #tpu.memory_space<hbm>>
      %dma_start3A_73 = tpu.memref_squeeze %dma_start3A_72 : memref<1x8192xi32, #tpu.memory_space<hbm>> -> memref<8192xi32, #tpu.memory_space<hbm>>
      %dma_start3A_74 = arith.constant 0 : i32
      %dma_start3A_75 = tpu.memref_slice %arg2[%select_n3A, %dma_start3A_74] : memref<12x8192xi32, #tpu.memory_space<hbm>> -> memref<1x8192xi32, #tpu.memory_space<hbm>>
      %dma_start3A_76 = tpu.memref_squeeze %dma_start3A_75 : memref<1x8192xi32, #tpu.memory_space<hbm>> -> memref<8192xi32, #tpu.memory_space<hbm>>
      tpu.enqueue_dma source(%dma_start3A_76 : memref<8192xi32, #tpu.memory_space<hbm>>) target(%arg6 : memref<8192xi32, #tpu.memory_space<vmem>>) target_semaphore(%run_scoped3A : memref<!tpu.dma_semaphore, #tpu.memory_space<semaphore_mem>>)
      %dma_wait3A = arith.constant 0 : i32
      %dma_wait3A_77 = tpu.memref_slice %arg2[%select_n3A, %dma_wait3A] : memref<12x8192xi32, #tpu.memory_space<hbm>> -> memref<1x8192xi32, #tpu.memory_space<hbm>>
      %dma_wait3A_78 = tpu.memref_squeeze %dma_wait3A_77 : memref<1x8192xi32, #tpu.memory_space<hbm>> -> memref<8192xi32, #tpu.memory_space<hbm>>
      %dma_wait3A_79 = arith.constant 0 : i32
      %dma_wait3A_80 = tpu.memref_slice %arg2[%select_n3A, %dma_wait3A_79] : memref<12x8192xi32, #tpu.memory_space<hbm>> -> memref<1x8192xi32, #tpu.memory_space<hbm>>
      %dma_wait3A_81 = tpu.memref_squeeze %dma_wait3A_80 : memref<1x8192xi32, #tpu.memory_space<hbm>> -> memref<8192xi32, #tpu.memory_space<hbm>>
      tpu.wait_dma2 semaphore(%run_scoped3A : memref<!tpu.dma_semaphore, #tpu.memory_space<semaphore_mem>>) src(%dma_wait3A_81 : memref<8192xi32, #tpu.memory_space<hbm>>) dst(%arg6 : memref<8192xi32, #tpu.memory_space<vmem>>)
      tpu.yield
    }) : () -> ()
    "tpu.region"() ({
      %run_scoped3A = tpu.sem_alloc : memref<!tpu.dma_semaphore, #tpu.memory_space<semaphore_mem>>
      %dma_start3A = arith.constant 0 : i32
      %dma_start3A_72 = tpu.memref_slice %arg3[%select_n3A, %dma_start3A] : memref<12x4096xi32, #tpu.memory_space<hbm>> -> memref<1x4096xi32, #tpu.memory_space<hbm>>
      %dma_start3A_73 = tpu.memref_squeeze %dma_start3A_72 : memref<1x4096xi32, #tpu.memory_space<hbm>> -> memref<4096xi32, #tpu.memory_space<hbm>>
      %dma_start3A_74 = arith.constant 0 : i32
      %dma_start3A_75 = tpu.memref_slice %arg3[%select_n3A, %dma_start3A_74] : memref<12x4096xi32, #tpu.memory_space<hbm>> -> memref<1x4096xi32, #tpu.memory_space<hbm>>
      %dma_start3A_76 = tpu.memref_squeeze %dma_start3A_75 : memref<1x4096xi32, #tpu.memory_space<hbm>> -> memref<4096xi32, #tpu.memory_space<hbm>>
      tpu.enqueue_dma source(%dma_start3A_76 : memref<4096xi32, #tpu.memory_space<hbm>>) target(%arg7 : memref<4096xi32, #tpu.memory_space<vmem>>) target_semaphore(%run_scoped3A : memref<!tpu.dma_semaphore, #tpu.memory_space<semaphore_mem>>)
      %dma_wait3A = arith.constant 0 : i32
      %dma_wait3A_77 = tpu.memref_slice %arg3[%select_n3A, %dma_wait3A] : memref<12x4096xi32, #tpu.memory_space<hbm>> -> memref<1x4096xi32, #tpu.memory_space<hbm>>
      %dma_wait3A_78 = tpu.memref_squeeze %dma_wait3A_77 : memref<1x4096xi32, #tpu.memory_space<hbm>> -> memref<4096xi32, #tpu.memory_space<hbm>>
      %dma_wait3A_79 = arith.constant 0 : i32
      %dma_wait3A_80 = tpu.memref_slice %arg3[%select_n3A, %dma_wait3A_79] : memref<12x4096xi32, #tpu.memory_space<hbm>> -> memref<1x4096xi32, #tpu.memory_space<hbm>>
      %dma_wait3A_81 = tpu.memref_squeeze %dma_wait3A_80 : memref<1x4096xi32, #tpu.memory_space<hbm>> -> memref<4096xi32, #tpu.memory_space<hbm>>
      tpu.wait_dma2 semaphore(%run_scoped3A : memref<!tpu.dma_semaphore, #tpu.memory_space<semaphore_mem>>) src(%dma_wait3A_81 : memref<4096xi32, #tpu.memory_space<hbm>>) dst(%arg7 : memref<4096xi32, #tpu.memory_space<vmem>>)
      tpu.yield
    }) : () -> ()
    %scan3A = arith.constant -2147450880 : i32
    %scan3A_44 = arith.constant 65537 : i32
    %scan3A_45 = arith.constant 0 : i32
    %scan3A_46 = arith.constant 32640 : i32
    %scan3A_47 = arith.constant 0 : i32
    %scan3A_48 = arith.constant 15 : i32
    %scan3A_49 = arith.addi %scan3A_47, %scan3A_48 : i32
    %scan3A_50 = arith.constant 1 : i32
    %scan3A_51:2 = scf.for %scan3A_72 = %scan3A_47 to %scan3A_49 step %scan3A_50 iter_args(%scan3A_73 = %scan3A_45, %scan3A_74 = %scan3A_46) -> (i32, i32)  : i32 {
      %sub3A_75 = arith.subi %scan3A_74, %scan3A_73 : i32
      %shift_right_logical3A = arith.constant 1 : i32
      %shift_right_logical3A_76 = arith.shrui %sub3A_75, %shift_right_logical3A : i32
      %add3A_77 = arith.addi %scan3A_73, %shift_right_logical3A_76 : i32
      %mul3A_78 = arith.constant 65537 : i32
      %mul3A_79 = arith.muli %add3A_77, %mul3A_78 : i32
      %add3A_80 = arith.addi %mul3A_79, %scan3A : i32
      %broadcast_in_dim3A_81 = vector.broadcast %add3A_80 : i32 to vector<16xi32>
      %parallel_loop3A = arith.constant 0 : i32
      %parallel_loop3A_82 = arith.constant 16 : i32
      %parallel_loop3A_83 = arith.constant 1 : i32
      %parallel_loop3A_84:4 = scf.for %parallel_loop3A_148 = %parallel_loop3A to %parallel_loop3A_82 step %parallel_loop3A_83 iter_args(%parallel_loop3A_149 = %broadcast_in_dim3A_3, %parallel_loop3A_150 = %broadcast_in_dim3A_3, %parallel_loop3A_151 = %broadcast_in_dim3A_3, %parallel_loop3A_152 = %broadcast_in_dim3A_3) -> (vector<16xi32>, vector<16xi32>, vector<16xi32>, vector<16xi32>)  : i32 {
        %parallel_loop3A_153 = arith.constant 256 : i32
        %parallel_loop3A_154 = arith.muli %parallel_loop3A_148, %parallel_loop3A_153 : i32
        %parallel_loop3A_155 = arith.constant 0 : i32
        %parallel_loop3A_156 = arith.addi %parallel_loop3A_154, %parallel_loop3A_155 : i32
        %parallel_loop3A_157 = arith.index_cast %parallel_loop3A_156 : i32 to index
        %parallel_loop3A_158 = tpu.vector_load %arg7[%parallel_loop3A_157] {strides = array<i32>} : memref<4096xi32, #tpu.memory_space<vmem>>, vector<16xi32>,
        %parallel_loop3A_159 = vector.shape_cast %parallel_loop3A_158 : vector<16xi32> to vector<16xi32>
        %parallel_loop3A_160 = arith.subi %broadcast_in_dim3A_81, %parallel_loop3A_159 : vector<16xi32>
        %parallel_loop3A_161 = arith.constant 15 : i32
        %parallel_loop3A_162 = vector.broadcast %parallel_loop3A_161 : i32 to vector<16xi32>
        %parallel_loop3A_163 = arith.shrui %parallel_loop3A_160, %parallel_loop3A_162 : vector<16xi32>
        %parallel_loop3A_164 = vector.broadcast %scan3A_44 : i32 to vector<16xi32>
        %parallel_loop3A_165 = arith.andi %parallel_loop3A_163, %parallel_loop3A_164 : vector<16xi32>
        %parallel_loop3A_166 = arith.addi %parallel_loop3A_149, %parallel_loop3A_165 : vector<16xi32>
        %parallel_loop3A_167 = arith.constant 16 : i32
        %parallel_loop3A_168 = arith.addi %parallel_loop3A_154, %parallel_loop3A_167 : i32
        %parallel_loop3A_169 = arith.index_cast %parallel_loop3A_168 : i32 to index
        %parallel_loop3A_170 = tpu.vector_load %arg7[%parallel_loop3A_169] {strides = array<i32>} : memref<4096xi32, #tpu.memory_space<vmem>>, vector<16xi32>,
        %parallel_loop3A_171 = vector.shape_cast %parallel_loop3A_170 : vector<16xi32> to vector<16xi32>
        %parallel_loop3A_172 = arith.subi %broadcast_in_dim3A_81, %parallel_loop3A_171 : vector<16xi32>
        %parallel_loop3A_173 = arith.constant 15 : i32
        %parallel_loop3A_174 = vector.broadcast %parallel_loop3A_173 : i32 to vector<16xi32>
        %parallel_loop3A_175 = arith.shrui %parallel_loop3A_172, %parallel_loop3A_174 : vector<16xi32>
        %parallel_loop3A_176 = vector.broadcast %scan3A_44 : i32 to vector<16xi32>
        %parallel_loop3A_177 = arith.andi %parallel_loop3A_175, %parallel_loop3A_176 : vector<16xi32>
        %parallel_loop3A_178 = arith.addi %parallel_loop3A_150, %parallel_loop3A_177 : vector<16xi32>
        %parallel_loop3A_179 = arith.constant 32 : i32
        %parallel_loop3A_180 = arith.addi %parallel_loop3A_154, %parallel_loop3A_179 : i32
        %parallel_loop3A_181 = arith.index_cast %parallel_loop3A_180 : i32 to index
        %parallel_loop3A_182 = tpu.vector_load %arg7[%parallel_loop3A_181] {strides = array<i32>} : memref<4096xi32, #tpu.memory_space<vmem>>, vector<16xi32>,
        %parallel_loop3A_183 = vector.shape_cast %parallel_loop3A_182 : vector<16xi32> to vector<16xi32>
        %parallel_loop3A_184 = arith.subi %broadcast_in_dim3A_81, %parallel_loop3A_183 : vector<16xi32>
        %parallel_loop3A_185 = arith.constant 15 : i32
        %parallel_loop3A_186 = vector.broadcast %parallel_loop3A_185 : i32 to vector<16xi32>
        %parallel_loop3A_187 = arith.shrui %parallel_loop3A_184, %parallel_loop3A_186 : vector<16xi32>
        %parallel_loop3A_188 = vector.broadcast %scan3A_44 : i32 to vector<16xi32>
        %parallel_loop3A_189 = arith.andi %parallel_loop3A_187, %parallel_loop3A_188 : vector<16xi32>
        %parallel_loop3A_190 = arith.addi %parallel_loop3A_151, %parallel_loop3A_189 : vector<16xi32>
        %parallel_loop3A_191 = arith.constant 48 : i32
        %parallel_loop3A_192 = arith.addi %parallel_loop3A_154, %parallel_loop3A_191 : i32
        %parallel_loop3A_193 = arith.index_cast %parallel_loop3A_192 : i32 to index
        %parallel_loop3A_194 = tpu.vector_load %arg7[%parallel_loop3A_193] {strides = array<i32>} : memref<4096xi32, #tpu.memory_space<vmem>>, vector<16xi32>,
        %parallel_loop3A_195 = vector.shape_cast %parallel_loop3A_194 : vector<16xi32> to vector<16xi32>
        %parallel_loop3A_196 = arith.subi %broadcast_in_dim3A_81, %parallel_loop3A_195 : vector<16xi32>
        %parallel_loop3A_197 = arith.constant 15 : i32
        %parallel_loop3A_198 = vector.broadcast %parallel_loop3A_197 : i32 to vector<16xi32>
        %parallel_loop3A_199 = arith.shrui %parallel_loop3A_196, %parallel_loop3A_198 : vector<16xi32>
        %parallel_loop3A_200 = vector.broadcast %scan3A_44 : i32 to vector<16xi32>
        %parallel_loop3A_201 = arith.andi %parallel_loop3A_199, %parallel_loop3A_200 : vector<16xi32>
        %parallel_loop3A_202 = arith.addi %parallel_loop3A_152, %parallel_loop3A_201 : vector<16xi32>
        %parallel_loop3A_203 = arith.constant 64 : i32
        %parallel_loop3A_204 = arith.addi %parallel_loop3A_154, %parallel_loop3A_203 : i32
        %parallel_loop3A_205 = arith.index_cast %parallel_loop3A_204 : i32 to index
        %parallel_loop3A_206 = tpu.vector_load %arg7[%parallel_loop3A_205] {strides = array<i32>} : memref<4096xi32, #tpu.memory_space<vmem>>, vector<16xi32>,
        %parallel_loop3A_207 = vector.shape_cast %parallel_loop3A_206 : vector<16xi32> to vector<16xi32>
        %parallel_loop3A_208 = arith.subi %broadcast_in_dim3A_81, %parallel_loop3A_207 : vector<16xi32>
        %parallel_loop3A_209 = arith.constant 15 : i32
        %parallel_loop3A_210 = vector.broadcast %parallel_loop3A_209 : i32 to vector<16xi32>
        %parallel_loop3A_211 = arith.shrui %parallel_loop3A_208, %parallel_loop3A_210 : vector<16xi32>
        %parallel_loop3A_212 = vector.broadcast %scan3A_44 : i32 to vector<16xi32>
        %parallel_loop3A_213 = arith.andi %parallel_loop3A_211, %parallel_loop3A_212 : vector<16xi32>
        %parallel_loop3A_214 = arith.addi %parallel_loop3A_166, %parallel_loop3A_213 : vector<16xi32>
        %parallel_loop3A_215 = arith.constant 80 : i32
        %parallel_loop3A_216 = arith.addi %parallel_loop3A_154, %parallel_loop3A_215 : i32
        %parallel_loop3A_217 = arith.index_cast %parallel_loop3A_216 : i32 to index
        %parallel_loop3A_218 = tpu.vector_load %arg7[%parallel_loop3A_217] {strides = array<i32>} : memref<4096xi32, #tpu.memory_space<vmem>>, vector<16xi32>,
        %parallel_loop3A_219 = vector.shape_cast %parallel_loop3A_218 : vector<16xi32> to vector<16xi32>
        %parallel_loop3A_220 = arith.subi %broadcast_in_dim3A_81, %parallel_loop3A_219 : vector<16xi32>
        %parallel_loop3A_221 = arith.constant 15 : i32
        %parallel_loop3A_222 = vector.broadcast %parallel_loop3A_221 : i32 to vector<16xi32>
        %parallel_loop3A_223 = arith.shrui %parallel_loop3A_220, %parallel_loop3A_222 : vector<16xi32>
        %parallel_loop3A_224 = vector.broadcast %scan3A_44 : i32 to vector<16xi32>
        %parallel_loop3A_225 = arith.andi %parallel_loop3A_223, %parallel_loop3A_224 : vector<16xi32>
        %parallel_loop3A_226 = arith.addi %parallel_loop3A_178, %parallel_loop3A_225 : vector<16xi32>
        %parallel_loop3A_227 = arith.constant 96 : i32
        %parallel_loop3A_228 = arith.addi %parallel_loop3A_154, %parallel_loop3A_227 : i32
        %parallel_loop3A_229 = arith.index_cast %parallel_loop3A_228 : i32 to index
        %parallel_loop3A_230 = tpu.vector_load %arg7[%parallel_loop3A_229] {strides = array<i32>} : memref<4096xi32, #tpu.memory_space<vmem>>, vector<16xi32>,
        %parallel_loop3A_231 = vector.shape_cast %parallel_loop3A_230 : vector<16xi32> to vector<16xi32>
        %parallel_loop3A_232 = arith.subi %broadcast_in_dim3A_81, %parallel_loop3A_231 : vector<16xi32>
        %parallel_loop3A_233 = arith.constant 15 : i32
        %parallel_loop3A_234 = vector.broadcast %parallel_loop3A_233 : i32 to vector<16xi32>
        %parallel_loop3A_235 = arith.shrui %parallel_loop3A_232, %parallel_loop3A_234 : vector<16xi32>
        %parallel_loop3A_236 = vector.broadcast %scan3A_44 : i32 to vector<16xi32>
        %parallel_loop3A_237 = arith.andi %parallel_loop3A_235, %parallel_loop3A_236 : vector<16xi32>
        %parallel_loop3A_238 = arith.addi %parallel_loop3A_190, %parallel_loop3A_237 : vector<16xi32>
        %parallel_loop3A_239 = arith.constant 112 : i32
        %parallel_loop3A_240 = arith.addi %parallel_loop3A_154, %parallel_loop3A_239 : i32
        %parallel_loop3A_241 = arith.index_cast %parallel_loop3A_240 : i32 to index
        %parallel_loop3A_242 = tpu.vector_load %arg7[%parallel_loop3A_241] {strides = array<i32>} : memref<4096xi32, #tpu.memory_space<vmem>>, vector<16xi32>,
        %parallel_loop3A_243 = vector.shape_cast %parallel_loop3A_242 : vector<16xi32> to vector<16xi32>
        %parallel_loop3A_244 = arith.subi %broadcast_in_dim3A_81, %parallel_loop3A_243 : vector<16xi32>
        %parallel_loop3A_245 = arith.constant 15 : i32
        %parallel_loop3A_246 = vector.broadcast %parallel_loop3A_245 : i32 to vector<16xi32>
        %parallel_loop3A_247 = arith.shrui %parallel_loop3A_244, %parallel_loop3A_246 : vector<16xi32>
        %parallel_loop3A_248 = vector.broadcast %scan3A_44 : i32 to vector<16xi32>
        %parallel_loop3A_249 = arith.andi %parallel_loop3A_247, %parallel_loop3A_248 : vector<16xi32>
        %parallel_loop3A_250 = arith.addi %parallel_loop3A_202, %parallel_loop3A_249 : vector<16xi32>
        %parallel_loop3A_251 = arith.constant 128 : i32
        %parallel_loop3A_252 = arith.addi %parallel_loop3A_154, %parallel_loop3A_251 : i32
        %parallel_loop3A_253 = arith.index_cast %parallel_loop3A_252 : i32 to index
        %parallel_loop3A_254 = tpu.vector_load %arg7[%parallel_loop3A_253] {strides = array<i32>} : memref<4096xi32, #tpu.memory_space<vmem>>, vector<16xi32>,
        %parallel_loop3A_255 = vector.shape_cast %parallel_loop3A_254 : vector<16xi32> to vector<16xi32>
        %parallel_loop3A_256 = arith.subi %broadcast_in_dim3A_81, %parallel_loop3A_255 : vector<16xi32>
        %parallel_loop3A_257 = arith.constant 15 : i32
        %parallel_loop3A_258 = vector.broadcast %parallel_loop3A_257 : i32 to vector<16xi32>
        %parallel_loop3A_259 = arith.shrui %parallel_loop3A_256, %parallel_loop3A_258 : vector<16xi32>
        %parallel_loop3A_260 = vector.broadcast %scan3A_44 : i32 to vector<16xi32>
        %parallel_loop3A_261 = arith.andi %parallel_loop3A_259, %parallel_loop3A_260 : vector<16xi32>
        %parallel_loop3A_262 = arith.addi %parallel_loop3A_214, %parallel_loop3A_261 : vector<16xi32>
        %parallel_loop3A_263 = arith.constant 144 : i32
        %parallel_loop3A_264 = arith.addi %parallel_loop3A_154, %parallel_loop3A_263 : i32
        %parallel_loop3A_265 = arith.index_cast %parallel_loop3A_264 : i32 to index
        %parallel_loop3A_266 = tpu.vector_load %arg7[%parallel_loop3A_265] {strides = array<i32>} : memref<4096xi32, #tpu.memory_space<vmem>>, vector<16xi32>,
        %parallel_loop3A_267 = vector.shape_cast %parallel_loop3A_266 : vector<16xi32> to vector<16xi32>
        %parallel_loop3A_268 = arith.subi %broadcast_in_dim3A_81, %parallel_loop3A_267 : vector<16xi32>
        %parallel_loop3A_269 = arith.constant 15 : i32
        %parallel_loop3A_270 = vector.broadcast %parallel_loop3A_269 : i32 to vector<16xi32>
        %parallel_loop3A_271 = arith.shrui %parallel_loop3A_268, %parallel_loop3A_270 : vector<16xi32>
        %parallel_loop3A_272 = vector.broadcast %scan3A_44 : i32 to vector<16xi32>
        %parallel_loop3A_273 = arith.andi %parallel_loop3A_271, %parallel_loop3A_272 : vector<16xi32>
        %parallel_loop3A_274 = arith.addi %parallel_loop3A_226, %parallel_loop3A_273 : vector<16xi32>
        %parallel_loop3A_275 = arith.constant 160 : i32
        %parallel_loop3A_276 = arith.addi %parallel_loop3A_154, %parallel_loop3A_275 : i32
        %parallel_loop3A_277 = arith.index_cast %parallel_loop3A_276 : i32 to index
        %parallel_loop3A_278 = tpu.vector_load %arg7[%parallel_loop3A_277] {strides = array<i32>} : memref<4096xi32, #tpu.memory_space<vmem>>, vector<16xi32>,
        %parallel_loop3A_279 = vector.shape_cast %parallel_loop3A_278 : vector<16xi32> to vector<16xi32>
        %parallel_loop3A_280 = arith.subi %broadcast_in_dim3A_81, %parallel_loop3A_279 : vector<16xi32>
        %parallel_loop3A_281 = arith.constant 15 : i32
        %parallel_loop3A_282 = vector.broadcast %parallel_loop3A_281 : i32 to vector<16xi32>
        %parallel_loop3A_283 = arith.shrui %parallel_loop3A_280, %parallel_loop3A_282 : vector<16xi32>
        %parallel_loop3A_284 = vector.broadcast %scan3A_44 : i32 to vector<16xi32>
        %parallel_loop3A_285 = arith.andi %parallel_loop3A_283, %parallel_loop3A_284 : vector<16xi32>
        %parallel_loop3A_286 = arith.addi %parallel_loop3A_238, %parallel_loop3A_285 : vector<16xi32>
        %parallel_loop3A_287 = arith.constant 176 : i32
        %parallel_loop3A_288 = arith.addi %parallel_loop3A_154, %parallel_loop3A_287 : i32
        %parallel_loop3A_289 = arith.index_cast %parallel_loop3A_288 : i32 to index
        %parallel_loop3A_290 = tpu.vector_load %arg7[%parallel_loop3A_289] {strides = array<i32>} : memref<4096xi32, #tpu.memory_space<vmem>>, vector<16xi32>,
        %parallel_loop3A_291 = vector.shape_cast %parallel_loop3A_290 : vector<16xi32> to vector<16xi32>
        %parallel_loop3A_292 = arith.subi %broadcast_in_dim3A_81, %parallel_loop3A_291 : vector<16xi32>
        %parallel_loop3A_293 = arith.constant 15 : i32
        %parallel_loop3A_294 = vector.broadcast %parallel_loop3A_293 : i32 to vector<16xi32>
        %parallel_loop3A_295 = arith.shrui %parallel_loop3A_292, %parallel_loop3A_294 : vector<16xi32>
        %parallel_loop3A_296 = vector.broadcast %scan3A_44 : i32 to vector<16xi32>
        %parallel_loop3A_297 = arith.andi %parallel_loop3A_295, %parallel_loop3A_296 : vector<16xi32>
        %parallel_loop3A_298 = arith.addi %parallel_loop3A_250, %parallel_loop3A_297 : vector<16xi32>
        %parallel_loop3A_299 = arith.constant 192 : i32
        %parallel_loop3A_300 = arith.addi %parallel_loop3A_154, %parallel_loop3A_299 : i32
        %parallel_loop3A_301 = arith.index_cast %parallel_loop3A_300 : i32 to index
        %parallel_loop3A_302 = tpu.vector_load %arg7[%parallel_loop3A_301] {strides = array<i32>} : memref<4096xi32, #tpu.memory_space<vmem>>, vector<16xi32>,
        %parallel_loop3A_303 = vector.shape_cast %parallel_loop3A_302 : vector<16xi32> to vector<16xi32>
        %parallel_loop3A_304 = arith.subi %broadcast_in_dim3A_81, %parallel_loop3A_303 : vector<16xi32>
        %parallel_loop3A_305 = arith.constant 15 : i32
        %parallel_loop3A_306 = vector.broadcast %parallel_loop3A_305 : i32 to vector<16xi32>
        %parallel_loop3A_307 = arith.shrui %parallel_loop3A_304, %parallel_loop3A_306 : vector<16xi32>
        %parallel_loop3A_308 = vector.broadcast %scan3A_44 : i32 to vector<16xi32>
        %parallel_loop3A_309 = arith.andi %parallel_loop3A_307, %parallel_loop3A_308 : vector<16xi32>
        %parallel_loop3A_310 = arith.addi %parallel_loop3A_262, %parallel_loop3A_309 : vector<16xi32>
        %parallel_loop3A_311 = arith.constant 208 : i32
        %parallel_loop3A_312 = arith.addi %parallel_loop3A_154, %parallel_loop3A_311 : i32
        %parallel_loop3A_313 = arith.index_cast %parallel_loop3A_312 : i32 to index
        %parallel_loop3A_314 = tpu.vector_load %arg7[%parallel_loop3A_313] {strides = array<i32>} : memref<4096xi32, #tpu.memory_space<vmem>>, vector<16xi32>,
        %parallel_loop3A_315 = vector.shape_cast %parallel_loop3A_314 : vector<16xi32> to vector<16xi32>
        %parallel_loop3A_316 = arith.subi %broadcast_in_dim3A_81, %parallel_loop3A_315 : vector<16xi32>
        %parallel_loop3A_317 = arith.constant 15 : i32
        %parallel_loop3A_318 = vector.broadcast %parallel_loop3A_317 : i32 to vector<16xi32>
        %parallel_loop3A_319 = arith.shrui %parallel_loop3A_316, %parallel_loop3A_318 : vector<16xi32>
        %parallel_loop3A_320 = vector.broadcast %scan3A_44 : i32 to vector<16xi32>
        %parallel_loop3A_321 = arith.andi %parallel_loop3A_319, %parallel_loop3A_320 : vector<16xi32>
        %parallel_loop3A_322 = arith.addi %parallel_loop3A_274, %parallel_loop3A_321 : vector<16xi32>
        %parallel_loop3A_323 = arith.constant 224 : i32
        %parallel_loop3A_324 = arith.addi %parallel_loop3A_154, %parallel_loop3A_323 : i32
        %parallel_loop3A_325 = arith.index_cast %parallel_loop3A_324 : i32 to index
        %parallel_loop3A_326 = tpu.vector_load %arg7[%parallel_loop3A_325] {strides = array<i32>} : memref<4096xi32, #tpu.memory_space<vmem>>, vector<16xi32>,
        %parallel_loop3A_327 = vector.shape_cast %parallel_loop3A_326 : vector<16xi32> to vector<16xi32>
        %parallel_loop3A_328 = arith.subi %broadcast_in_dim3A_81, %parallel_loop3A_327 : vector<16xi32>
        %parallel_loop3A_329 = arith.constant 15 : i32
        %parallel_loop3A_330 = vector.broadcast %parallel_loop3A_329 : i32 to vector<16xi32>
        %parallel_loop3A_331 = arith.shrui %parallel_loop3A_328, %parallel_loop3A_330 : vector<16xi32>
        %parallel_loop3A_332 = vector.broadcast %scan3A_44 : i32 to vector<16xi32>
        %parallel_loop3A_333 = arith.andi %parallel_loop3A_331, %parallel_loop3A_332 : vector<16xi32>
        %parallel_loop3A_334 = arith.addi %parallel_loop3A_286, %parallel_loop3A_333 : vector<16xi32>
        %parallel_loop3A_335 = arith.constant 240 : i32
        %parallel_loop3A_336 = arith.addi %parallel_loop3A_154, %parallel_loop3A_335 : i32
        %parallel_loop3A_337 = arith.index_cast %parallel_loop3A_336 : i32 to index
        %parallel_loop3A_338 = tpu.vector_load %arg7[%parallel_loop3A_337] {strides = array<i32>} : memref<4096xi32, #tpu.memory_space<vmem>>, vector<16xi32>,
        %parallel_loop3A_339 = vector.shape_cast %parallel_loop3A_338 : vector<16xi32> to vector<16xi32>
        %parallel_loop3A_340 = arith.subi %broadcast_in_dim3A_81, %parallel_loop3A_339 : vector<16xi32>
        %parallel_loop3A_341 = arith.constant 15 : i32
        %parallel_loop3A_342 = vector.broadcast %parallel_loop3A_341 : i32 to vector<16xi32>
        %parallel_loop3A_343 = arith.shrui %parallel_loop3A_340, %parallel_loop3A_342 : vector<16xi32>
        %parallel_loop3A_344 = vector.broadcast %scan3A_44 : i32 to vector<16xi32>
        %parallel_loop3A_345 = arith.andi %parallel_loop3A_343, %parallel_loop3A_344 : vector<16xi32>
        %parallel_loop3A_346 = arith.addi %parallel_loop3A_298, %parallel_loop3A_345 : vector<16xi32>
        scf.yield %parallel_loop3A_310, %parallel_loop3A_322, %parallel_loop3A_334, %parallel_loop3A_346 : vector<16xi32>, vector<16xi32>, vector<16xi32>, vector<16xi32>
      } {sc.loop_unroll_factor = 1 : i64, sc.parallel_access}
      %add3A_85 = arith.addi %parallel_loop3A_84#0, %parallel_loop3A_84#1 : vector<16xi32>
      %add3A_86 = arith.addi %parallel_loop3A_84#2, %parallel_loop3A_84#3 : vector<16xi32>
      %add3A_87 = arith.addi %add3A_85, %add3A_86 : vector<16xi32>
      %and3A_88 = arith.constant 65535 : i32
      %and3A_89 = vector.broadcast %and3A_88 : i32 to vector<16xi32>
      %and3A_90 = arith.andi %add3A_87, %and3A_89 : vector<16xi32>
      %shift_right_logical3A_91 = arith.constant 16 : i32
      %shift_right_logical3A_92 = vector.broadcast %shift_right_logical3A_91 : i32 to vector<16xi32>
      %shift_right_logical3A_93 = arith.shrui %add3A_87, %shift_right_logical3A_92 : vector<16xi32>
      %add3A_94 = arith.addi %and3A_90, %shift_right_logical3A_93 : vector<16xi32>
      %slice3A_95 = vector.extract_strided_slice %add3A_94 {offsets = [0], sizes = [1], strides = [1]} : vector<16xi32> to vector<1xi32>
      %squeeze3A_96 = vector.extract %slice3A_95[0] : i32 from vector<1xi32>
      %slice3A_97 = vector.extract_strided_slice %add3A_94 {offsets = [1], sizes = [1], strides = [1]} : vector<16xi32> to vector<1xi32>
      %squeeze3A_98 = vector.extract %slice3A_97[0] : i32 from vector<1xi32>
      %add3A_99 = arith.addi %squeeze3A_96, %squeeze3A_98 : i32
      %slice3A_100 = vector.extract_strided_slice %add3A_94 {offsets = [2], sizes = [1], strides = [1]} : vector<16xi32> to vector<1xi32>
      %squeeze3A_101 = vector.extract %slice3A_100[0] : i32 from vector<1xi32>
      %add3A_102 = arith.addi %add3A_99, %squeeze3A_101 : i32
      %slice3A_103 = vector.extract_strided_slice %add3A_94 {offsets = [3], sizes = [1], strides = [1]} : vector<16xi32> to vector<1xi32>
      %squeeze3A_104 = vector.extract %slice3A_103[0] : i32 from vector<1xi32>
      %add3A_105 = arith.addi %add3A_102, %squeeze3A_104 : i32
      %slice3A_106 = vector.extract_strided_slice %add3A_94 {offsets = [4], sizes = [1], strides = [1]} : vector<16xi32> to vector<1xi32>
      %squeeze3A_107 = vector.extract %slice3A_106[0] : i32 from vector<1xi32>
      %add3A_108 = arith.addi %add3A_105, %squeeze3A_107 : i32
      %slice3A_109 = vector.extract_strided_slice %add3A_94 {offsets = [5], sizes = [1], strides = [1]} : vector<16xi32> to vector<1xi32>
      %squeeze3A_110 = vector.extract %slice3A_109[0] : i32 from vector<1xi32>
      %add3A_111 = arith.addi %add3A_108, %squeeze3A_110 : i32
      %slice3A_112 = vector.extract_strided_slice %add3A_94 {offsets = [6], sizes = [1], strides = [1]} : vector<16xi32> to vector<1xi32>
      %squeeze3A_113 = vector.extract %slice3A_112[0] : i32 from vector<1xi32>
      %add3A_114 = arith.addi %add3A_111, %squeeze3A_113 : i32
      %slice3A_115 = vector.extract_strided_slice %add3A_94 {offsets = [7], sizes = [1], strides = [1]} : vector<16xi32> to vector<1xi32>
      %squeeze3A_116 = vector.extract %slice3A_115[0] : i32 from vector<1xi32>
      %add3A_117 = arith.addi %add3A_114, %squeeze3A_116 : i32
      %slice3A_118 = vector.extract_strided_slice %add3A_94 {offsets = [8], sizes = [1], strides = [1]} : vector<16xi32> to vector<1xi32>
      %squeeze3A_119 = vector.extract %slice3A_118[0] : i32 from vector<1xi32>
      %add3A_120 = arith.addi %add3A_117, %squeeze3A_119 : i32
      %slice3A_121 = vector.extract_strided_slice %add3A_94 {offsets = [9], sizes = [1], strides = [1]} : vector<16xi32> to vector<1xi32>
      %squeeze3A_122 = vector.extract %slice3A_121[0] : i32 from vector<1xi32>
      %add3A_123 = arith.addi %add3A_120, %squeeze3A_122 : i32
      %slice3A_124 = vector.extract_strided_slice %add3A_94 {offsets = [10], sizes = [1], strides = [1]} : vector<16xi32> to vector<1xi32>
      %squeeze3A_125 = vector.extract %slice3A_124[0] : i32 from vector<1xi32>
      %add3A_126 = arith.addi %add3A_123, %squeeze3A_125 : i32
      %slice3A_127 = vector.extract_strided_slice %add3A_94 {offsets = [11], sizes = [1], strides = [1]} : vector<16xi32> to vector<1xi32>
      %squeeze3A_128 = vector.extract %slice3A_127[0] : i32 from vector<1xi32>
      %add3A_129 = arith.addi %add3A_126, %squeeze3A_128 : i32
      %slice3A_130 = vector.extract_strided_slice %add3A_94 {offsets = [12], sizes = [1], strides = [1]} : vector<16xi32> to vector<1xi32>
      %squeeze3A_131 = vector.extract %slice3A_130[0] : i32 from vector<1xi32>
      %add3A_132 = arith.addi %add3A_129, %squeeze3A_131 : i32
      %slice3A_133 = vector.extract_strided_slice %add3A_94 {offsets = [13], sizes = [1], strides = [1]} : vector<16xi32> to vector<1xi32>
      %squeeze3A_134 = vector.extract %slice3A_133[0] : i32 from vector<1xi32>
      %add3A_135 = arith.addi %add3A_132, %squeeze3A_134 : i32
      %slice3A_136 = vector.extract_strided_slice %add3A_94 {offsets = [14], sizes = [1], strides = [1]} : vector<16xi32> to vector<1xi32>
      %squeeze3A_137 = vector.extract %slice3A_136[0] : i32 from vector<1xi32>
      %add3A_138 = arith.addi %add3A_135, %squeeze3A_137 : i32
      %slice3A_139 = vector.extract_strided_slice %add3A_94 {offsets = [15], sizes = [1], strides = [1]} : vector<16xi32> to vector<1xi32>
      %squeeze3A_140 = vector.extract %slice3A_139[0] : i32 from vector<1xi32>
      %add3A_141 = arith.addi %add3A_138, %squeeze3A_140 : i32
      %add3A_142 = arith.constant 1 : i32
      %add3A_143 = arith.addi %select_n3A_43, %add3A_142 : i32
      %ge3A = arith.cmpi sge, %add3A_141, %add3A_143 : i32
      %add3A_144 = arith.constant 1 : i32
      %add3A_145 = arith.addi %add3A_77, %add3A_144 : i32
      %select_n3A_146 = arith.select %ge3A, %scan3A_73, %add3A_145 : i32
      %select_n3A_147 = arith.select %ge3A, %add3A_77, %scan3A_74 : i32
      scf.yield %select_n3A_146, %select_n3A_147 : i32, i32
    }
    %scan3A_52 = arith.constant 15 : i32
    %shift_left3A = arith.constant 16 : i32
    %shift_left3A_53 = arith.shli %scan3A_51#0, %shift_left3A : i32
    %shift_left3A_54 = arith.constant 16 : i32
    %shift_left3A_55 = arith.shli %scan3A_51#0, %shift_left3A_54 : i32
    %add3A_56 = arith.constant 65535 : i32
    %add3A_57 = arith.addi %shift_left3A_55, %add3A_56 : i32
    %scan3A_58 = arith.constant 0 : i32
    %scan3A_59 = arith.constant 16 : i32
    %scan3A_60 = arith.addi %scan3A_58, %scan3A_59 : i32
    %scan3A_61 = arith.constant 1 : i32
    %scan3A_62:2 = scf.for %scan3A_72 = %scan3A_58 to %scan3A_60 step %scan3A_61 iter_args(%scan3A_73 = %shift_left3A_53, %scan3A_74 = %add3A_57) -> (i32, i32)  : i32 {
      %sub3A_75 = arith.subi %scan3A_74, %scan3A_73 : i32
      %shift_right_logical3A = arith.constant 1 : i32
      %shift_right_logical3A_76 = arith.shrui %sub3A_75, %shift_right_logical3A : i32
      %add3A_77 = arith.addi %scan3A_73, %shift_right_logical3A_76 : i32
      %parallel_loop3A = arith.constant 0 : i32
      %parallel_loop3A_78 = arith.constant 32 : i32
      %parallel_loop3A_79 = arith.constant 1 : i32
      %parallel_loop3A_80:4 = scf.for %parallel_loop3A_137 = %parallel_loop3A to %parallel_loop3A_78 step %parallel_loop3A_79 iter_args(%parallel_loop3A_138 = %broadcast_in_dim3A_3, %parallel_loop3A_139 = %broadcast_in_dim3A_3, %parallel_loop3A_140 = %broadcast_in_dim3A_3, %parallel_loop3A_141 = %broadcast_in_dim3A_3) -> (vector<16xi32>, vector<16xi32>, vector<16xi32>, vector<16xi32>)  : i32 {
        %parallel_loop3A_142 = arith.constant 256 : i32
        %parallel_loop3A_143 = arith.muli %parallel_loop3A_137, %parallel_loop3A_142 : i32
        %parallel_loop3A_144 = arith.constant 0 : i32
        %parallel_loop3A_145 = arith.addi %parallel_loop3A_143, %parallel_loop3A_144 : i32
        %parallel_loop3A_146 = arith.index_cast %parallel_loop3A_145 : i32 to index
        %parallel_loop3A_147 = tpu.vector_load %arg6[%parallel_loop3A_146] {strides = array<i32>} : memref<8192xi32, #tpu.memory_space<vmem>>, vector<16xi32>,
        %parallel_loop3A_148 = vector.shape_cast %parallel_loop3A_147 : vector<16xi32> to vector<16xi32>
        %parallel_loop3A_149 = vector.broadcast %add3A_77 : i32 to vector<16xi32>
        %parallel_loop3A_150 = arith.cmpi sle, %parallel_loop3A_148, %parallel_loop3A_149 : vector<16xi32>
        %parallel_loop3A_151 = arith.select %parallel_loop3A_150, %broadcast_in_dim3A_1, %broadcast_in_dim3A_3 : vector<16xi1>, vector<16xi32>
        %parallel_loop3A_152 = arith.addi %parallel_loop3A_138, %parallel_loop3A_151 : vector<16xi32>
        %parallel_loop3A_153 = arith.constant 16 : i32
        %parallel_loop3A_154 = arith.addi %parallel_loop3A_143, %parallel_loop3A_153 : i32
        %parallel_loop3A_155 = arith.index_cast %parallel_loop3A_154 : i32 to index
        %parallel_loop3A_156 = tpu.vector_load %arg6[%parallel_loop3A_155] {strides = array<i32>} : memref<8192xi32, #tpu.memory_space<vmem>>, vector<16xi32>,
        %parallel_loop3A_157 = vector.shape_cast %parallel_loop3A_156 : vector<16xi32> to vector<16xi32>
        %parallel_loop3A_158 = vector.broadcast %add3A_77 : i32 to vector<16xi32>
        %parallel_loop3A_159 = arith.cmpi sle, %parallel_loop3A_157, %parallel_loop3A_158 : vector<16xi32>
        %parallel_loop3A_160 = arith.select %parallel_loop3A_159, %broadcast_in_dim3A_1, %broadcast_in_dim3A_3 : vector<16xi1>, vector<16xi32>
        %parallel_loop3A_161 = arith.addi %parallel_loop3A_139, %parallel_loop3A_160 : vector<16xi32>
        %parallel_loop3A_162 = arith.constant 32 : i32
        %parallel_loop3A_163 = arith.addi %parallel_loop3A_143, %parallel_loop3A_162 : i32
        %parallel_loop3A_164 = arith.index_cast %parallel_loop3A_163 : i32 to index
        %parallel_loop3A_165 = tpu.vector_load %arg6[%parallel_loop3A_164] {strides = array<i32>} : memref<8192xi32, #tpu.memory_space<vmem>>, vector<16xi32>,
        %parallel_loop3A_166 = vector.shape_cast %parallel_loop3A_165 : vector<16xi32> to vector<16xi32>
        %parallel_loop3A_167 = vector.broadcast %add3A_77 : i32 to vector<16xi32>
        %parallel_loop3A_168 = arith.cmpi sle, %parallel_loop3A_166, %parallel_loop3A_167 : vector<16xi32>
        %parallel_loop3A_169 = arith.select %parallel_loop3A_168, %broadcast_in_dim3A_1, %broadcast_in_dim3A_3 : vector<16xi1>, vector<16xi32>
        %parallel_loop3A_170 = arith.addi %parallel_loop3A_140, %parallel_loop3A_169 : vector<16xi32>
        %parallel_loop3A_171 = arith.constant 48 : i32
        %parallel_loop3A_172 = arith.addi %parallel_loop3A_143, %parallel_loop3A_171 : i32
        %parallel_loop3A_173 = arith.index_cast %parallel_loop3A_172 : i32 to index
        %parallel_loop3A_174 = tpu.vector_load %arg6[%parallel_loop3A_173] {strides = array<i32>} : memref<8192xi32, #tpu.memory_space<vmem>>, vector<16xi32>,
        %parallel_loop3A_175 = vector.shape_cast %parallel_loop3A_174 : vector<16xi32> to vector<16xi32>
        %parallel_loop3A_176 = vector.broadcast %add3A_77 : i32 to vector<16xi32>
        %parallel_loop3A_177 = arith.cmpi sle, %parallel_loop3A_175, %parallel_loop3A_176 : vector<16xi32>
        %parallel_loop3A_178 = arith.select %parallel_loop3A_177, %broadcast_in_dim3A_1, %broadcast_in_dim3A_3 : vector<16xi1>, vector<16xi32>
        %parallel_loop3A_179 = arith.addi %parallel_loop3A_141, %parallel_loop3A_178 : vector<16xi32>
        %parallel_loop3A_180 = arith.constant 64 : i32
        %parallel_loop3A_181 = arith.addi %parallel_loop3A_143, %parallel_loop3A_180 : i32
        %parallel_loop3A_182 = arith.index_cast %parallel_loop3A_181 : i32 to index
        %parallel_loop3A_183 = tpu.vector_load %arg6[%parallel_loop3A_182] {strides = array<i32>} : memref<8192xi32, #tpu.memory_space<vmem>>, vector<16xi32>,
        %parallel_loop3A_184 = vector.shape_cast %parallel_loop3A_183 : vector<16xi32> to vector<16xi32>
        %parallel_loop3A_185 = vector.broadcast %add3A_77 : i32 to vector<16xi32>
        %parallel_loop3A_186 = arith.cmpi sle, %parallel_loop3A_184, %parallel_loop3A_185 : vector<16xi32>
        %parallel_loop3A_187 = arith.select %parallel_loop3A_186, %broadcast_in_dim3A_1, %broadcast_in_dim3A_3 : vector<16xi1>, vector<16xi32>
        %parallel_loop3A_188 = arith.addi %parallel_loop3A_152, %parallel_loop3A_187 : vector<16xi32>
        %parallel_loop3A_189 = arith.constant 80 : i32
        %parallel_loop3A_190 = arith.addi %parallel_loop3A_143, %parallel_loop3A_189 : i32
        %parallel_loop3A_191 = arith.index_cast %parallel_loop3A_190 : i32 to index
        %parallel_loop3A_192 = tpu.vector_load %arg6[%parallel_loop3A_191] {strides = array<i32>} : memref<8192xi32, #tpu.memory_space<vmem>>, vector<16xi32>,
        %parallel_loop3A_193 = vector.shape_cast %parallel_loop3A_192 : vector<16xi32> to vector<16xi32>
        %parallel_loop3A_194 = vector.broadcast %add3A_77 : i32 to vector<16xi32>
        %parallel_loop3A_195 = arith.cmpi sle, %parallel_loop3A_193, %parallel_loop3A_194 : vector<16xi32>
        %parallel_loop3A_196 = arith.select %parallel_loop3A_195, %broadcast_in_dim3A_1, %broadcast_in_dim3A_3 : vector<16xi1>, vector<16xi32>
        %parallel_loop3A_197 = arith.addi %parallel_loop3A_161, %parallel_loop3A_196 : vector<16xi32>
        %parallel_loop3A_198 = arith.constant 96 : i32
        %parallel_loop3A_199 = arith.addi %parallel_loop3A_143, %parallel_loop3A_198 : i32
        %parallel_loop3A_200 = arith.index_cast %parallel_loop3A_199 : i32 to index
        %parallel_loop3A_201 = tpu.vector_load %arg6[%parallel_loop3A_200] {strides = array<i32>} : memref<8192xi32, #tpu.memory_space<vmem>>, vector<16xi32>,
        %parallel_loop3A_202 = vector.shape_cast %parallel_loop3A_201 : vector<16xi32> to vector<16xi32>
        %parallel_loop3A_203 = vector.broadcast %add3A_77 : i32 to vector<16xi32>
        %parallel_loop3A_204 = arith.cmpi sle, %parallel_loop3A_202, %parallel_loop3A_203 : vector<16xi32>
        %parallel_loop3A_205 = arith.select %parallel_loop3A_204, %broadcast_in_dim3A_1, %broadcast_in_dim3A_3 : vector<16xi1>, vector<16xi32>
        %parallel_loop3A_206 = arith.addi %parallel_loop3A_170, %parallel_loop3A_205 : vector<16xi32>
        %parallel_loop3A_207 = arith.constant 112 : i32
        %parallel_loop3A_208 = arith.addi %parallel_loop3A_143, %parallel_loop3A_207 : i32
        %parallel_loop3A_209 = arith.index_cast %parallel_loop3A_208 : i32 to index
        %parallel_loop3A_210 = tpu.vector_load %arg6[%parallel_loop3A_209] {strides = array<i32>} : memref<8192xi32, #tpu.memory_space<vmem>>, vector<16xi32>,
        %parallel_loop3A_211 = vector.shape_cast %parallel_loop3A_210 : vector<16xi32> to vector<16xi32>
        %parallel_loop3A_212 = vector.broadcast %add3A_77 : i32 to vector<16xi32>
        %parallel_loop3A_213 = arith.cmpi sle, %parallel_loop3A_211, %parallel_loop3A_212 : vector<16xi32>
        %parallel_loop3A_214 = arith.select %parallel_loop3A_213, %broadcast_in_dim3A_1, %broadcast_in_dim3A_3 : vector<16xi1>, vector<16xi32>
        %parallel_loop3A_215 = arith.addi %parallel_loop3A_179, %parallel_loop3A_214 : vector<16xi32>
        %parallel_loop3A_216 = arith.constant 128 : i32
        %parallel_loop3A_217 = arith.addi %parallel_loop3A_143, %parallel_loop3A_216 : i32
        %parallel_loop3A_218 = arith.index_cast %parallel_loop3A_217 : i32 to index
        %parallel_loop3A_219 = tpu.vector_load %arg6[%parallel_loop3A_218] {strides = array<i32>} : memref<8192xi32, #tpu.memory_space<vmem>>, vector<16xi32>,
        %parallel_loop3A_220 = vector.shape_cast %parallel_loop3A_219 : vector<16xi32> to vector<16xi32>
        %parallel_loop3A_221 = vector.broadcast %add3A_77 : i32 to vector<16xi32>
        %parallel_loop3A_222 = arith.cmpi sle, %parallel_loop3A_220, %parallel_loop3A_221 : vector<16xi32>
        %parallel_loop3A_223 = arith.select %parallel_loop3A_222, %broadcast_in_dim3A_1, %broadcast_in_dim3A_3 : vector<16xi1>, vector<16xi32>
        %parallel_loop3A_224 = arith.addi %parallel_loop3A_188, %parallel_loop3A_223 : vector<16xi32>
        %parallel_loop3A_225 = arith.constant 144 : i32
        %parallel_loop3A_226 = arith.addi %parallel_loop3A_143, %parallel_loop3A_225 : i32
        %parallel_loop3A_227 = arith.index_cast %parallel_loop3A_226 : i32 to index
        %parallel_loop3A_228 = tpu.vector_load %arg6[%parallel_loop3A_227] {strides = array<i32>} : memref<8192xi32, #tpu.memory_space<vmem>>, vector<16xi32>,
        %parallel_loop3A_229 = vector.shape_cast %parallel_loop3A_228 : vector<16xi32> to vector<16xi32>
        %parallel_loop3A_230 = vector.broadcast %add3A_77 : i32 to vector<16xi32>
        %parallel_loop3A_231 = arith.cmpi sle, %parallel_loop3A_229, %parallel_loop3A_230 : vector<16xi32>
        %parallel_loop3A_232 = arith.select %parallel_loop3A_231, %broadcast_in_dim3A_1, %broadcast_in_dim3A_3 : vector<16xi1>, vector<16xi32>
        %parallel_loop3A_233 = arith.addi %parallel_loop3A_197, %parallel_loop3A_232 : vector<16xi32>
        %parallel_loop3A_234 = arith.constant 160 : i32
        %parallel_loop3A_235 = arith.addi %parallel_loop3A_143, %parallel_loop3A_234 : i32
        %parallel_loop3A_236 = arith.index_cast %parallel_loop3A_235 : i32 to index
        %parallel_loop3A_237 = tpu.vector_load %arg6[%parallel_loop3A_236] {strides = array<i32>} : memref<8192xi32, #tpu.memory_space<vmem>>, vector<16xi32>,
        %parallel_loop3A_238 = vector.shape_cast %parallel_loop3A_237 : vector<16xi32> to vector<16xi32>
        %parallel_loop3A_239 = vector.broadcast %add3A_77 : i32 to vector<16xi32>
        %parallel_loop3A_240 = arith.cmpi sle, %parallel_loop3A_238, %parallel_loop3A_239 : vector<16xi32>
        %parallel_loop3A_241 = arith.select %parallel_loop3A_240, %broadcast_in_dim3A_1, %broadcast_in_dim3A_3 : vector<16xi1>, vector<16xi32>
        %parallel_loop3A_242 = arith.addi %parallel_loop3A_206, %parallel_loop3A_241 : vector<16xi32>
        %parallel_loop3A_243 = arith.constant 176 : i32
        %parallel_loop3A_244 = arith.addi %parallel_loop3A_143, %parallel_loop3A_243 : i32
        %parallel_loop3A_245 = arith.index_cast %parallel_loop3A_244 : i32 to index
        %parallel_loop3A_246 = tpu.vector_load %arg6[%parallel_loop3A_245] {strides = array<i32>} : memref<8192xi32, #tpu.memory_space<vmem>>, vector<16xi32>,
        %parallel_loop3A_247 = vector.shape_cast %parallel_loop3A_246 : vector<16xi32> to vector<16xi32>
        %parallel_loop3A_248 = vector.broadcast %add3A_77 : i32 to vector<16xi32>
        %parallel_loop3A_249 = arith.cmpi sle, %parallel_loop3A_247, %parallel_loop3A_248 : vector<16xi32>
        %parallel_loop3A_250 = arith.select %parallel_loop3A_249, %broadcast_in_dim3A_1, %broadcast_in_dim3A_3 : vector<16xi1>, vector<16xi32>
        %parallel_loop3A_251 = arith.addi %parallel_loop3A_215, %parallel_loop3A_250 : vector<16xi32>
        %parallel_loop3A_252 = arith.constant 192 : i32
        %parallel_loop3A_253 = arith.addi %parallel_loop3A_143, %parallel_loop3A_252 : i32
        %parallel_loop3A_254 = arith.index_cast %parallel_loop3A_253 : i32 to index
        %parallel_loop3A_255 = tpu.vector_load %arg6[%parallel_loop3A_254] {strides = array<i32>} : memref<8192xi32, #tpu.memory_space<vmem>>, vector<16xi32>,
        %parallel_loop3A_256 = vector.shape_cast %parallel_loop3A_255 : vector<16xi32> to vector<16xi32>
        %parallel_loop3A_257 = vector.broadcast %add3A_77 : i32 to vector<16xi32>
        %parallel_loop3A_258 = arith.cmpi sle, %parallel_loop3A_256, %parallel_loop3A_257 : vector<16xi32>
        %parallel_loop3A_259 = arith.select %parallel_loop3A_258, %broadcast_in_dim3A_1, %broadcast_in_dim3A_3 : vector<16xi1>, vector<16xi32>
        %parallel_loop3A_260 = arith.addi %parallel_loop3A_224, %parallel_loop3A_259 : vector<16xi32>
        %parallel_loop3A_261 = arith.constant 208 : i32
        %parallel_loop3A_262 = arith.addi %parallel_loop3A_143, %parallel_loop3A_261 : i32
        %parallel_loop3A_263 = arith.index_cast %parallel_loop3A_262 : i32 to index
        %parallel_loop3A_264 = tpu.vector_load %arg6[%parallel_loop3A_263] {strides = array<i32>} : memref<8192xi32, #tpu.memory_space<vmem>>, vector<16xi32>,
        %parallel_loop3A_265 = vector.shape_cast %parallel_loop3A_264 : vector<16xi32> to vector<16xi32>
        %parallel_loop3A_266 = vector.broadcast %add3A_77 : i32 to vector<16xi32>
        %parallel_loop3A_267 = arith.cmpi sle, %parallel_loop3A_265, %parallel_loop3A_266 : vector<16xi32>
        %parallel_loop3A_268 = arith.select %parallel_loop3A_267, %broadcast_in_dim3A_1, %broadcast_in_dim3A_3 : vector<16xi1>, vector<16xi32>
        %parallel_loop3A_269 = arith.addi %parallel_loop3A_233, %parallel_loop3A_268 : vector<16xi32>
        %parallel_loop3A_270 = arith.constant 224 : i32
        %parallel_loop3A_271 = arith.addi %parallel_loop3A_143, %parallel_loop3A_270 : i32
        %parallel_loop3A_272 = arith.index_cast %parallel_loop3A_271 : i32 to index
        %parallel_loop3A_273 = tpu.vector_load %arg6[%parallel_loop3A_272] {strides = array<i32>} : memref<8192xi32, #tpu.memory_space<vmem>>, vector<16xi32>,
        %parallel_loop3A_274 = vector.shape_cast %parallel_loop3A_273 : vector<16xi32> to vector<16xi32>
        %parallel_loop3A_275 = vector.broadcast %add3A_77 : i32 to vector<16xi32>
        %parallel_loop3A_276 = arith.cmpi sle, %parallel_loop3A_274, %parallel_loop3A_275 : vector<16xi32>
        %parallel_loop3A_277 = arith.select %parallel_loop3A_276, %broadcast_in_dim3A_1, %broadcast_in_dim3A_3 : vector<16xi1>, vector<16xi32>
        %parallel_loop3A_278 = arith.addi %parallel_loop3A_242, %parallel_loop3A_277 : vector<16xi32>
        %parallel_loop3A_279 = arith.constant 240 : i32
        %parallel_loop3A_280 = arith.addi %parallel_loop3A_143, %parallel_loop3A_279 : i32
        %parallel_loop3A_281 = arith.index_cast %parallel_loop3A_280 : i32 to index
        %parallel_loop3A_282 = tpu.vector_load %arg6[%parallel_loop3A_281] {strides = array<i32>} : memref<8192xi32, #tpu.memory_space<vmem>>, vector<16xi32>,
        %parallel_loop3A_283 = vector.shape_cast %parallel_loop3A_282 : vector<16xi32> to vector<16xi32>
        %parallel_loop3A_284 = vector.broadcast %add3A_77 : i32 to vector<16xi32>
        %parallel_loop3A_285 = arith.cmpi sle, %parallel_loop3A_283, %parallel_loop3A_284 : vector<16xi32>
        %parallel_loop3A_286 = arith.select %parallel_loop3A_285, %broadcast_in_dim3A_1, %broadcast_in_dim3A_3 : vector<16xi1>, vector<16xi32>
        %parallel_loop3A_287 = arith.addi %parallel_loop3A_251, %parallel_loop3A_286 : vector<16xi32>
        scf.yield %parallel_loop3A_260, %parallel_loop3A_269, %parallel_loop3A_278, %parallel_loop3A_287 : vector<16xi32>, vector<16xi32>, vector<16xi32>, vector<16xi32>
      } {sc.loop_unroll_factor = 1 : i64, sc.parallel_access}
      %add3A_81 = arith.addi %parallel_loop3A_80#0, %parallel_loop3A_80#1 : vector<16xi32>
      %add3A_82 = arith.addi %parallel_loop3A_80#2, %parallel_loop3A_80#3 : vector<16xi32>
      %add3A_83 = arith.addi %add3A_81, %add3A_82 : vector<16xi32>
      %slice3A_84 = vector.extract_strided_slice %add3A_83 {offsets = [0], sizes = [1], strides = [1]} : vector<16xi32> to vector<1xi32>
      %squeeze3A_85 = vector.extract %slice3A_84[0] : i32 from vector<1xi32>
      %slice3A_86 = vector.extract_strided_slice %add3A_83 {offsets = [1], sizes = [1], strides = [1]} : vector<16xi32> to vector<1xi32>
      %squeeze3A_87 = vector.extract %slice3A_86[0] : i32 from vector<1xi32>
      %add3A_88 = arith.addi %squeeze3A_85, %squeeze3A_87 : i32
      %slice3A_89 = vector.extract_strided_slice %add3A_83 {offsets = [2], sizes = [1], strides = [1]} : vector<16xi32> to vector<1xi32>
      %squeeze3A_90 = vector.extract %slice3A_89[0] : i32 from vector<1xi32>
      %add3A_91 = arith.addi %add3A_88, %squeeze3A_90 : i32
      %slice3A_92 = vector.extract_strided_slice %add3A_83 {offsets = [3], sizes = [1], strides = [1]} : vector<16xi32> to vector<1xi32>
      %squeeze3A_93 = vector.extract %slice3A_92[0] : i32 from vector<1xi32>
      %add3A_94 = arith.addi %add3A_91, %squeeze3A_93 : i32
      %slice3A_95 = vector.extract_strided_slice %add3A_83 {offsets = [4], sizes = [1], strides = [1]} : vector<16xi32> to vector<1xi32>
      %squeeze3A_96 = vector.extract %slice3A_95[0] : i32 from vector<1xi32>
      %add3A_97 = arith.addi %add3A_94, %squeeze3A_96 : i32
      %slice3A_98 = vector.extract_strided_slice %add3A_83 {offsets = [5], sizes = [1], strides = [1]} : vector<16xi32> to vector<1xi32>
      %squeeze3A_99 = vector.extract %slice3A_98[0] : i32 from vector<1xi32>
      %add3A_100 = arith.addi %add3A_97, %squeeze3A_99 : i32
      %slice3A_101 = vector.extract_strided_slice %add3A_83 {offsets = [6], sizes = [1], strides = [1]} : vector<16xi32> to vector<1xi32>
      %squeeze3A_102 = vector.extract %slice3A_101[0] : i32 from vector<1xi32>
      %add3A_103 = arith.addi %add3A_100, %squeeze3A_102 : i32
      %slice3A_104 = vector.extract_strided_slice %add3A_83 {offsets = [7], sizes = [1], strides = [1]} : vector<16xi32> to vector<1xi32>
      %squeeze3A_105 = vector.extract %slice3A_104[0] : i32 from vector<1xi32>
      %add3A_106 = arith.addi %add3A_103, %squeeze3A_105 : i32
      %slice3A_107 = vector.extract_strided_slice %add3A_83 {offsets = [8], sizes = [1], strides = [1]} : vector<16xi32> to vector<1xi32>
      %squeeze3A_108 = vector.extract %slice3A_107[0] : i32 from vector<1xi32>
      %add3A_109 = arith.addi %add3A_106, %squeeze3A_108 : i32
      %slice3A_110 = vector.extract_strided_slice %add3A_83 {offsets = [9], sizes = [1], strides = [1]} : vector<16xi32> to vector<1xi32>
      %squeeze3A_111 = vector.extract %slice3A_110[0] : i32 from vector<1xi32>
      %add3A_112 = arith.addi %add3A_109, %squeeze3A_111 : i32
      %slice3A_113 = vector.extract_strided_slice %add3A_83 {offsets = [10], sizes = [1], strides = [1]} : vector<16xi32> to vector<1xi32>
      %squeeze3A_114 = vector.extract %slice3A_113[0] : i32 from vector<1xi32>
      %add3A_115 = arith.addi %add3A_112, %squeeze3A_114 : i32
      %slice3A_116 = vector.extract_strided_slice %add3A_83 {offsets = [11], sizes = [1], strides = [1]} : vector<16xi32> to vector<1xi32>
      %squeeze3A_117 = vector.extract %slice3A_116[0] : i32 from vector<1xi32>
      %add3A_118 = arith.addi %add3A_115, %squeeze3A_117 : i32
      %slice3A_119 = vector.extract_strided_slice %add3A_83 {offsets = [12], sizes = [1], strides = [1]} : vector<16xi32> to vector<1xi32>
      %squeeze3A_120 = vector.extract %slice3A_119[0] : i32 from vector<1xi32>
      %add3A_121 = arith.addi %add3A_118, %squeeze3A_120 : i32
      %slice3A_122 = vector.extract_strided_slice %add3A_83 {offsets = [13], sizes = [1], strides = [1]} : vector<16xi32> to vector<1xi32>
      %squeeze3A_123 = vector.extract %slice3A_122[0] : i32 from vector<1xi32>
      %add3A_124 = arith.addi %add3A_121, %squeeze3A_123 : i32
      %slice3A_125 = vector.extract_strided_slice %add3A_83 {offsets = [14], sizes = [1], strides = [1]} : vector<16xi32> to vector<1xi32>
      %squeeze3A_126 = vector.extract %slice3A_125[0] : i32 from vector<1xi32>
      %add3A_127 = arith.addi %add3A_124, %squeeze3A_126 : i32
      %slice3A_128 = vector.extract_strided_slice %add3A_83 {offsets = [15], sizes = [1], strides = [1]} : vector<16xi32> to vector<1xi32>
      %squeeze3A_129 = vector.extract %slice3A_128[0] : i32 from vector<1xi32>
      %add3A_130 = arith.addi %add3A_127, %squeeze3A_129 : i32
      %add3A_131 = arith.constant 1 : i32
      %add3A_132 = arith.addi %select_n3A_43, %add3A_131 : i32
      %ge3A = arith.cmpi sge, %add3A_130, %add3A_132 : i32
      %add3A_133 = arith.constant 1 : i32
      %add3A_134 = arith.addi %add3A_77, %add3A_133 : i32
      %select_n3A_135 = arith.select %ge3A, %scan3A_73, %add3A_134 : i32
      %select_n3A_136 = arith.select %ge3A, %add3A_77, %scan3A_74 : i32
      scf.yield %select_n3A_135, %select_n3A_136 : i32, i32
    }
    %scan3A_63 = arith.constant 16 : i32
    %broadcast_in_dim3A_64 = vector.broadcast %scan3A_62#0 : i32 to vector<16xi32>
    %swap3A = arith.constant 0 : index
    %swap3A_65 = tpu.vector_load %arg9[%swap3A] {strides = array<i32>} : memref<16xi32, #tpu.memory_space<vmem>>, vector<16xi32>,
    %swap3A_66 = vector.shape_cast %swap3A_65 : vector<16xi32> to vector<16xi32>
    %swap3A_67 = vector.shape_cast %broadcast_in_dim3A_64 : vector<16xi32> to vector<16xi32>
    tpu.vector_store %arg9[%swap3A], %swap3A_67 {strides = array<i32>} : memref<16xi32, #tpu.memory_space<vmem>>, vector<16xi32>,
    "tpu.region"() ({
      %run_scoped3A = tpu.sem_alloc : memref<!tpu.dma_semaphore, #tpu.memory_space<semaphore_mem>>
      %dma_start3A = arith.constant 0 : i32
      %dma_start3A_72 = tpu.memref_slice %arg5[%add3A, %dma_start3A] : memref<64x16xi32, #tpu.memory_space<hbm>> -> memref<1x16xi32, #tpu.memory_space<hbm>>
      %dma_start3A_73 = tpu.memref_squeeze %dma_start3A_72 : memref<1x16xi32, #tpu.memory_space<hbm>> -> memref<16xi32, #tpu.memory_space<hbm>>
      %dma_start3A_74 = arith.constant 0 : i32
      %dma_start3A_75 = tpu.memref_slice %arg5[%add3A, %dma_start3A_74] : memref<64x16xi32, #tpu.memory_space<hbm>> -> memref<1x16xi32, #tpu.memory_space<hbm>>
      %dma_start3A_76 = tpu.memref_squeeze %dma_start3A_75 : memref<1x16xi32, #tpu.memory_space<hbm>> -> memref<16xi32, #tpu.memory_space<hbm>>
      tpu.enqueue_dma source(%arg9 : memref<16xi32, #tpu.memory_space<vmem>>) target(%dma_start3A_76 : memref<16xi32, #tpu.memory_space<hbm>>) target_semaphore(%run_scoped3A : memref<!tpu.dma_semaphore, #tpu.memory_space<semaphore_mem>>)
      %dma_wait3A = arith.constant 0 : i32
      %dma_wait3A_77 = tpu.memref_slice %arg5[%add3A, %dma_wait3A] : memref<64x16xi32, #tpu.memory_space<hbm>> -> memref<1x16xi32, #tpu.memory_space<hbm>>
      %dma_wait3A_78 = tpu.memref_squeeze %dma_wait3A_77 : memref<1x16xi32, #tpu.memory_space<hbm>> -> memref<16xi32, #tpu.memory_space<hbm>>
      %dma_wait3A_79 = arith.constant 0 : i32
      %dma_wait3A_80 = tpu.memref_slice %arg5[%add3A, %dma_wait3A_79] : memref<64x16xi32, #tpu.memory_space<hbm>> -> memref<1x16xi32, #tpu.memory_space<hbm>>
      %dma_wait3A_81 = tpu.memref_squeeze %dma_wait3A_80 : memref<1x16xi32, #tpu.memory_space<hbm>> -> memref<16xi32, #tpu.memory_space<hbm>>
      tpu.wait_dma2 semaphore(%run_scoped3A : memref<!tpu.dma_semaphore, #tpu.memory_space<semaphore_mem>>) src(%arg9 : memref<16xi32, #tpu.memory_space<vmem>>) dst(%dma_wait3A_81 : memref<16xi32, #tpu.memory_space<hbm>>)
      tpu.yield
    }) : () -> ()
    %add3A_68 = arith.constant 32 : i32
    %add3A_69 = arith.addi %add3A, %add3A_68 : i32
    %lt3A = arith.constant 60 : i32
    %lt3A_70 = arith.cmpi slt, %add3A_69, %lt3A : i32
    %convert_element_type3A = arith.extui %lt3A_70 : i1 to i32
    %cond3A = arith.constant 0 : i32
    %cond3A_71 = arith.cmpi ne, %convert_element_type3A, %cond3A : i32
    scf.if %cond3A_71 {
      %add3A_72 = arith.constant 32 : i32
      %add3A_73 = arith.addi %add3A, %add3A_72 : i32
      %jit3A_74 = arith.constant 5 : i32
      %div3A_75 = arith.divsi %add3A_73, %jit3A_74 : i32
      %sign3A_76 = arith.constant 0 : i32
      %sign3A_77 = arith.cmpi sgt, %add3A_73, %sign3A_76 : i32
      %sign3A_78 = arith.extui %sign3A_77 : i1 to i32
      %sign3A_79 = arith.constant 0 : i32
      %sign3A_80 = arith.cmpi slt, %add3A_73, %sign3A_79 : i32
      %sign3A_81 = arith.extui %sign3A_80 : i1 to i32
      %sign3A_82 = arith.subi %sign3A_78, %sign3A_81 : i32
      %sign3A_83 = arith.constant 0 : i32
      %sign3A_84 = arith.cmpi sgt, %jit3A_74, %sign3A_83 : i32
      %sign3A_85 = arith.extui %sign3A_84 : i1 to i32
      %sign3A_86 = arith.constant 0 : i32
      %sign3A_87 = arith.cmpi slt, %jit3A_74, %sign3A_86 : i32
      %sign3A_88 = arith.extui %sign3A_87 : i1 to i32
      %sign3A_89 = arith.subi %sign3A_85, %sign3A_88 : i32
      %ne3A_90 = arith.cmpi ne, %sign3A_82, %sign3A_89 : i32
      %rem3A_91 = arith.remsi %add3A_73, %jit3A_74 : i32
      %ne3A_92 = arith.constant 0 : i32
      %ne3A_93 = arith.cmpi ne, %rem3A_91, %ne3A_92 : i32
      %and3A_94 = arith.andi %ne3A_90, %ne3A_93 : i1
      %sub3A_95 = arith.constant 1 : i32
      %sub3A_96 = arith.subi %div3A_75, %sub3A_95 : i32
      %select_n3A_97 = arith.select %and3A_94, %sub3A_96, %div3A_75 : i32
      %mul3A_98 = arith.constant 5 : i32
      %mul3A_99 = arith.muli %select_n3A_97, %mul3A_98 : i32
      %sub3A_100 = arith.subi %add3A_73, %mul3A_99 : i32
      "tpu.region"() ({
        %run_scoped3A = tpu.sem_alloc : memref<!tpu.dma_semaphore, #tpu.memory_space<semaphore_mem>>
        %dma_start3A = arith.constant 0 : i32
        %dma_start3A_153 = tpu.memref_slice %arg4[%select_n3A_97, %dma_start3A] : memref<12x128xi32, #tpu.memory_space<hbm>> -> memref<1x128xi32, #tpu.memory_space<hbm>>
        %dma_start3A_154 = tpu.memref_squeeze %dma_start3A_153 : memref<1x128xi32, #tpu.memory_space<hbm>> -> memref<128xi32, #tpu.memory_space<hbm>>
        %dma_start3A_155 = arith.constant 0 : i32
        %dma_start3A_156 = tpu.memref_slice %arg4[%select_n3A_97, %dma_start3A_155] : memref<12x128xi32, #tpu.memory_space<hbm>> -> memref<1x128xi32, #tpu.memory_space<hbm>>
        %dma_start3A_157 = tpu.memref_squeeze %dma_start3A_156 : memref<1x128xi32, #tpu.memory_space<hbm>> -> memref<128xi32, #tpu.memory_space<hbm>>
        tpu.enqueue_dma source(%dma_start3A_157 : memref<128xi32, #tpu.memory_space<hbm>>) target(%arg8 : memref<128xi32, #tpu.memory_space<vmem>>) target_semaphore(%run_scoped3A : memref<!tpu.dma_semaphore, #tpu.memory_space<semaphore_mem>>)
        %dma_wait3A = arith.constant 0 : i32
        %dma_wait3A_158 = tpu.memref_slice %arg4[%select_n3A_97, %dma_wait3A] : memref<12x128xi32, #tpu.memory_space<hbm>> -> memref<1x128xi32, #tpu.memory_space<hbm>>
        %dma_wait3A_159 = tpu.memref_squeeze %dma_wait3A_158 : memref<1x128xi32, #tpu.memory_space<hbm>> -> memref<128xi32, #tpu.memory_space<hbm>>
        %dma_wait3A_160 = arith.constant 0 : i32
        %dma_wait3A_161 = tpu.memref_slice %arg4[%select_n3A_97, %dma_wait3A_160] : memref<12x128xi32, #tpu.memory_space<hbm>> -> memref<1x128xi32, #tpu.memory_space<hbm>>
        %dma_wait3A_162 = tpu.memref_squeeze %dma_wait3A_161 : memref<1x128xi32, #tpu.memory_space<hbm>> -> memref<128xi32, #tpu.memory_space<hbm>>
        tpu.wait_dma2 semaphore(%run_scoped3A : memref<!tpu.dma_semaphore, #tpu.memory_space<semaphore_mem>>) src(%dma_wait3A_162 : memref<128xi32, #tpu.memory_space<hbm>>) dst(%arg8 : memref<128xi32, #tpu.memory_space<vmem>>)
        tpu.yield
      }) : () -> ()
      %get3A_101 = arith.constant 0 : index
      %get3A_102 = tpu.vector_load %arg8[%get3A_101] {strides = array<i32>} : memref<128xi32, #tpu.memory_space<vmem>>, vector<16xi32>,
      %get3A_103 = vector.shape_cast %get3A_102 : vector<16xi32> to vector<16xi32>
      %eq3A_104 = arith.constant 0 : i32
      %eq3A_105 = arith.cmpi eq, %sub3A_100, %eq3A_104 : i32
      %slice3A_106 = vector.extract_strided_slice %get3A_103 {offsets = [0], sizes = [1], strides = [1]} : vector<16xi32> to vector<1xi32>
      %squeeze3A_107 = vector.extract %slice3A_106[0] : i32 from vector<1xi32>
      %eq3A_108 = arith.constant 1 : i32
      %eq3A_109 = arith.cmpi eq, %sub3A_100, %eq3A_108 : i32
      %slice3A_110 = vector.extract_strided_slice %get3A_103 {offsets = [1], sizes = [1], strides = [1]} : vector<16xi32> to vector<1xi32>
      %squeeze3A_111 = vector.extract %slice3A_110[0] : i32 from vector<1xi32>
      %eq3A_112 = arith.constant 2 : i32
      %eq3A_113 = arith.cmpi eq, %sub3A_100, %eq3A_112 : i32
      %slice3A_114 = vector.extract_strided_slice %get3A_103 {offsets = [2], sizes = [1], strides = [1]} : vector<16xi32> to vector<1xi32>
      %squeeze3A_115 = vector.extract %slice3A_114[0] : i32 from vector<1xi32>
      %eq3A_116 = arith.constant 3 : i32
      %eq3A_117 = arith.cmpi eq, %sub3A_100, %eq3A_116 : i32
      %slice3A_118 = vector.extract_strided_slice %get3A_103 {offsets = [3], sizes = [1], strides = [1]} : vector<16xi32> to vector<1xi32>
      %squeeze3A_119 = vector.extract %slice3A_118[0] : i32 from vector<1xi32>
      %slice3A_120 = vector.extract_strided_slice %get3A_103 {offsets = [4], sizes = [1], strides = [1]} : vector<16xi32> to vector<1xi32>
      %squeeze3A_121 = vector.extract %slice3A_120[0] : i32 from vector<1xi32>
      %select_n3A_122 = arith.select %eq3A_117, %squeeze3A_119, %squeeze3A_121 : i32
      %select_n3A_123 = arith.select %eq3A_113, %squeeze3A_115, %select_n3A_122 : i32
      %select_n3A_124 = arith.select %eq3A_109, %squeeze3A_111, %select_n3A_123 : i32
      %select_n3A_125 = arith.select %eq3A_105, %squeeze3A_107, %select_n3A_124 : i32
      "tpu.region"() ({
        %run_scoped3A = tpu.sem_alloc : memref<!tpu.dma_semaphore, #tpu.memory_space<semaphore_mem>>
        %dma_start3A = arith.constant 0 : i32
        %dma_start3A_153 = tpu.memref_slice %arg2[%select_n3A_97, %dma_start3A] : memref<12x8192xi32, #tpu.memory_space<hbm>> -> memref<1x8192xi32, #tpu.memory_space<hbm>>
        %dma_start3A_154 = tpu.memref_squeeze %dma_start3A_153 : memref<1x8192xi32, #tpu.memory_space<hbm>> -> memref<8192xi32, #tpu.memory_space<hbm>>
        %dma_start3A_155 = arith.constant 0 : i32
        %dma_start3A_156 = tpu.memref_slice %arg2[%select_n3A_97, %dma_start3A_155] : memref<12x8192xi32, #tpu.memory_space<hbm>> -> memref<1x8192xi32, #tpu.memory_space<hbm>>
        %dma_start3A_157 = tpu.memref_squeeze %dma_start3A_156 : memref<1x8192xi32, #tpu.memory_space<hbm>> -> memref<8192xi32, #tpu.memory_space<hbm>>
        tpu.enqueue_dma source(%dma_start3A_157 : memref<8192xi32, #tpu.memory_space<hbm>>) target(%arg6 : memref<8192xi32, #tpu.memory_space<vmem>>) target_semaphore(%run_scoped3A : memref<!tpu.dma_semaphore, #tpu.memory_space<semaphore_mem>>)
        %dma_wait3A = arith.constant 0 : i32
        %dma_wait3A_158 = tpu.memref_slice %arg2[%select_n3A_97, %dma_wait3A] : memref<12x8192xi32, #tpu.memory_space<hbm>> -> memref<1x8192xi32, #tpu.memory_space<hbm>>
        %dma_wait3A_159 = tpu.memref_squeeze %dma_wait3A_158 : memref<1x8192xi32, #tpu.memory_space<hbm>> -> memref<8192xi32, #tpu.memory_space<hbm>>
        %dma_wait3A_160 = arith.constant 0 : i32
        %dma_wait3A_161 = tpu.memref_slice %arg2[%select_n3A_97, %dma_wait3A_160] : memref<12x8192xi32, #tpu.memory_space<hbm>> -> memref<1x8192xi32, #tpu.memory_space<hbm>>
        %dma_wait3A_162 = tpu.memref_squeeze %dma_wait3A_161 : memref<1x8192xi32, #tpu.memory_space<hbm>> -> memref<8192xi32, #tpu.memory_space<hbm>>
        tpu.wait_dma2 semaphore(%run_scoped3A : memref<!tpu.dma_semaphore, #tpu.memory_space<semaphore_mem>>) src(%dma_wait3A_162 : memref<8192xi32, #tpu.memory_space<hbm>>) dst(%arg6 : memref<8192xi32, #tpu.memory_space<vmem>>)
        tpu.yield
      }) : () -> ()
      "tpu.region"() ({
        %run_scoped3A = tpu.sem_alloc : memref<!tpu.dma_semaphore, #tpu.memory_space<semaphore_mem>>
        %dma_start3A = arith.constant 0 : i32
        %dma_start3A_153 = tpu.memref_slice %arg3[%select_n3A_97, %dma_start3A] : memref<12x4096xi32, #tpu.memory_space<hbm>> -> memref<1x4096xi32, #tpu.memory_space<hbm>>
        %dma_start3A_154 = tpu.memref_squeeze %dma_start3A_153 : memref<1x4096xi32, #tpu.memory_space<hbm>> -> memref<4096xi32, #tpu.memory_space<hbm>>
        %dma_start3A_155 = arith.constant 0 : i32
        %dma_start3A_156 = tpu.memref_slice %arg3[%select_n3A_97, %dma_start3A_155] : memref<12x4096xi32, #tpu.memory_space<hbm>> -> memref<1x4096xi32, #tpu.memory_space<hbm>>
        %dma_start3A_157 = tpu.memref_squeeze %dma_start3A_156 : memref<1x4096xi32, #tpu.memory_space<hbm>> -> memref<4096xi32, #tpu.memory_space<hbm>>
        tpu.enqueue_dma source(%dma_start3A_157 : memref<4096xi32, #tpu.memory_space<hbm>>) target(%arg7 : memref<4096xi32, #tpu.memory_space<vmem>>) target_semaphore(%run_scoped3A : memref<!tpu.dma_semaphore, #tpu.memory_space<semaphore_mem>>)
        %dma_wait3A = arith.constant 0 : i32
        %dma_wait3A_158 = tpu.memref_slice %arg3[%select_n3A_97, %dma_wait3A] : memref<12x4096xi32, #tpu.memory_space<hbm>> -> memref<1x4096xi32, #tpu.memory_space<hbm>>
        %dma_wait3A_159 = tpu.memref_squeeze %dma_wait3A_158 : memref<1x4096xi32, #tpu.memory_space<hbm>> -> memref<4096xi32, #tpu.memory_space<hbm>>
        %dma_wait3A_160 = arith.constant 0 : i32
        %dma_wait3A_161 = tpu.memref_slice %arg3[%select_n3A_97, %dma_wait3A_160] : memref<12x4096xi32, #tpu.memory_space<hbm>> -> memref<1x4096xi32, #tpu.memory_space<hbm>>
        %dma_wait3A_162 = tpu.memref_squeeze %dma_wait3A_161 : memref<1x4096xi32, #tpu.memory_space<hbm>> -> memref<4096xi32, #tpu.memory_space<hbm>>
        tpu.wait_dma2 semaphore(%run_scoped3A : memref<!tpu.dma_semaphore, #tpu.memory_space<semaphore_mem>>) src(%dma_wait3A_162 : memref<4096xi32, #tpu.memory_space<hbm>>) dst(%arg7 : memref<4096xi32, #tpu.memory_space<vmem>>)
        tpu.yield
      }) : () -> ()
      %scan3A_126 = arith.constant -2147450880 : i32
      %scan3A_127 = arith.constant 65537 : i32
      %scan3A_128 = arith.constant 0 : i32
      %scan3A_129 = arith.constant 32640 : i32
      %scan3A_130 = arith.constant 0 : i32
      %scan3A_131 = arith.constant 15 : i32
      %scan3A_132 = arith.addi %scan3A_130, %scan3A_131 : i32
      %scan3A_133 = arith.constant 1 : i32
      %scan3A_134:2 = scf.for %scan3A_153 = %scan3A_130 to %scan3A_132 step %scan3A_133 iter_args(%scan3A_154 = %scan3A_128, %scan3A_155 = %scan3A_129) -> (i32, i32)  : i32 {
        %sub3A_156 = arith.subi %scan3A_155, %scan3A_154 : i32
        %shift_right_logical3A = arith.constant 1 : i32
        %shift_right_logical3A_157 = arith.shrui %sub3A_156, %shift_right_logical3A : i32
        %add3A_158 = arith.addi %scan3A_154, %shift_right_logical3A_157 : i32
        %mul3A_159 = arith.constant 65537 : i32
        %mul3A_160 = arith.muli %add3A_158, %mul3A_159 : i32
        %add3A_161 = arith.addi %mul3A_160, %scan3A_126 : i32
        %broadcast_in_dim3A_162 = vector.broadcast %add3A_161 : i32 to vector<16xi32>
        %parallel_loop3A = arith.constant 0 : i32
        %parallel_loop3A_163 = arith.constant 16 : i32
        %parallel_loop3A_164 = arith.constant 1 : i32
        %parallel_loop3A_165:4 = scf.for %parallel_loop3A_229 = %parallel_loop3A to %parallel_loop3A_163 step %parallel_loop3A_164 iter_args(%parallel_loop3A_230 = %broadcast_in_dim3A_3, %parallel_loop3A_231 = %broadcast_in_dim3A_3, %parallel_loop3A_232 = %broadcast_in_dim3A_3, %parallel_loop3A_233 = %broadcast_in_dim3A_3) -> (vector<16xi32>, vector<16xi32>, vector<16xi32>, vector<16xi32>)  : i32 {
          %parallel_loop3A_234 = arith.constant 256 : i32
          %parallel_loop3A_235 = arith.muli %parallel_loop3A_229, %parallel_loop3A_234 : i32
          %parallel_loop3A_236 = arith.constant 0 : i32
          %parallel_loop3A_237 = arith.addi %parallel_loop3A_235, %parallel_loop3A_236 : i32
          %parallel_loop3A_238 = arith.index_cast %parallel_loop3A_237 : i32 to index
          %parallel_loop3A_239 = tpu.vector_load %arg7[%parallel_loop3A_238] {strides = array<i32>} : memref<4096xi32, #tpu.memory_space<vmem>>, vector<16xi32>,
          %parallel_loop3A_240 = vector.shape_cast %parallel_loop3A_239 : vector<16xi32> to vector<16xi32>
          %parallel_loop3A_241 = arith.subi %broadcast_in_dim3A_162, %parallel_loop3A_240 : vector<16xi32>
          %parallel_loop3A_242 = arith.constant 15 : i32
          %parallel_loop3A_243 = vector.broadcast %parallel_loop3A_242 : i32 to vector<16xi32>
          %parallel_loop3A_244 = arith.shrui %parallel_loop3A_241, %parallel_loop3A_243 : vector<16xi32>
          %parallel_loop3A_245 = vector.broadcast %scan3A_127 : i32 to vector<16xi32>
          %parallel_loop3A_246 = arith.andi %parallel_loop3A_244, %parallel_loop3A_245 : vector<16xi32>
          %parallel_loop3A_247 = arith.addi %parallel_loop3A_230, %parallel_loop3A_246 : vector<16xi32>
          %parallel_loop3A_248 = arith.constant 16 : i32
          %parallel_loop3A_249 = arith.addi %parallel_loop3A_235, %parallel_loop3A_248 : i32
          %parallel_loop3A_250 = arith.index_cast %parallel_loop3A_249 : i32 to index
          %parallel_loop3A_251 = tpu.vector_load %arg7[%parallel_loop3A_250] {strides = array<i32>} : memref<4096xi32, #tpu.memory_space<vmem>>, vector<16xi32>,
          %parallel_loop3A_252 = vector.shape_cast %parallel_loop3A_251 : vector<16xi32> to vector<16xi32>
          %parallel_loop3A_253 = arith.subi %broadcast_in_dim3A_162, %parallel_loop3A_252 : vector<16xi32>
          %parallel_loop3A_254 = arith.constant 15 : i32
          %parallel_loop3A_255 = vector.broadcast %parallel_loop3A_254 : i32 to vector<16xi32>
          %parallel_loop3A_256 = arith.shrui %parallel_loop3A_253, %parallel_loop3A_255 : vector<16xi32>
          %parallel_loop3A_257 = vector.broadcast %scan3A_127 : i32 to vector<16xi32>
          %parallel_loop3A_258 = arith.andi %parallel_loop3A_256, %parallel_loop3A_257 : vector<16xi32>
          %parallel_loop3A_259 = arith.addi %parallel_loop3A_231, %parallel_loop3A_258 : vector<16xi32>
          %parallel_loop3A_260 = arith.constant 32 : i32
          %parallel_loop3A_261 = arith.addi %parallel_loop3A_235, %parallel_loop3A_260 : i32
          %parallel_loop3A_262 = arith.index_cast %parallel_loop3A_261 : i32 to index
          %parallel_loop3A_263 = tpu.vector_load %arg7[%parallel_loop3A_262] {strides = array<i32>} : memref<4096xi32, #tpu.memory_space<vmem>>, vector<16xi32>,
          %parallel_loop3A_264 = vector.shape_cast %parallel_loop3A_263 : vector<16xi32> to vector<16xi32>
          %parallel_loop3A_265 = arith.subi %broadcast_in_dim3A_162, %parallel_loop3A_264 : vector<16xi32>
          %parallel_loop3A_266 = arith.constant 15 : i32
          %parallel_loop3A_267 = vector.broadcast %parallel_loop3A_266 : i32 to vector<16xi32>
          %parallel_loop3A_268 = arith.shrui %parallel_loop3A_265, %parallel_loop3A_267 : vector<16xi32>
          %parallel_loop3A_269 = vector.broadcast %scan3A_127 : i32 to vector<16xi32>
          %parallel_loop3A_270 = arith.andi %parallel_loop3A_268, %parallel_loop3A_269 : vector<16xi32>
          %parallel_loop3A_271 = arith.addi %parallel_loop3A_232, %parallel_loop3A_270 : vector<16xi32>
          %parallel_loop3A_272 = arith.constant 48 : i32
          %parallel_loop3A_273 = arith.addi %parallel_loop3A_235, %parallel_loop3A_272 : i32
          %parallel_loop3A_274 = arith.index_cast %parallel_loop3A_273 : i32 to index
          %parallel_loop3A_275 = tpu.vector_load %arg7[%parallel_loop3A_274] {strides = array<i32>} : memref<4096xi32, #tpu.memory_space<vmem>>, vector<16xi32>,
          %parallel_loop3A_276 = vector.shape_cast %parallel_loop3A_275 : vector<16xi32> to vector<16xi32>
          %parallel_loop3A_277 = arith.subi %broadcast_in_dim3A_162, %parallel_loop3A_276 : vector<16xi32>
          %parallel_loop3A_278 = arith.constant 15 : i32
          %parallel_loop3A_279 = vector.broadcast %parallel_loop3A_278 : i32 to vector<16xi32>
          %parallel_loop3A_280 = arith.shrui %parallel_loop3A_277, %parallel_loop3A_279 : vector<16xi32>
          %parallel_loop3A_281 = vector.broadcast %scan3A_127 : i32 to vector<16xi32>
          %parallel_loop3A_282 = arith.andi %parallel_loop3A_280, %parallel_loop3A_281 : vector<16xi32>
          %parallel_loop3A_283 = arith.addi %parallel_loop3A_233, %parallel_loop3A_282 : vector<16xi32>
          %parallel_loop3A_284 = arith.constant 64 : i32
          %parallel_loop3A_285 = arith.addi %parallel_loop3A_235, %parallel_loop3A_284 : i32
          %parallel_loop3A_286 = arith.index_cast %parallel_loop3A_285 : i32 to index
          %parallel_loop3A_287 = tpu.vector_load %arg7[%parallel_loop3A_286] {strides = array<i32>} : memref<4096xi32, #tpu.memory_space<vmem>>, vector<16xi32>,
          %parallel_loop3A_288 = vector.shape_cast %parallel_loop3A_287 : vector<16xi32> to vector<16xi32>
          %parallel_loop3A_289 = arith.subi %broadcast_in_dim3A_162, %parallel_loop3A_288 : vector<16xi32>
          %parallel_loop3A_290 = arith.constant 15 : i32
          %parallel_loop3A_291 = vector.broadcast %parallel_loop3A_290 : i32 to vector<16xi32>
          %parallel_loop3A_292 = arith.shrui %parallel_loop3A_289, %parallel_loop3A_291 : vector<16xi32>
          %parallel_loop3A_293 = vector.broadcast %scan3A_127 : i32 to vector<16xi32>
          %parallel_loop3A_294 = arith.andi %parallel_loop3A_292, %parallel_loop3A_293 : vector<16xi32>
          %parallel_loop3A_295 = arith.addi %parallel_loop3A_247, %parallel_loop3A_294 : vector<16xi32>
          %parallel_loop3A_296 = arith.constant 80 : i32
          %parallel_loop3A_297 = arith.addi %parallel_loop3A_235, %parallel_loop3A_296 : i32
          %parallel_loop3A_298 = arith.index_cast %parallel_loop3A_297 : i32 to index
          %parallel_loop3A_299 = tpu.vector_load %arg7[%parallel_loop3A_298] {strides = array<i32>} : memref<4096xi32, #tpu.memory_space<vmem>>, vector<16xi32>,
          %parallel_loop3A_300 = vector.shape_cast %parallel_loop3A_299 : vector<16xi32> to vector<16xi32>
          %parallel_loop3A_301 = arith.subi %broadcast_in_dim3A_162, %parallel_loop3A_300 : vector<16xi32>
          %parallel_loop3A_302 = arith.constant 15 : i32
          %parallel_loop3A_303 = vector.broadcast %parallel_loop3A_302 : i32 to vector<16xi32>
          %parallel_loop3A_304 = arith.shrui %parallel_loop3A_301, %parallel_loop3A_303 : vector<16xi32>
          %parallel_loop3A_305 = vector.broadcast %scan3A_127 : i32 to vector<16xi32>
          %parallel_loop3A_306 = arith.andi %parallel_loop3A_304, %parallel_loop3A_305 : vector<16xi32>
          %parallel_loop3A_307 = arith.addi %parallel_loop3A_259, %parallel_loop3A_306 : vector<16xi32>
          %parallel_loop3A_308 = arith.constant 96 : i32
          %parallel_loop3A_309 = arith.addi %parallel_loop3A_235, %parallel_loop3A_308 : i32
          %parallel_loop3A_310 = arith.index_cast %parallel_loop3A_309 : i32 to index
          %parallel_loop3A_311 = tpu.vector_load %arg7[%parallel_loop3A_310] {strides = array<i32>} : memref<4096xi32, #tpu.memory_space<vmem>>, vector<16xi32>,
          %parallel_loop3A_312 = vector.shape_cast %parallel_loop3A_311 : vector<16xi32> to vector<16xi32>
          %parallel_loop3A_313 = arith.subi %broadcast_in_dim3A_162, %parallel_loop3A_312 : vector<16xi32>
          %parallel_loop3A_314 = arith.constant 15 : i32
          %parallel_loop3A_315 = vector.broadcast %parallel_loop3A_314 : i32 to vector<16xi32>
          %parallel_loop3A_316 = arith.shrui %parallel_loop3A_313, %parallel_loop3A_315 : vector<16xi32>
          %parallel_loop3A_317 = vector.broadcast %scan3A_127 : i32 to vector<16xi32>
          %parallel_loop3A_318 = arith.andi %parallel_loop3A_316, %parallel_loop3A_317 : vector<16xi32>
          %parallel_loop3A_319 = arith.addi %parallel_loop3A_271, %parallel_loop3A_318 : vector<16xi32>
          %parallel_loop3A_320 = arith.constant 112 : i32
          %parallel_loop3A_321 = arith.addi %parallel_loop3A_235, %parallel_loop3A_320 : i32
          %parallel_loop3A_322 = arith.index_cast %parallel_loop3A_321 : i32 to index
          %parallel_loop3A_323 = tpu.vector_load %arg7[%parallel_loop3A_322] {strides = array<i32>} : memref<4096xi32, #tpu.memory_space<vmem>>, vector<16xi32>,
          %parallel_loop3A_324 = vector.shape_cast %parallel_loop3A_323 : vector<16xi32> to vector<16xi32>
          %parallel_loop3A_325 = arith.subi %broadcast_in_dim3A_162, %parallel_loop3A_324 : vector<16xi32>
          %parallel_loop3A_326 = arith.constant 15 : i32
          %parallel_loop3A_327 = vector.broadcast %parallel_loop3A_326 : i32 to vector<16xi32>
          %parallel_loop3A_328 = arith.shrui %parallel_loop3A_325, %parallel_loop3A_327 : vector<16xi32>
          %parallel_loop3A_329 = vector.broadcast %scan3A_127 : i32 to vector<16xi32>
          %parallel_loop3A_330 = arith.andi %parallel_loop3A_328, %parallel_loop3A_329 : vector<16xi32>
          %parallel_loop3A_331 = arith.addi %parallel_loop3A_283, %parallel_loop3A_330 : vector<16xi32>
          %parallel_loop3A_332 = arith.constant 128 : i32
          %parallel_loop3A_333 = arith.addi %parallel_loop3A_235, %parallel_loop3A_332 : i32
          %parallel_loop3A_334 = arith.index_cast %parallel_loop3A_333 : i32 to index
          %parallel_loop3A_335 = tpu.vector_load %arg7[%parallel_loop3A_334] {strides = array<i32>} : memref<4096xi32, #tpu.memory_space<vmem>>, vector<16xi32>,
          %parallel_loop3A_336 = vector.shape_cast %parallel_loop3A_335 : vector<16xi32> to vector<16xi32>
          %parallel_loop3A_337 = arith.subi %broadcast_in_dim3A_162, %parallel_loop3A_336 : vector<16xi32>
          %parallel_loop3A_338 = arith.constant 15 : i32
          %parallel_loop3A_339 = vector.broadcast %parallel_loop3A_338 : i32 to vector<16xi32>
          %parallel_loop3A_340 = arith.shrui %parallel_loop3A_337, %parallel_loop3A_339 : vector<16xi32>
          %parallel_loop3A_341 = vector.broadcast %scan3A_127 : i32 to vector<16xi32>
          %parallel_loop3A_342 = arith.andi %parallel_loop3A_340, %parallel_loop3A_341 : vector<16xi32>
          %parallel_loop3A_343 = arith.addi %parallel_loop3A_295, %parallel_loop3A_342 : vector<16xi32>
          %parallel_loop3A_344 = arith.constant 144 : i32
          %parallel_loop3A_345 = arith.addi %parallel_loop3A_235, %parallel_loop3A_344 : i32
          %parallel_loop3A_346 = arith.index_cast %parallel_loop3A_345 : i32 to index
          %parallel_loop3A_347 = tpu.vector_load %arg7[%parallel_loop3A_346] {strides = array<i32>} : memref<4096xi32, #tpu.memory_space<vmem>>, vector<16xi32>,
          %parallel_loop3A_348 = vector.shape_cast %parallel_loop3A_347 : vector<16xi32> to vector<16xi32>
          %parallel_loop3A_349 = arith.subi %broadcast_in_dim3A_162, %parallel_loop3A_348 : vector<16xi32>
          %parallel_loop3A_350 = arith.constant 15 : i32
          %parallel_loop3A_351 = vector.broadcast %parallel_loop3A_350 : i32 to vector<16xi32>
          %parallel_loop3A_352 = arith.shrui %parallel_loop3A_349, %parallel_loop3A_351 : vector<16xi32>
          %parallel_loop3A_353 = vector.broadcast %scan3A_127 : i32 to vector<16xi32>
          %parallel_loop3A_354 = arith.andi %parallel_loop3A_352, %parallel_loop3A_353 : vector<16xi32>
          %parallel_loop3A_355 = arith.addi %parallel_loop3A_307, %parallel_loop3A_354 : vector<16xi32>
          %parallel_loop3A_356 = arith.constant 160 : i32
          %parallel_loop3A_357 = arith.addi %parallel_loop3A_235, %parallel_loop3A_356 : i32
          %parallel_loop3A_358 = arith.index_cast %parallel_loop3A_357 : i32 to index
          %parallel_loop3A_359 = tpu.vector_load %arg7[%parallel_loop3A_358] {strides = array<i32>} : memref<4096xi32, #tpu.memory_space<vmem>>, vector<16xi32>,
          %parallel_loop3A_360 = vector.shape_cast %parallel_loop3A_359 : vector<16xi32> to vector<16xi32>
          %parallel_loop3A_361 = arith.subi %broadcast_in_dim3A_162, %parallel_loop3A_360 : vector<16xi32>
          %parallel_loop3A_362 = arith.constant 15 : i32
          %parallel_loop3A_363 = vector.broadcast %parallel_loop3A_362 : i32 to vector<16xi32>
          %parallel_loop3A_364 = arith.shrui %parallel_loop3A_361, %parallel_loop3A_363 : vector<16xi32>
          %parallel_loop3A_365 = vector.broadcast %scan3A_127 : i32 to vector<16xi32>
          %parallel_loop3A_366 = arith.andi %parallel_loop3A_364, %parallel_loop3A_365 : vector<16xi32>
          %parallel_loop3A_367 = arith.addi %parallel_loop3A_319, %parallel_loop3A_366 : vector<16xi32>
          %parallel_loop3A_368 = arith.constant 176 : i32
          %parallel_loop3A_369 = arith.addi %parallel_loop3A_235, %parallel_loop3A_368 : i32
          %parallel_loop3A_370 = arith.index_cast %parallel_loop3A_369 : i32 to index
          %parallel_loop3A_371 = tpu.vector_load %arg7[%parallel_loop3A_370] {strides = array<i32>} : memref<4096xi32, #tpu.memory_space<vmem>>, vector<16xi32>,
          %parallel_loop3A_372 = vector.shape_cast %parallel_loop3A_371 : vector<16xi32> to vector<16xi32>
          %parallel_loop3A_373 = arith.subi %broadcast_in_dim3A_162, %parallel_loop3A_372 : vector<16xi32>
          %parallel_loop3A_374 = arith.constant 15 : i32
          %parallel_loop3A_375 = vector.broadcast %parallel_loop3A_374 : i32 to vector<16xi32>
          %parallel_loop3A_376 = arith.shrui %parallel_loop3A_373, %parallel_loop3A_375 : vector<16xi32>
          %parallel_loop3A_377 = vector.broadcast %scan3A_127 : i32 to vector<16xi32>
          %parallel_loop3A_378 = arith.andi %parallel_loop3A_376, %parallel_loop3A_377 : vector<16xi32>
          %parallel_loop3A_379 = arith.addi %parallel_loop3A_331, %parallel_loop3A_378 : vector<16xi32>
          %parallel_loop3A_380 = arith.constant 192 : i32
          %parallel_loop3A_381 = arith.addi %parallel_loop3A_235, %parallel_loop3A_380 : i32
          %parallel_loop3A_382 = arith.index_cast %parallel_loop3A_381 : i32 to index
          %parallel_loop3A_383 = tpu.vector_load %arg7[%parallel_loop3A_382] {strides = array<i32>} : memref<4096xi32, #tpu.memory_space<vmem>>, vector<16xi32>,
          %parallel_loop3A_384 = vector.shape_cast %parallel_loop3A_383 : vector<16xi32> to vector<16xi32>
          %parallel_loop3A_385 = arith.subi %broadcast_in_dim3A_162, %parallel_loop3A_384 : vector<16xi32>
          %parallel_loop3A_386 = arith.constant 15 : i32
          %parallel_loop3A_387 = vector.broadcast %parallel_loop3A_386 : i32 to vector<16xi32>
          %parallel_loop3A_388 = arith.shrui %parallel_loop3A_385, %parallel_loop3A_387 : vector<16xi32>
          %parallel_loop3A_389 = vector.broadcast %scan3A_127 : i32 to vector<16xi32>
          %parallel_loop3A_390 = arith.andi %parallel_loop3A_388, %parallel_loop3A_389 : vector<16xi32>
          %parallel_loop3A_391 = arith.addi %parallel_loop3A_343, %parallel_loop3A_390 : vector<16xi32>
          %parallel_loop3A_392 = arith.constant 208 : i32
          %parallel_loop3A_393 = arith.addi %parallel_loop3A_235, %parallel_loop3A_392 : i32
          %parallel_loop3A_394 = arith.index_cast %parallel_loop3A_393 : i32 to index
          %parallel_loop3A_395 = tpu.vector_load %arg7[%parallel_loop3A_394] {strides = array<i32>} : memref<4096xi32, #tpu.memory_space<vmem>>, vector<16xi32>,
          %parallel_loop3A_396 = vector.shape_cast %parallel_loop3A_395 : vector<16xi32> to vector<16xi32>
          %parallel_loop3A_397 = arith.subi %broadcast_in_dim3A_162, %parallel_loop3A_396 : vector<16xi32>
          %parallel_loop3A_398 = arith.constant 15 : i32
          %parallel_loop3A_399 = vector.broadcast %parallel_loop3A_398 : i32 to vector<16xi32>
          %parallel_loop3A_400 = arith.shrui %parallel_loop3A_397, %parallel_loop3A_399 : vector<16xi32>
          %parallel_loop3A_401 = vector.broadcast %scan3A_127 : i32 to vector<16xi32>
          %parallel_loop3A_402 = arith.andi %parallel_loop3A_400, %parallel_loop3A_401 : vector<16xi32>
          %parallel_loop3A_403 = arith.addi %parallel_loop3A_355, %parallel_loop3A_402 : vector<16xi32>
          %parallel_loop3A_404 = arith.constant 224 : i32
          %parallel_loop3A_405 = arith.addi %parallel_loop3A_235, %parallel_loop3A_404 : i32
          %parallel_loop3A_406 = arith.index_cast %parallel_loop3A_405 : i32 to index
          %parallel_loop3A_407 = tpu.vector_load %arg7[%parallel_loop3A_406] {strides = array<i32>} : memref<4096xi32, #tpu.memory_space<vmem>>, vector<16xi32>,
          %parallel_loop3A_408 = vector.shape_cast %parallel_loop3A_407 : vector<16xi32> to vector<16xi32>
          %parallel_loop3A_409 = arith.subi %broadcast_in_dim3A_162, %parallel_loop3A_408 : vector<16xi32>
          %parallel_loop3A_410 = arith.constant 15 : i32
          %parallel_loop3A_411 = vector.broadcast %parallel_loop3A_410 : i32 to vector<16xi32>
          %parallel_loop3A_412 = arith.shrui %parallel_loop3A_409, %parallel_loop3A_411 : vector<16xi32>
          %parallel_loop3A_413 = vector.broadcast %scan3A_127 : i32 to vector<16xi32>
          %parallel_loop3A_414 = arith.andi %parallel_loop3A_412, %parallel_loop3A_413 : vector<16xi32>
          %parallel_loop3A_415 = arith.addi %parallel_loop3A_367, %parallel_loop3A_414 : vector<16xi32>
          %parallel_loop3A_416 = arith.constant 240 : i32
          %parallel_loop3A_417 = arith.addi %parallel_loop3A_235, %parallel_loop3A_416 : i32
          %parallel_loop3A_418 = arith.index_cast %parallel_loop3A_417 : i32 to index
          %parallel_loop3A_419 = tpu.vector_load %arg7[%parallel_loop3A_418] {strides = array<i32>} : memref<4096xi32, #tpu.memory_space<vmem>>, vector<16xi32>,
          %parallel_loop3A_420 = vector.shape_cast %parallel_loop3A_419 : vector<16xi32> to vector<16xi32>
          %parallel_loop3A_421 = arith.subi %broadcast_in_dim3A_162, %parallel_loop3A_420 : vector<16xi32>
          %parallel_loop3A_422 = arith.constant 15 : i32
          %parallel_loop3A_423 = vector.broadcast %parallel_loop3A_422 : i32 to vector<16xi32>
          %parallel_loop3A_424 = arith.shrui %parallel_loop3A_421, %parallel_loop3A_423 : vector<16xi32>
          %parallel_loop3A_425 = vector.broadcast %scan3A_127 : i32 to vector<16xi32>
          %parallel_loop3A_426 = arith.andi %parallel_loop3A_424, %parallel_loop3A_425 : vector<16xi32>
          %parallel_loop3A_427 = arith.addi %parallel_loop3A_379, %parallel_loop3A_426 : vector<16xi32>
          scf.yield %parallel_loop3A_391, %parallel_loop3A_403, %parallel_loop3A_415, %parallel_loop3A_427 : vector<16xi32>, vector<16xi32>, vector<16xi32>, vector<16xi32>
        } {sc.loop_unroll_factor = 1 : i64, sc.parallel_access}
        %add3A_166 = arith.addi %parallel_loop3A_165#0, %parallel_loop3A_165#1 : vector<16xi32>
        %add3A_167 = arith.addi %parallel_loop3A_165#2, %parallel_loop3A_165#3 : vector<16xi32>
        %add3A_168 = arith.addi %add3A_166, %add3A_167 : vector<16xi32>
        %and3A_169 = arith.constant 65535 : i32
        %and3A_170 = vector.broadcast %and3A_169 : i32 to vector<16xi32>
        %and3A_171 = arith.andi %add3A_168, %and3A_170 : vector<16xi32>
        %shift_right_logical3A_172 = arith.constant 16 : i32
        %shift_right_logical3A_173 = vector.broadcast %shift_right_logical3A_172 : i32 to vector<16xi32>
        %shift_right_logical3A_174 = arith.shrui %add3A_168, %shift_right_logical3A_173 : vector<16xi32>
        %add3A_175 = arith.addi %and3A_171, %shift_right_logical3A_174 : vector<16xi32>
        %slice3A_176 = vector.extract_strided_slice %add3A_175 {offsets = [0], sizes = [1], strides = [1]} : vector<16xi32> to vector<1xi32>
        %squeeze3A_177 = vector.extract %slice3A_176[0] : i32 from vector<1xi32>
        %slice3A_178 = vector.extract_strided_slice %add3A_175 {offsets = [1], sizes = [1], strides = [1]} : vector<16xi32> to vector<1xi32>
        %squeeze3A_179 = vector.extract %slice3A_178[0] : i32 from vector<1xi32>
        %add3A_180 = arith.addi %squeeze3A_177, %squeeze3A_179 : i32
        %slice3A_181 = vector.extract_strided_slice %add3A_175 {offsets = [2], sizes = [1], strides = [1]} : vector<16xi32> to vector<1xi32>
        %squeeze3A_182 = vector.extract %slice3A_181[0] : i32 from vector<1xi32>
        %add3A_183 = arith.addi %add3A_180, %squeeze3A_182 : i32
        %slice3A_184 = vector.extract_strided_slice %add3A_175 {offsets = [3], sizes = [1], strides = [1]} : vector<16xi32> to vector<1xi32>
        %squeeze3A_185 = vector.extract %slice3A_184[0] : i32 from vector<1xi32>
        %add3A_186 = arith.addi %add3A_183, %squeeze3A_185 : i32
        %slice3A_187 = vector.extract_strided_slice %add3A_175 {offsets = [4], sizes = [1], strides = [1]} : vector<16xi32> to vector<1xi32>
        %squeeze3A_188 = vector.extract %slice3A_187[0] : i32 from vector<1xi32>
        %add3A_189 = arith.addi %add3A_186, %squeeze3A_188 : i32
        %slice3A_190 = vector.extract_strided_slice %add3A_175 {offsets = [5], sizes = [1], strides = [1]} : vector<16xi32> to vector<1xi32>
        %squeeze3A_191 = vector.extract %slice3A_190[0] : i32 from vector<1xi32>
        %add3A_192 = arith.addi %add3A_189, %squeeze3A_191 : i32
        %slice3A_193 = vector.extract_strided_slice %add3A_175 {offsets = [6], sizes = [1], strides = [1]} : vector<16xi32> to vector<1xi32>
        %squeeze3A_194 = vector.extract %slice3A_193[0] : i32 from vector<1xi32>
        %add3A_195 = arith.addi %add3A_192, %squeeze3A_194 : i32
        %slice3A_196 = vector.extract_strided_slice %add3A_175 {offsets = [7], sizes = [1], strides = [1]} : vector<16xi32> to vector<1xi32>
        %squeeze3A_197 = vector.extract %slice3A_196[0] : i32 from vector<1xi32>
        %add3A_198 = arith.addi %add3A_195, %squeeze3A_197 : i32
        %slice3A_199 = vector.extract_strided_slice %add3A_175 {offsets = [8], sizes = [1], strides = [1]} : vector<16xi32> to vector<1xi32>
        %squeeze3A_200 = vector.extract %slice3A_199[0] : i32 from vector<1xi32>
        %add3A_201 = arith.addi %add3A_198, %squeeze3A_200 : i32
        %slice3A_202 = vector.extract_strided_slice %add3A_175 {offsets = [9], sizes = [1], strides = [1]} : vector<16xi32> to vector<1xi32>
        %squeeze3A_203 = vector.extract %slice3A_202[0] : i32 from vector<1xi32>
        %add3A_204 = arith.addi %add3A_201, %squeeze3A_203 : i32
        %slice3A_205 = vector.extract_strided_slice %add3A_175 {offsets = [10], sizes = [1], strides = [1]} : vector<16xi32> to vector<1xi32>
        %squeeze3A_206 = vector.extract %slice3A_205[0] : i32 from vector<1xi32>
        %add3A_207 = arith.addi %add3A_204, %squeeze3A_206 : i32
        %slice3A_208 = vector.extract_strided_slice %add3A_175 {offsets = [11], sizes = [1], strides = [1]} : vector<16xi32> to vector<1xi32>
        %squeeze3A_209 = vector.extract %slice3A_208[0] : i32 from vector<1xi32>
        %add3A_210 = arith.addi %add3A_207, %squeeze3A_209 : i32
        %slice3A_211 = vector.extract_strided_slice %add3A_175 {offsets = [12], sizes = [1], strides = [1]} : vector<16xi32> to vector<1xi32>
        %squeeze3A_212 = vector.extract %slice3A_211[0] : i32 from vector<1xi32>
        %add3A_213 = arith.addi %add3A_210, %squeeze3A_212 : i32
        %slice3A_214 = vector.extract_strided_slice %add3A_175 {offsets = [13], sizes = [1], strides = [1]} : vector<16xi32> to vector<1xi32>
        %squeeze3A_215 = vector.extract %slice3A_214[0] : i32 from vector<1xi32>
        %add3A_216 = arith.addi %add3A_213, %squeeze3A_215 : i32
        %slice3A_217 = vector.extract_strided_slice %add3A_175 {offsets = [14], sizes = [1], strides = [1]} : vector<16xi32> to vector<1xi32>
        %squeeze3A_218 = vector.extract %slice3A_217[0] : i32 from vector<1xi32>
        %add3A_219 = arith.addi %add3A_216, %squeeze3A_218 : i32
        %slice3A_220 = vector.extract_strided_slice %add3A_175 {offsets = [15], sizes = [1], strides = [1]} : vector<16xi32> to vector<1xi32>
        %squeeze3A_221 = vector.extract %slice3A_220[0] : i32 from vector<1xi32>
        %add3A_222 = arith.addi %add3A_219, %squeeze3A_221 : i32
        %add3A_223 = arith.constant 1 : i32
        %add3A_224 = arith.addi %select_n3A_125, %add3A_223 : i32
        %ge3A = arith.cmpi sge, %add3A_222, %add3A_224 : i32
        %add3A_225 = arith.constant 1 : i32
        %add3A_226 = arith.addi %add3A_158, %add3A_225 : i32
        %select_n3A_227 = arith.select %ge3A, %scan3A_154, %add3A_226 : i32
        %select_n3A_228 = arith.select %ge3A, %add3A_158, %scan3A_155 : i32
        scf.yield %select_n3A_227, %select_n3A_228 : i32, i32
      }
      %scan3A_135 = arith.constant 15 : i32
      %shift_left3A_136 = arith.constant 16 : i32
      %shift_left3A_137 = arith.shli %scan3A_134#0, %shift_left3A_136 : i32
      %shift_left3A_138 = arith.constant 16 : i32
      %shift_left3A_139 = arith.shli %scan3A_134#0, %shift_left3A_138 : i32
      %add3A_140 = arith.constant 65535 : i32
      %add3A_141 = arith.addi %shift_left3A_139, %add3A_140 : i32
      %scan3A_142 = arith.constant 0 : i32
      %scan3A_143 = arith.constant 16 : i32
      %scan3A_144 = arith.addi %scan3A_142, %scan3A_143 : i32
      %scan3A_145 = arith.constant 1 : i32
      %scan3A_146:2 = scf.for %scan3A_153 = %scan3A_142 to %scan3A_144 step %scan3A_145 iter_args(%scan3A_154 = %shift_left3A_137, %scan3A_155 = %add3A_141) -> (i32, i32)  : i32 {
        %sub3A_156 = arith.subi %scan3A_155, %scan3A_154 : i32
        %shift_right_logical3A = arith.constant 1 : i32
        %shift_right_logical3A_157 = arith.shrui %sub3A_156, %shift_right_logical3A : i32
        %add3A_158 = arith.addi %scan3A_154, %shift_right_logical3A_157 : i32
        %parallel_loop3A = arith.constant 0 : i32
        %parallel_loop3A_159 = arith.constant 32 : i32
        %parallel_loop3A_160 = arith.constant 1 : i32
        %parallel_loop3A_161:4 = scf.for %parallel_loop3A_218 = %parallel_loop3A to %parallel_loop3A_159 step %parallel_loop3A_160 iter_args(%parallel_loop3A_219 = %broadcast_in_dim3A_3, %parallel_loop3A_220 = %broadcast_in_dim3A_3, %parallel_loop3A_221 = %broadcast_in_dim3A_3, %parallel_loop3A_222 = %broadcast_in_dim3A_3) -> (vector<16xi32>, vector<16xi32>, vector<16xi32>, vector<16xi32>)  : i32 {
          %parallel_loop3A_223 = arith.constant 256 : i32
          %parallel_loop3A_224 = arith.muli %parallel_loop3A_218, %parallel_loop3A_223 : i32
          %parallel_loop3A_225 = arith.constant 0 : i32
          %parallel_loop3A_226 = arith.addi %parallel_loop3A_224, %parallel_loop3A_225 : i32
          %parallel_loop3A_227 = arith.index_cast %parallel_loop3A_226 : i32 to index
          %parallel_loop3A_228 = tpu.vector_load %arg6[%parallel_loop3A_227] {strides = array<i32>} : memref<8192xi32, #tpu.memory_space<vmem>>, vector<16xi32>,
          %parallel_loop3A_229 = vector.shape_cast %parallel_loop3A_228 : vector<16xi32> to vector<16xi32>
          %parallel_loop3A_230 = vector.broadcast %add3A_158 : i32 to vector<16xi32>
          %parallel_loop3A_231 = arith.cmpi sle, %parallel_loop3A_229, %parallel_loop3A_230 : vector<16xi32>
          %parallel_loop3A_232 = arith.select %parallel_loop3A_231, %broadcast_in_dim3A_1, %broadcast_in_dim3A_3 : vector<16xi1>, vector<16xi32>
          %parallel_loop3A_233 = arith.addi %parallel_loop3A_219, %parallel_loop3A_232 : vector<16xi32>
          %parallel_loop3A_234 = arith.constant 16 : i32
          %parallel_loop3A_235 = arith.addi %parallel_loop3A_224, %parallel_loop3A_234 : i32
          %parallel_loop3A_236 = arith.index_cast %parallel_loop3A_235 : i32 to index
          %parallel_loop3A_237 = tpu.vector_load %arg6[%parallel_loop3A_236] {strides = array<i32>} : memref<8192xi32, #tpu.memory_space<vmem>>, vector<16xi32>,
          %parallel_loop3A_238 = vector.shape_cast %parallel_loop3A_237 : vector<16xi32> to vector<16xi32>
          %parallel_loop3A_239 = vector.broadcast %add3A_158 : i32 to vector<16xi32>
          %parallel_loop3A_240 = arith.cmpi sle, %parallel_loop3A_238, %parallel_loop3A_239 : vector<16xi32>
          %parallel_loop3A_241 = arith.select %parallel_loop3A_240, %broadcast_in_dim3A_1, %broadcast_in_dim3A_3 : vector<16xi1>, vector<16xi32>
          %parallel_loop3A_242 = arith.addi %parallel_loop3A_220, %parallel_loop3A_241 : vector<16xi32>
          %parallel_loop3A_243 = arith.constant 32 : i32
          %parallel_loop3A_244 = arith.addi %parallel_loop3A_224, %parallel_loop3A_243 : i32
          %parallel_loop3A_245 = arith.index_cast %parallel_loop3A_244 : i32 to index
          %parallel_loop3A_246 = tpu.vector_load %arg6[%parallel_loop3A_245] {strides = array<i32>} : memref<8192xi32, #tpu.memory_space<vmem>>, vector<16xi32>,
          %parallel_loop3A_247 = vector.shape_cast %parallel_loop3A_246 : vector<16xi32> to vector<16xi32>
          %parallel_loop3A_248 = vector.broadcast %add3A_158 : i32 to vector<16xi32>
          %parallel_loop3A_249 = arith.cmpi sle, %parallel_loop3A_247, %parallel_loop3A_248 : vector<16xi32>
          %parallel_loop3A_250 = arith.select %parallel_loop3A_249, %broadcast_in_dim3A_1, %broadcast_in_dim3A_3 : vector<16xi1>, vector<16xi32>
          %parallel_loop3A_251 = arith.addi %parallel_loop3A_221, %parallel_loop3A_250 : vector<16xi32>
          %parallel_loop3A_252 = arith.constant 48 : i32
          %parallel_loop3A_253 = arith.addi %parallel_loop3A_224, %parallel_loop3A_252 : i32
          %parallel_loop3A_254 = arith.index_cast %parallel_loop3A_253 : i32 to index
          %parallel_loop3A_255 = tpu.vector_load %arg6[%parallel_loop3A_254] {strides = array<i32>} : memref<8192xi32, #tpu.memory_space<vmem>>, vector<16xi32>,
          %parallel_loop3A_256 = vector.shape_cast %parallel_loop3A_255 : vector<16xi32> to vector<16xi32>
          %parallel_loop3A_257 = vector.broadcast %add3A_158 : i32 to vector<16xi32>
          %parallel_loop3A_258 = arith.cmpi sle, %parallel_loop3A_256, %parallel_loop3A_257 : vector<16xi32>
          %parallel_loop3A_259 = arith.select %parallel_loop3A_258, %broadcast_in_dim3A_1, %broadcast_in_dim3A_3 : vector<16xi1>, vector<16xi32>
          %parallel_loop3A_260 = arith.addi %parallel_loop3A_222, %parallel_loop3A_259 : vector<16xi32>
          %parallel_loop3A_261 = arith.constant 64 : i32
          %parallel_loop3A_262 = arith.addi %parallel_loop3A_224, %parallel_loop3A_261 : i32
          %parallel_loop3A_263 = arith.index_cast %parallel_loop3A_262 : i32 to index
          %parallel_loop3A_264 = tpu.vector_load %arg6[%parallel_loop3A_263] {strides = array<i32>} : memref<8192xi32, #tpu.memory_space<vmem>>, vector<16xi32>,
          %parallel_loop3A_265 = vector.shape_cast %parallel_loop3A_264 : vector<16xi32> to vector<16xi32>
          %parallel_loop3A_266 = vector.broadcast %add3A_158 : i32 to vector<16xi32>
          %parallel_loop3A_267 = arith.cmpi sle, %parallel_loop3A_265, %parallel_loop3A_266 : vector<16xi32>
          %parallel_loop3A_268 = arith.select %parallel_loop3A_267, %broadcast_in_dim3A_1, %broadcast_in_dim3A_3 : vector<16xi1>, vector<16xi32>
          %parallel_loop3A_269 = arith.addi %parallel_loop3A_233, %parallel_loop3A_268 : vector<16xi32>
          %parallel_loop3A_270 = arith.constant 80 : i32
          %parallel_loop3A_271 = arith.addi %parallel_loop3A_224, %parallel_loop3A_270 : i32
          %parallel_loop3A_272 = arith.index_cast %parallel_loop3A_271 : i32 to index
          %parallel_loop3A_273 = tpu.vector_load %arg6[%parallel_loop3A_272] {strides = array<i32>} : memref<8192xi32, #tpu.memory_space<vmem>>, vector<16xi32>,
          %parallel_loop3A_274 = vector.shape_cast %parallel_loop3A_273 : vector<16xi32> to vector<16xi32>
          %parallel_loop3A_275 = vector.broadcast %add3A_158 : i32 to vector<16xi32>
          %parallel_loop3A_276 = arith.cmpi sle, %parallel_loop3A_274, %parallel_loop3A_275 : vector<16xi32>
          %parallel_loop3A_277 = arith.select %parallel_loop3A_276, %broadcast_in_dim3A_1, %broadcast_in_dim3A_3 : vector<16xi1>, vector<16xi32>
          %parallel_loop3A_278 = arith.addi %parallel_loop3A_242, %parallel_loop3A_277 : vector<16xi32>
          %parallel_loop3A_279 = arith.constant 96 : i32
          %parallel_loop3A_280 = arith.addi %parallel_loop3A_224, %parallel_loop3A_279 : i32
          %parallel_loop3A_281 = arith.index_cast %parallel_loop3A_280 : i32 to index
          %parallel_loop3A_282 = tpu.vector_load %arg6[%parallel_loop3A_281] {strides = array<i32>} : memref<8192xi32, #tpu.memory_space<vmem>>, vector<16xi32>,
          %parallel_loop3A_283 = vector.shape_cast %parallel_loop3A_282 : vector<16xi32> to vector<16xi32>
          %parallel_loop3A_284 = vector.broadcast %add3A_158 : i32 to vector<16xi32>
          %parallel_loop3A_285 = arith.cmpi sle, %parallel_loop3A_283, %parallel_loop3A_284 : vector<16xi32>
          %parallel_loop3A_286 = arith.select %parallel_loop3A_285, %broadcast_in_dim3A_1, %broadcast_in_dim3A_3 : vector<16xi1>, vector<16xi32>
          %parallel_loop3A_287 = arith.addi %parallel_loop3A_251, %parallel_loop3A_286 : vector<16xi32>
          %parallel_loop3A_288 = arith.constant 112 : i32
          %parallel_loop3A_289 = arith.addi %parallel_loop3A_224, %parallel_loop3A_288 : i32
          %parallel_loop3A_290 = arith.index_cast %parallel_loop3A_289 : i32 to index
          %parallel_loop3A_291 = tpu.vector_load %arg6[%parallel_loop3A_290] {strides = array<i32>} : memref<8192xi32, #tpu.memory_space<vmem>>, vector<16xi32>,
          %parallel_loop3A_292 = vector.shape_cast %parallel_loop3A_291 : vector<16xi32> to vector<16xi32>
          %parallel_loop3A_293 = vector.broadcast %add3A_158 : i32 to vector<16xi32>
          %parallel_loop3A_294 = arith.cmpi sle, %parallel_loop3A_292, %parallel_loop3A_293 : vector<16xi32>
          %parallel_loop3A_295 = arith.select %parallel_loop3A_294, %broadcast_in_dim3A_1, %broadcast_in_dim3A_3 : vector<16xi1>, vector<16xi32>
          %parallel_loop3A_296 = arith.addi %parallel_loop3A_260, %parallel_loop3A_295 : vector<16xi32>
          %parallel_loop3A_297 = arith.constant 128 : i32
          %parallel_loop3A_298 = arith.addi %parallel_loop3A_224, %parallel_loop3A_297 : i32
          %parallel_loop3A_299 = arith.index_cast %parallel_loop3A_298 : i32 to index
          %parallel_loop3A_300 = tpu.vector_load %arg6[%parallel_loop3A_299] {strides = array<i32>} : memref<8192xi32, #tpu.memory_space<vmem>>, vector<16xi32>,
          %parallel_loop3A_301 = vector.shape_cast %parallel_loop3A_300 : vector<16xi32> to vector<16xi32>
          %parallel_loop3A_302 = vector.broadcast %add3A_158 : i32 to vector<16xi32>
          %parallel_loop3A_303 = arith.cmpi sle, %parallel_loop3A_301, %parallel_loop3A_302 : vector<16xi32>
          %parallel_loop3A_304 = arith.select %parallel_loop3A_303, %broadcast_in_dim3A_1, %broadcast_in_dim3A_3 : vector<16xi1>, vector<16xi32>
          %parallel_loop3A_305 = arith.addi %parallel_loop3A_269, %parallel_loop3A_304 : vector<16xi32>
          %parallel_loop3A_306 = arith.constant 144 : i32
          %parallel_loop3A_307 = arith.addi %parallel_loop3A_224, %parallel_loop3A_306 : i32
          %parallel_loop3A_308 = arith.index_cast %parallel_loop3A_307 : i32 to index
          %parallel_loop3A_309 = tpu.vector_load %arg6[%parallel_loop3A_308] {strides = array<i32>} : memref<8192xi32, #tpu.memory_space<vmem>>, vector<16xi32>,
          %parallel_loop3A_310 = vector.shape_cast %parallel_loop3A_309 : vector<16xi32> to vector<16xi32>
          %parallel_loop3A_311 = vector.broadcast %add3A_158 : i32 to vector<16xi32>
          %parallel_loop3A_312 = arith.cmpi sle, %parallel_loop3A_310, %parallel_loop3A_311 : vector<16xi32>
          %parallel_loop3A_313 = arith.select %parallel_loop3A_312, %broadcast_in_dim3A_1, %broadcast_in_dim3A_3 : vector<16xi1>, vector<16xi32>
          %parallel_loop3A_314 = arith.addi %parallel_loop3A_278, %parallel_loop3A_313 : vector<16xi32>
          %parallel_loop3A_315 = arith.constant 160 : i32
          %parallel_loop3A_316 = arith.addi %parallel_loop3A_224, %parallel_loop3A_315 : i32
          %parallel_loop3A_317 = arith.index_cast %parallel_loop3A_316 : i32 to index
          %parallel_loop3A_318 = tpu.vector_load %arg6[%parallel_loop3A_317] {strides = array<i32>} : memref<8192xi32, #tpu.memory_space<vmem>>, vector<16xi32>,
          %parallel_loop3A_319 = vector.shape_cast %parallel_loop3A_318 : vector<16xi32> to vector<16xi32>
          %parallel_loop3A_320 = vector.broadcast %add3A_158 : i32 to vector<16xi32>
          %parallel_loop3A_321 = arith.cmpi sle, %parallel_loop3A_319, %parallel_loop3A_320 : vector<16xi32>
          %parallel_loop3A_322 = arith.select %parallel_loop3A_321, %broadcast_in_dim3A_1, %broadcast_in_dim3A_3 : vector<16xi1>, vector<16xi32>
          %parallel_loop3A_323 = arith.addi %parallel_loop3A_287, %parallel_loop3A_322 : vector<16xi32>
          %parallel_loop3A_324 = arith.constant 176 : i32
          %parallel_loop3A_325 = arith.addi %parallel_loop3A_224, %parallel_loop3A_324 : i32
          %parallel_loop3A_326 = arith.index_cast %parallel_loop3A_325 : i32 to index
          %parallel_loop3A_327 = tpu.vector_load %arg6[%parallel_loop3A_326] {strides = array<i32>} : memref<8192xi32, #tpu.memory_space<vmem>>, vector<16xi32>,
          %parallel_loop3A_328 = vector.shape_cast %parallel_loop3A_327 : vector<16xi32> to vector<16xi32>
          %parallel_loop3A_329 = vector.broadcast %add3A_158 : i32 to vector<16xi32>
          %parallel_loop3A_330 = arith.cmpi sle, %parallel_loop3A_328, %parallel_loop3A_329 : vector<16xi32>
          %parallel_loop3A_331 = arith.select %parallel_loop3A_330, %broadcast_in_dim3A_1, %broadcast_in_dim3A_3 : vector<16xi1>, vector<16xi32>
          %parallel_loop3A_332 = arith.addi %parallel_loop3A_296, %parallel_loop3A_331 : vector<16xi32>
          %parallel_loop3A_333 = arith.constant 192 : i32
          %parallel_loop3A_334 = arith.addi %parallel_loop3A_224, %parallel_loop3A_333 : i32
          %parallel_loop3A_335 = arith.index_cast %parallel_loop3A_334 : i32 to index
          %parallel_loop3A_336 = tpu.vector_load %arg6[%parallel_loop3A_335] {strides = array<i32>} : memref<8192xi32, #tpu.memory_space<vmem>>, vector<16xi32>,
          %parallel_loop3A_337 = vector.shape_cast %parallel_loop3A_336 : vector<16xi32> to vector<16xi32>
          %parallel_loop3A_338 = vector.broadcast %add3A_158 : i32 to vector<16xi32>
          %parallel_loop3A_339 = arith.cmpi sle, %parallel_loop3A_337, %parallel_loop3A_338 : vector<16xi32>
          %parallel_loop3A_340 = arith.select %parallel_loop3A_339, %broadcast_in_dim3A_1, %broadcast_in_dim3A_3 : vector<16xi1>, vector<16xi32>
          %parallel_loop3A_341 = arith.addi %parallel_loop3A_305, %parallel_loop3A_340 : vector<16xi32>
          %parallel_loop3A_342 = arith.constant 208 : i32
          %parallel_loop3A_343 = arith.addi %parallel_loop3A_224, %parallel_loop3A_342 : i32
          %parallel_loop3A_344 = arith.index_cast %parallel_loop3A_343 : i32 to index
          %parallel_loop3A_345 = tpu.vector_load %arg6[%parallel_loop3A_344] {strides = array<i32>} : memref<8192xi32, #tpu.memory_space<vmem>>, vector<16xi32>,
          %parallel_loop3A_346 = vector.shape_cast %parallel_loop3A_345 : vector<16xi32> to vector<16xi32>
          %parallel_loop3A_347 = vector.broadcast %add3A_158 : i32 to vector<16xi32>
          %parallel_loop3A_348 = arith.cmpi sle, %parallel_loop3A_346, %parallel_loop3A_347 : vector<16xi32>
          %parallel_loop3A_349 = arith.select %parallel_loop3A_348, %broadcast_in_dim3A_1, %broadcast_in_dim3A_3 : vector<16xi1>, vector<16xi32>
          %parallel_loop3A_350 = arith.addi %parallel_loop3A_314, %parallel_loop3A_349 : vector<16xi32>
          %parallel_loop3A_351 = arith.constant 224 : i32
          %parallel_loop3A_352 = arith.addi %parallel_loop3A_224, %parallel_loop3A_351 : i32
          %parallel_loop3A_353 = arith.index_cast %parallel_loop3A_352 : i32 to index
          %parallel_loop3A_354 = tpu.vector_load %arg6[%parallel_loop3A_353] {strides = array<i32>} : memref<8192xi32, #tpu.memory_space<vmem>>, vector<16xi32>,
          %parallel_loop3A_355 = vector.shape_cast %parallel_loop3A_354 : vector<16xi32> to vector<16xi32>
          %parallel_loop3A_356 = vector.broadcast %add3A_158 : i32 to vector<16xi32>
          %parallel_loop3A_357 = arith.cmpi sle, %parallel_loop3A_355, %parallel_loop3A_356 : vector<16xi32>
          %parallel_loop3A_358 = arith.select %parallel_loop3A_357, %broadcast_in_dim3A_1, %broadcast_in_dim3A_3 : vector<16xi1>, vector<16xi32>
          %parallel_loop3A_359 = arith.addi %parallel_loop3A_323, %parallel_loop3A_358 : vector<16xi32>
          %parallel_loop3A_360 = arith.constant 240 : i32
          %parallel_loop3A_361 = arith.addi %parallel_loop3A_224, %parallel_loop3A_360 : i32
          %parallel_loop3A_362 = arith.index_cast %parallel_loop3A_361 : i32 to index
          %parallel_loop3A_363 = tpu.vector_load %arg6[%parallel_loop3A_362] {strides = array<i32>} : memref<8192xi32, #tpu.memory_space<vmem>>, vector<16xi32>,
          %parallel_loop3A_364 = vector.shape_cast %parallel_loop3A_363 : vector<16xi32> to vector<16xi32>
          %parallel_loop3A_365 = vector.broadcast %add3A_158 : i32 to vector<16xi32>
          %parallel_loop3A_366 = arith.cmpi sle, %parallel_loop3A_364, %parallel_loop3A_365 : vector<16xi32>
          %parallel_loop3A_367 = arith.select %parallel_loop3A_366, %broadcast_in_dim3A_1, %broadcast_in_dim3A_3 : vector<16xi1>, vector<16xi32>
          %parallel_loop3A_368 = arith.addi %parallel_loop3A_332, %parallel_loop3A_367 : vector<16xi32>
          scf.yield %parallel_loop3A_341, %parallel_loop3A_350, %parallel_loop3A_359, %parallel_loop3A_368 : vector<16xi32>, vector<16xi32>, vector<16xi32>, vector<16xi32>
        } {sc.loop_unroll_factor = 1 : i64, sc.parallel_access}
        %add3A_162 = arith.addi %parallel_loop3A_161#0, %parallel_loop3A_161#1 : vector<16xi32>
        %add3A_163 = arith.addi %parallel_loop3A_161#2, %parallel_loop3A_161#3 : vector<16xi32>
        %add3A_164 = arith.addi %add3A_162, %add3A_163 : vector<16xi32>
        %slice3A_165 = vector.extract_strided_slice %add3A_164 {offsets = [0], sizes = [1], strides = [1]} : vector<16xi32> to vector<1xi32>
        %squeeze3A_166 = vector.extract %slice3A_165[0] : i32 from vector<1xi32>
        %slice3A_167 = vector.extract_strided_slice %add3A_164 {offsets = [1], sizes = [1], strides = [1]} : vector<16xi32> to vector<1xi32>
        %squeeze3A_168 = vector.extract %slice3A_167[0] : i32 from vector<1xi32>
        %add3A_169 = arith.addi %squeeze3A_166, %squeeze3A_168 : i32
        %slice3A_170 = vector.extract_strided_slice %add3A_164 {offsets = [2], sizes = [1], strides = [1]} : vector<16xi32> to vector<1xi32>
        %squeeze3A_171 = vector.extract %slice3A_170[0] : i32 from vector<1xi32>
        %add3A_172 = arith.addi %add3A_169, %squeeze3A_171 : i32
        %slice3A_173 = vector.extract_strided_slice %add3A_164 {offsets = [3], sizes = [1], strides = [1]} : vector<16xi32> to vector<1xi32>
        %squeeze3A_174 = vector.extract %slice3A_173[0] : i32 from vector<1xi32>
        %add3A_175 = arith.addi %add3A_172, %squeeze3A_174 : i32
        %slice3A_176 = vector.extract_strided_slice %add3A_164 {offsets = [4], sizes = [1], strides = [1]} : vector<16xi32> to vector<1xi32>
        %squeeze3A_177 = vector.extract %slice3A_176[0] : i32 from vector<1xi32>
        %add3A_178 = arith.addi %add3A_175, %squeeze3A_177 : i32
        %slice3A_179 = vector.extract_strided_slice %add3A_164 {offsets = [5], sizes = [1], strides = [1]} : vector<16xi32> to vector<1xi32>
        %squeeze3A_180 = vector.extract %slice3A_179[0] : i32 from vector<1xi32>
        %add3A_181 = arith.addi %add3A_178, %squeeze3A_180 : i32
        %slice3A_182 = vector.extract_strided_slice %add3A_164 {offsets = [6], sizes = [1], strides = [1]} : vector<16xi32> to vector<1xi32>
        %squeeze3A_183 = vector.extract %slice3A_182[0] : i32 from vector<1xi32>
        %add3A_184 = arith.addi %add3A_181, %squeeze3A_183 : i32
        %slice3A_185 = vector.extract_strided_slice %add3A_164 {offsets = [7], sizes = [1], strides = [1]} : vector<16xi32> to vector<1xi32>
        %squeeze3A_186 = vector.extract %slice3A_185[0] : i32 from vector<1xi32>
        %add3A_187 = arith.addi %add3A_184, %squeeze3A_186 : i32
        %slice3A_188 = vector.extract_strided_slice %add3A_164 {offsets = [8], sizes = [1], strides = [1]} : vector<16xi32> to vector<1xi32>
        %squeeze3A_189 = vector.extract %slice3A_188[0] : i32 from vector<1xi32>
        %add3A_190 = arith.addi %add3A_187, %squeeze3A_189 : i32
        %slice3A_191 = vector.extract_strided_slice %add3A_164 {offsets = [9], sizes = [1], strides = [1]} : vector<16xi32> to vector<1xi32>
        %squeeze3A_192 = vector.extract %slice3A_191[0] : i32 from vector<1xi32>
        %add3A_193 = arith.addi %add3A_190, %squeeze3A_192 : i32
        %slice3A_194 = vector.extract_strided_slice %add3A_164 {offsets = [10], sizes = [1], strides = [1]} : vector<16xi32> to vector<1xi32>
        %squeeze3A_195 = vector.extract %slice3A_194[0] : i32 from vector<1xi32>
        %add3A_196 = arith.addi %add3A_193, %squeeze3A_195 : i32
        %slice3A_197 = vector.extract_strided_slice %add3A_164 {offsets = [11], sizes = [1], strides = [1]} : vector<16xi32> to vector<1xi32>
        %squeeze3A_198 = vector.extract %slice3A_197[0] : i32 from vector<1xi32>
        %add3A_199 = arith.addi %add3A_196, %squeeze3A_198 : i32
        %slice3A_200 = vector.extract_strided_slice %add3A_164 {offsets = [12], sizes = [1], strides = [1]} : vector<16xi32> to vector<1xi32>
        %squeeze3A_201 = vector.extract %slice3A_200[0] : i32 from vector<1xi32>
        %add3A_202 = arith.addi %add3A_199, %squeeze3A_201 : i32
        %slice3A_203 = vector.extract_strided_slice %add3A_164 {offsets = [13], sizes = [1], strides = [1]} : vector<16xi32> to vector<1xi32>
        %squeeze3A_204 = vector.extract %slice3A_203[0] : i32 from vector<1xi32>
        %add3A_205 = arith.addi %add3A_202, %squeeze3A_204 : i32
        %slice3A_206 = vector.extract_strided_slice %add3A_164 {offsets = [14], sizes = [1], strides = [1]} : vector<16xi32> to vector<1xi32>
        %squeeze3A_207 = vector.extract %slice3A_206[0] : i32 from vector<1xi32>
        %add3A_208 = arith.addi %add3A_205, %squeeze3A_207 : i32
        %slice3A_209 = vector.extract_strided_slice %add3A_164 {offsets = [15], sizes = [1], strides = [1]} : vector<16xi32> to vector<1xi32>
        %squeeze3A_210 = vector.extract %slice3A_209[0] : i32 from vector<1xi32>
        %add3A_211 = arith.addi %add3A_208, %squeeze3A_210 : i32
        %add3A_212 = arith.constant 1 : i32
        %add3A_213 = arith.addi %select_n3A_125, %add3A_212 : i32
        %ge3A = arith.cmpi sge, %add3A_211, %add3A_213 : i32
        %add3A_214 = arith.constant 1 : i32
        %add3A_215 = arith.addi %add3A_158, %add3A_214 : i32
        %select_n3A_216 = arith.select %ge3A, %scan3A_154, %add3A_215 : i32
        %select_n3A_217 = arith.select %ge3A, %add3A_158, %scan3A_155 : i32
        scf.yield %select_n3A_216, %select_n3A_217 : i32, i32
      }
      %scan3A_147 = arith.constant 16 : i32
      %broadcast_in_dim3A_148 = vector.broadcast %scan3A_146#0 : i32 to vector<16xi32>
      %swap3A_149 = arith.constant 0 : index
      %swap3A_150 = tpu.vector_load %arg9[%swap3A_149] {strides = array<i32>} : memref<16xi32, #tpu.memory_space<vmem>>, vector<16xi32>,
      %swap3A_151 = vector.shape_cast %swap3A_150 : vector<16xi32> to vector<16xi32>
      %swap3A_152 = vector.shape_cast %broadcast_in_dim3A_148 : vector<16xi32> to vector<16xi32>
      tpu.vector_store %arg9[%swap3A_149], %swap3A_152 {strides = array<i32>} : memref<16xi32, #tpu.memory_space<vmem>>, vector<16xi32>,
      "tpu.region"() ({
        %run_scoped3A = tpu.sem_alloc : memref<!tpu.dma_semaphore, #tpu.memory_space<semaphore_mem>>
        %dma_start3A = arith.constant 0 : i32
        %dma_start3A_153 = tpu.memref_slice %arg5[%add3A_73, %dma_start3A] : memref<64x16xi32, #tpu.memory_space<hbm>> -> memref<1x16xi32, #tpu.memory_space<hbm>>
        %dma_start3A_154 = tpu.memref_squeeze %dma_start3A_153 : memref<1x16xi32, #tpu.memory_space<hbm>> -> memref<16xi32, #tpu.memory_space<hbm>>
        %dma_start3A_155 = arith.constant 0 : i32
        %dma_start3A_156 = tpu.memref_slice %arg5[%add3A_73, %dma_start3A_155] : memref<64x16xi32, #tpu.memory_space<hbm>> -> memref<1x16xi32, #tpu.memory_space<hbm>>
        %dma_start3A_157 = tpu.memref_squeeze %dma_start3A_156 : memref<1x16xi32, #tpu.memory_space<hbm>> -> memref<16xi32, #tpu.memory_space<hbm>>
        tpu.enqueue_dma source(%arg9 : memref<16xi32, #tpu.memory_space<vmem>>) target(%dma_start3A_157 : memref<16xi32, #tpu.memory_space<hbm>>) target_semaphore(%run_scoped3A : memref<!tpu.dma_semaphore, #tpu.memory_space<semaphore_mem>>)
        %dma_wait3A = arith.constant 0 : i32
        %dma_wait3A_158 = tpu.memref_slice %arg5[%add3A_73, %dma_wait3A] : memref<64x16xi32, #tpu.memory_space<hbm>> -> memref<1x16xi32, #tpu.memory_space<hbm>>
        %dma_wait3A_159 = tpu.memref_squeeze %dma_wait3A_158 : memref<1x16xi32, #tpu.memory_space<hbm>> -> memref<16xi32, #tpu.memory_space<hbm>>
        %dma_wait3A_160 = arith.constant 0 : i32
        %dma_wait3A_161 = tpu.memref_slice %arg5[%add3A_73, %dma_wait3A_160] : memref<64x16xi32, #tpu.memory_space<hbm>> -> memref<1x16xi32, #tpu.memory_space<hbm>>
        %dma_wait3A_162 = tpu.memref_squeeze %dma_wait3A_161 : memref<1x16xi32, #tpu.memory_space<hbm>> -> memref<16xi32, #tpu.memory_space<hbm>>
        tpu.wait_dma2 semaphore(%run_scoped3A : memref<!tpu.dma_semaphore, #tpu.memory_space<semaphore_mem>>) src(%arg9 : memref<16xi32, #tpu.memory_space<vmem>>) dst(%dma_wait3A_162 : memref<16xi32, #tpu.memory_space<hbm>>)
        tpu.yield
      }) : () -> ()
    } else {
    }
    return
  }
}

module attributes {stable_mosaic.version = 14 : i64} {
  func.func @_prep_body(%arg0: memref<3x12x8192xf32, #tpu.memory_space<vmem>>, %arg1: memref<12x8192xf32, #tpu.memory_space<vmem>>, %arg2: memref<12x8192xf32, #tpu.memory_space<vmem>>, %arg3: memref<12x8192xf32, #tpu.memory_space<vmem>>, %arg4: memref<12x8192xi32, #tpu.memory_space<vmem>>, %arg5: memref<12x4096xi32, #tpu.memory_space<vmem>>, %arg6: memref<12x128xi32, #tpu.memory_space<vmem>>) attributes {dimension_semantics = [], scalar_prefetch = 0 : i64, scratch_operands = 0 : i64, tpu.core_type = #tpu.core_type<tc>} {
    %get3A = arith.constant 0 : index
    %get3A_0 = arith.constant 0 : index
    %get3A_1 = arith.constant 0 : index
    %get3A_2 = vector.load %arg0[%get3A, %get3A_0, %get3A_1] : memref<3x12x8192xf32, #tpu.memory_space<vmem>>, vector<1x12x8192xf32>
    %get3A_3 = vector.shape_cast %get3A_2 : vector<1x12x8192xf32> to vector<12x8192xf32>
    %get3A_4 = arith.constant 1 : index
    %get3A_5 = arith.constant 0 : index
    %get3A_6 = arith.constant 0 : index
    %get3A_7 = vector.load %arg0[%get3A_4, %get3A_5, %get3A_6] : memref<3x12x8192xf32, #tpu.memory_space<vmem>>, vector<1x12x8192xf32>
    %get3A_8 = vector.shape_cast %get3A_7 : vector<1x12x8192xf32> to vector<12x8192xf32>
    %get3A_9 = arith.constant 2 : index
    %get3A_10 = arith.constant 0 : index
    %get3A_11 = arith.constant 0 : index
    %get3A_12 = vector.load %arg0[%get3A_9, %get3A_10, %get3A_11] : memref<3x12x8192xf32, #tpu.memory_space<vmem>>, vector<1x12x8192xf32>
    %get3A_13 = vector.shape_cast %get3A_12 : vector<1x12x8192xf32> to vector<12x8192xf32>
    %add3A = arith.constant 9.99999993E-9 : f32
    %add3A_14 = vector.broadcast %add3A : f32 to vector<12x8192xf32>
    %add3A_15 = arith.addf %get3A_3, %add3A_14 : vector<12x8192xf32>
    %log3A = math.log %add3A_15 : vector<12x8192xf32>
    %mul3A = arith.mulf %get3A_3, %log3A : vector<12x8192xf32>
    %add3A_16 = arith.constant 9.99999993E-9 : f32
    %add3A_17 = vector.broadcast %add3A_16 : f32 to vector<12x8192xf32>
    %add3A_18 = arith.addf %get3A_8, %add3A_17 : vector<12x8192xf32>
    %log3A_19 = math.log %add3A_18 : vector<12x8192xf32>
    %mul3A_20 = arith.mulf %get3A_8, %log3A_19 : vector<12x8192xf32>
    %add3A_21 = arith.addf %mul3A, %mul3A_20 : vector<12x8192xf32>
    %add3A_22 = arith.constant 9.99999993E-9 : f32
    %add3A_23 = vector.broadcast %add3A_22 : f32 to vector<12x8192xf32>
    %add3A_24 = arith.addf %get3A_13, %add3A_23 : vector<12x8192xf32>
    %log3A_25 = math.log %add3A_24 : vector<12x8192xf32>
    %mul3A_26 = arith.mulf %get3A_13, %log3A_25 : vector<12x8192xf32>
    %add3A_27 = arith.addf %add3A_21, %mul3A_26 : vector<12x8192xf32>
    %neg3A = arith.constant 0.000000e+00 : f32
    %neg3A_28 = vector.broadcast %neg3A : f32 to vector<12x8192xf32>
    %neg3A_29 = arith.subf %neg3A_28, %add3A_27 : vector<12x8192xf32>
    %log3A_30 = arith.constant 3.000000e+00 : f32
    %log3A_31 = math.log %log3A_30 : f32
    %max3A = arith.constant 9.99999993E-9 : f32
    %max3A_32 = arith.maximumf %log3A_31, %max3A : f32
    %div3A = vector.broadcast %max3A_32 : f32 to vector<12x8192xf32>
    %div3A_33 = arith.divf %neg3A_29, %div3A : vector<12x8192xf32>
    %jit3A = arith.constant 0.000000e+00 : f32
    %jit3A_34 = arith.constant 1.000000e+00 : f32
    %max3A_35 = vector.broadcast %jit3A : f32 to vector<12x8192xf32>
    %max3A_36 = arith.maximumf %max3A_35, %div3A_33 : vector<12x8192xf32>
    %min3A = vector.broadcast %jit3A_34 : f32 to vector<12x8192xf32>
    %min3A_37 = arith.minimumf %min3A, %max3A_36 : vector<12x8192xf32>
    %sub3A = arith.constant 1.000000e+00 : f32
    %sub3A_38 = vector.broadcast %sub3A : f32 to vector<12x8192xf32>
    %sub3A_39 = arith.subf %sub3A_38, %min3A_37 : vector<12x8192xf32>
    %ge3A = arith.constant 1.500000e-01 : f32
    %ge3A_40 = vector.broadcast %ge3A : f32 to vector<12x8192xf32>
    %ge3A_41 = arith.cmpf oge, %sub3A_39, %ge3A_40 : vector<12x8192xf32>
    %get3A_42 = arith.constant 0 : index
    %get3A_43 = arith.constant 0 : index
    %get3A_44 = vector.load %arg1[%get3A_42, %get3A_43] : memref<12x8192xf32, #tpu.memory_space<vmem>>, vector<12x8192xf32>
    %get3A_45 = arith.constant 0 : index
    %get3A_46 = arith.constant 0 : index
    %get3A_47 = vector.load %arg2[%get3A_45, %get3A_46] : memref<12x8192xf32, #tpu.memory_space<vmem>>, vector<12x8192xf32>
    %sub3A_48 = arith.subf %get3A_44, %get3A_47 : vector<12x8192xf32>
    %abs3A = math.absf %sub3A_48 : vector<12x8192xf32>
    %jit3A_49 = arith.constant 0x7F800000 : f32
    %broadcast_in_dim3A = vector.broadcast %jit3A_49 : f32 to vector<12x8192xf32>
    %select_n3A = arith.select %ge3A_41, %abs3A, %broadcast_in_dim3A : vector<12x8192xi1>, vector<12x8192xf32>
    %swap3A = arith.constant 0 : index
    %swap3A_50 = arith.constant 0 : index
    %swap3A_51 = vector.load %arg3[%swap3A, %swap3A_50] : memref<12x8192xf32, #tpu.memory_space<vmem>>, vector<12x8192xf32>
    tpu.vector_store %arg3[%swap3A, %swap3A_50], %select_n3A {strides = array<i32>} : memref<12x8192xf32, #tpu.memory_space<vmem>>, vector<12x8192xf32>,
    %bitcast_convert_type3A = tpu.bitcast %select_n3A : vector<12x8192xf32> -> vector<12x8192xi32>
    %swap3A_52 = arith.constant 0 : index
    %swap3A_53 = arith.constant 0 : index
    %swap3A_54 = vector.load %arg4[%swap3A_52, %swap3A_53] : memref<12x8192xi32, #tpu.memory_space<vmem>>, vector<12x8192xi32>
    tpu.vector_store %arg4[%swap3A_52, %swap3A_53], %bitcast_convert_type3A {strides = array<i32>} : memref<12x8192xi32, #tpu.memory_space<vmem>>, vector<12x8192xi32>,
    %shift_right_logical3A = arith.constant 16 : i32
    %shift_right_logical3A_55 = vector.broadcast %shift_right_logical3A : i32 to vector<12x8192xi32>
    %shift_right_logical3A_56 = arith.shrui %bitcast_convert_type3A, %shift_right_logical3A_55 : vector<12x8192xi32>
    %slice3A = vector.extract_strided_slice %shift_right_logical3A_56 {offsets = [0, 0], sizes = [12, 4096], strides = [1, 1]} : vector<12x8192xi32> to vector<12x4096xi32>
    %shift_left3A = arith.constant 16 : i32
    %shift_left3A_57 = vector.broadcast %shift_left3A : i32 to vector<12x4096xi32>
    %shift_left3A_58 = arith.shli %slice3A, %shift_left3A_57 : vector<12x4096xi32>
    %slice3A_59 = vector.extract_strided_slice %shift_right_logical3A_56 {offsets = [0, 4096], sizes = [12, 4096], strides = [1, 1]} : vector<12x8192xi32> to vector<12x4096xi32>
    %or3A = arith.ori %shift_left3A_58, %slice3A_59 : vector<12x4096xi32>
    %swap3A_60 = arith.constant 0 : index
    %swap3A_61 = arith.constant 0 : index
    %swap3A_62 = vector.load %arg5[%swap3A_60, %swap3A_61] : memref<12x4096xi32, #tpu.memory_space<vmem>>, vector<12x4096xi32>
    tpu.vector_store %arg5[%swap3A_60, %swap3A_61], %or3A {strides = array<i32>} : memref<12x4096xi32, #tpu.memory_space<vmem>>, vector<12x4096xi32>,
    %jit3A_63 = arith.constant 1.000000e+00 : f32
    %jit3A_64 = arith.constant 0.000000e+00 : f32
    %broadcast_in_dim3A_65 = vector.broadcast %jit3A_63 : f32 to vector<12x8192xf32>
    %broadcast_in_dim3A_66 = vector.broadcast %jit3A_64 : f32 to vector<12x8192xf32>
    %select_n3A_67 = arith.select %ge3A_41, %broadcast_in_dim3A_65, %broadcast_in_dim3A_66 : vector<12x8192xi1>, vector<12x8192xf32>
    %reduce_sum3A = arith.constant dense<0.000000e+00> : vector<12xf32>
    %reduce_sum3A_68 = vector.multi_reduction <add>, %select_n3A_67, %reduce_sum3A [1] : vector<12x8192xf32> to vector<12xf32>
    %broadcast_in_dim3A_69 = vector.shape_cast %reduce_sum3A_68 : vector<12xf32> to vector<12x1xf32>
    %sub3A_70 = arith.constant 1.000000e+00 : f32
    %sub3A_71 = vector.broadcast %sub3A_70 : f32 to vector<12x1xf32>
    %sub3A_72 = arith.subf %broadcast_in_dim3A_69, %sub3A_71 : vector<12x1xf32>
    %mul3A_73 = arith.constant 0.699999988 : f32
    %mul3A_74 = vector.broadcast %mul3A_73 : f32 to vector<12x1xf32>
    %mul3A_75 = arith.mulf %mul3A_74, %sub3A_72 : vector<12x1xf32>
    %floor3A = math.floor %mul3A_75 : vector<12x1xf32>
    %convert_element_type3A = arith.fptosi %floor3A : vector<12x1xf32> to vector<12x1xi32>
    %jit3A_76 = arith.constant 0 : i32
    %jit3A_77 = arith.constant 8191 : i32
    %max3A_78 = vector.broadcast %jit3A_76 : i32 to vector<12x1xi32>
    %max3A_79 = arith.maxsi %max3A_78, %convert_element_type3A : vector<12x1xi32>
    %min3A_80 = vector.broadcast %jit3A_77 : i32 to vector<12x1xi32>
    %min3A_81 = arith.minsi %min3A_80, %max3A_79 : vector<12x1xi32>
    %ceil3A = math.ceil %mul3A_75 : vector<12x1xf32>
    %convert_element_type3A_82 = arith.fptosi %ceil3A : vector<12x1xf32> to vector<12x1xi32>
    %jit3A_83 = arith.constant 0 : i32
    %jit3A_84 = arith.constant 8191 : i32
    %max3A_85 = vector.broadcast %jit3A_83 : i32 to vector<12x1xi32>
    %max3A_86 = arith.maxsi %max3A_85, %convert_element_type3A_82 : vector<12x1xi32>
    %min3A_87 = vector.broadcast %jit3A_84 : i32 to vector<12x1xi32>
    %min3A_88 = arith.minsi %min3A_87, %max3A_86 : vector<12x1xi32>
    %sub3A_89 = arith.constant 1.000000e+00 : f32
    %sub3A_90 = vector.broadcast %sub3A_89 : f32 to vector<12x1xf32>
    %sub3A_91 = arith.subf %broadcast_in_dim3A_69, %sub3A_90 : vector<12x1xf32>
    %mul3A_92 = arith.constant 3.000000e-01 : f32
    %mul3A_93 = vector.broadcast %mul3A_92 : f32 to vector<12x1xf32>
    %mul3A_94 = arith.mulf %mul3A_93, %sub3A_91 : vector<12x1xf32>
    %floor3A_95 = math.floor %mul3A_94 : vector<12x1xf32>
    %convert_element_type3A_96 = arith.fptosi %floor3A_95 : vector<12x1xf32> to vector<12x1xi32>
    %jit3A_97 = arith.constant 0 : i32
    %jit3A_98 = arith.constant 8191 : i32
    %max3A_99 = vector.broadcast %jit3A_97 : i32 to vector<12x1xi32>
    %max3A_100 = arith.maxsi %max3A_99, %convert_element_type3A_96 : vector<12x1xi32>
    %min3A_101 = vector.broadcast %jit3A_98 : i32 to vector<12x1xi32>
    %min3A_102 = arith.minsi %min3A_101, %max3A_100 : vector<12x1xi32>
    %ceil3A_103 = math.ceil %mul3A_94 : vector<12x1xf32>
    %convert_element_type3A_104 = arith.fptosi %ceil3A_103 : vector<12x1xf32> to vector<12x1xi32>
    %jit3A_105 = arith.constant 0 : i32
    %jit3A_106 = arith.constant 8191 : i32
    %max3A_107 = vector.broadcast %jit3A_105 : i32 to vector<12x1xi32>
    %max3A_108 = arith.maxsi %max3A_107, %convert_element_type3A_104 : vector<12x1xi32>
    %min3A_109 = vector.broadcast %jit3A_106 : i32 to vector<12x1xi32>
    %min3A_110 = arith.minsi %min3A_109, %max3A_108 : vector<12x1xi32>
    %convert_element_type3A_111 = arith.fptosi %broadcast_in_dim3A_69 : vector<12x1xf32> to vector<12x1xi32>
    %sub3A_112 = arith.constant 1 : i32
    %sub3A_113 = vector.broadcast %sub3A_112 : i32 to vector<12x1xi32>
    %sub3A_114 = arith.subi %convert_element_type3A_111, %sub3A_113 : vector<12x1xi32>
    %shift_right_arithmetic3A = arith.constant 1 : i32
    %shift_right_arithmetic3A_115 = vector.broadcast %shift_right_arithmetic3A : i32 to vector<12x1xi32>
    %shift_right_arithmetic3A_116 = arith.shrsi %sub3A_114, %shift_right_arithmetic3A_115 : vector<12x1xi32>
    %jit3A_117 = arith.constant 0 : i32
    %jit3A_118 = arith.constant 8191 : i32
    %max3A_119 = vector.broadcast %jit3A_117 : i32 to vector<12x1xi32>
    %max3A_120 = arith.maxsi %max3A_119, %shift_right_arithmetic3A_116 : vector<12x1xi32>
    %min3A_121 = vector.broadcast %jit3A_118 : i32 to vector<12x1xi32>
    %min3A_122 = arith.minsi %min3A_121, %max3A_120 : vector<12x1xi32>
    %iota3A = tpu.iota {dimensions = array<i32: 1>} : vector<12x128xi32>
    %eq3A = arith.constant 0 : i32
    %eq3A_123 = vector.broadcast %eq3A : i32 to vector<12x128xi32>
    %eq3A_124 = arith.cmpi eq, %iota3A, %eq3A_123 : vector<12x128xi32>
    %eq3A_125 = arith.constant 1 : i32
    %eq3A_126 = vector.broadcast %eq3A_125 : i32 to vector<12x128xi32>
    %eq3A_127 = arith.cmpi eq, %iota3A, %eq3A_126 : vector<12x128xi32>
    %eq3A_128 = arith.constant 2 : i32
    %eq3A_129 = vector.broadcast %eq3A_128 : i32 to vector<12x128xi32>
    %eq3A_130 = arith.cmpi eq, %iota3A, %eq3A_129 : vector<12x128xi32>
    %eq3A_131 = arith.constant 3 : i32
    %eq3A_132 = vector.broadcast %eq3A_131 : i32 to vector<12x128xi32>
    %eq3A_133 = arith.cmpi eq, %iota3A, %eq3A_132 : vector<12x128xi32>
    %eq3A_134 = arith.constant 4 : i32
    %eq3A_135 = vector.broadcast %eq3A_134 : i32 to vector<12x128xi32>
    %eq3A_136 = arith.cmpi eq, %iota3A, %eq3A_135 : vector<12x128xi32>
    %jit3A_137 = arith.constant 0 : i32
    %broadcast_in_dim3A_138 = vector.shape_cast %min3A_122 : vector<12x1xi32> to vector<12x1xi32>
    %broadcast_in_dim3A_139 = vector.broadcast %broadcast_in_dim3A_138 : vector<12x1xi32> to vector<12x128xi32>
    %broadcast_in_dim3A_140 = vector.broadcast %jit3A_137 : i32 to vector<12x128xi32>
    %select_n3A_141 = arith.select %eq3A_136, %broadcast_in_dim3A_139, %broadcast_in_dim3A_140 : vector<12x128xi1>, vector<12x128xi32>
    %broadcast_in_dim3A_142 = vector.shape_cast %min3A_110 : vector<12x1xi32> to vector<12x1xi32>
    %broadcast_in_dim3A_143 = vector.broadcast %broadcast_in_dim3A_142 : vector<12x1xi32> to vector<12x128xi32>
    %select_n3A_144 = arith.select %eq3A_133, %broadcast_in_dim3A_143, %select_n3A_141 : vector<12x128xi1>, vector<12x128xi32>
    %broadcast_in_dim3A_145 = vector.shape_cast %min3A_102 : vector<12x1xi32> to vector<12x1xi32>
    %broadcast_in_dim3A_146 = vector.broadcast %broadcast_in_dim3A_145 : vector<12x1xi32> to vector<12x128xi32>
    %select_n3A_147 = arith.select %eq3A_130, %broadcast_in_dim3A_146, %select_n3A_144 : vector<12x128xi1>, vector<12x128xi32>
    %broadcast_in_dim3A_148 = vector.shape_cast %min3A_88 : vector<12x1xi32> to vector<12x1xi32>
    %broadcast_in_dim3A_149 = vector.broadcast %broadcast_in_dim3A_148 : vector<12x1xi32> to vector<12x128xi32>
    %select_n3A_150 = arith.select %eq3A_127, %broadcast_in_dim3A_149, %select_n3A_147 : vector<12x128xi1>, vector<12x128xi32>
    %broadcast_in_dim3A_151 = vector.shape_cast %min3A_81 : vector<12x1xi32> to vector<12x1xi32>
    %broadcast_in_dim3A_152 = vector.broadcast %broadcast_in_dim3A_151 : vector<12x1xi32> to vector<12x128xi32>
    %select_n3A_153 = arith.select %eq3A_124, %broadcast_in_dim3A_152, %select_n3A_150 : vector<12x128xi1>, vector<12x128xi32>
    %swap3A_154 = arith.constant 0 : index
    %swap3A_155 = arith.constant 0 : index
    %swap3A_156 = vector.load %arg6[%swap3A_154, %swap3A_155] : memref<12x128xi32, #tpu.memory_space<vmem>>, vector<12x128xi32>
    tpu.vector_store %arg6[%swap3A_154, %swap3A_155], %select_n3A_153 {strides = array<i32>} : memref<12x128xi32, #tpu.memory_space<vmem>>, vector<12x128xi32>,
    return
  }
}

module attributes {stable_mosaic.version = 14 : i64} {
  func.func @_finalize_body(%arg0: memref<12x8192xf32, #tpu.memory_space<vmem>>, %arg1: memref<12x5xi32, #tpu.memory_space<vmem>>, %arg2: memref<12x8192xf32, #tpu.memory_space<vmem>>, %arg3: memref<12x8192xf32, #tpu.memory_space<vmem>>, %arg4: memref<12x8192xf32, #tpu.memory_space<vmem>>, %arg5: memref<12x8192xf32, #tpu.memory_space<vmem>>) attributes {dimension_semantics = [], scalar_prefetch = 0 : i64, scratch_operands = 0 : i64, tpu.core_type = #tpu.core_type<tc>} {
    %get3A = arith.constant 0 : index
    %get3A_0 = arith.constant 0 : index
    %get3A_1 = vector.load %arg0[%get3A, %get3A_0] : memref<12x8192xf32, #tpu.memory_space<vmem>>, vector<12x8192xf32>
    %lt3A = arith.constant 0x7F800000 : f32
    %lt3A_2 = vector.broadcast %lt3A : f32 to vector<12x8192xf32>
    %lt3A_3 = arith.cmpf olt, %get3A_1, %lt3A_2 : vector<12x8192xf32>
    %get3A_4 = arith.constant 0 : index
    %get3A_5 = arith.constant 0 : index
    %get3A_6 = vector.load %arg2[%get3A_4, %get3A_5] : memref<12x8192xf32, #tpu.memory_space<vmem>>, vector<12x8192xf32>
    %get3A_7 = arith.constant 0 : index
    %get3A_8 = arith.constant 0 : index
    %get3A_9 = vector.load %arg3[%get3A_7, %get3A_8] : memref<12x8192xf32, #tpu.memory_space<vmem>>, vector<12x8192xf32>
    %sub3A = arith.subf %get3A_6, %get3A_9 : vector<12x8192xf32>
    %abs3A = math.absf %sub3A : vector<12x8192xf32>
    %jit3A = arith.constant 0xFF800000 : f32
    %broadcast_in_dim3A = vector.broadcast %jit3A : f32 to vector<12x8192xf32>
    %select_n3A = arith.select %lt3A_3, %abs3A, %broadcast_in_dim3A : vector<12x8192xi1>, vector<12x8192xf32>
    %get3A_10 = arith.constant 0 : index
    %get3A_11 = arith.constant 0 : index
    %get3A_12 = vector.load %arg1[%get3A_10, %get3A_11] : memref<12x5xi32, #tpu.memory_space<vmem>>, vector<12x1xi32>
    %bitcast_convert_type3A = tpu.bitcast %get3A_12 : vector<12x1xi32> -> vector<12x1xf32>
    %get3A_13 = arith.constant 0 : index
    %get3A_14 = arith.constant 1 : index
    %get3A_15 = vector.load %arg1[%get3A_13, %get3A_14] : memref<12x5xi32, #tpu.memory_space<vmem>>, vector<12x1xi32>
    %bitcast_convert_type3A_16 = tpu.bitcast %get3A_15 : vector<12x1xi32> -> vector<12x1xf32>
    %get3A_17 = arith.constant 0 : index
    %get3A_18 = arith.constant 2 : index
    %get3A_19 = vector.load %arg1[%get3A_17, %get3A_18] : memref<12x5xi32, #tpu.memory_space<vmem>>, vector<12x1xi32>
    %bitcast_convert_type3A_20 = tpu.bitcast %get3A_19 : vector<12x1xi32> -> vector<12x1xf32>
    %get3A_21 = arith.constant 0 : index
    %get3A_22 = arith.constant 3 : index
    %get3A_23 = vector.load %arg1[%get3A_21, %get3A_22] : memref<12x5xi32, #tpu.memory_space<vmem>>, vector<12x1xi32>
    %bitcast_convert_type3A_24 = tpu.bitcast %get3A_23 : vector<12x1xi32> -> vector<12x1xf32>
    %get3A_25 = arith.constant 0 : index
    %get3A_26 = arith.constant 4 : index
    %get3A_27 = vector.load %arg1[%get3A_25, %get3A_26] : memref<12x5xi32, #tpu.memory_space<vmem>>, vector<12x1xi32>
    %bitcast_convert_type3A_28 = tpu.bitcast %get3A_27 : vector<12x1xi32> -> vector<12x1xf32>
    %jit3A_29 = arith.constant 1.000000e+00 : f32
    %jit3A_30 = arith.constant 0.000000e+00 : f32
    %broadcast_in_dim3A_31 = vector.broadcast %jit3A_29 : f32 to vector<12x8192xf32>
    %broadcast_in_dim3A_32 = vector.broadcast %jit3A_30 : f32 to vector<12x8192xf32>
    %select_n3A_33 = arith.select %lt3A_3, %broadcast_in_dim3A_31, %broadcast_in_dim3A_32 : vector<12x8192xi1>, vector<12x8192xf32>
    %reduce_sum3A = arith.constant dense<0.000000e+00> : vector<12xf32>
    %reduce_sum3A_34 = vector.multi_reduction <add>, %select_n3A_33, %reduce_sum3A [1] : vector<12x8192xf32> to vector<12xf32>
    %broadcast_in_dim3A_35 = vector.shape_cast %reduce_sum3A_34 : vector<12xf32> to vector<12x1xf32>
    %sub3A_36 = arith.constant 1.000000e+00 : f32
    %sub3A_37 = vector.broadcast %sub3A_36 : f32 to vector<12x1xf32>
    %sub3A_38 = arith.subf %broadcast_in_dim3A_35, %sub3A_37 : vector<12x1xf32>
    %mul3A = arith.constant 0.699999988 : f32
    %mul3A_39 = vector.broadcast %mul3A : f32 to vector<12x1xf32>
    %mul3A_40 = arith.mulf %mul3A_39, %sub3A_38 : vector<12x1xf32>
    %floor3A = math.floor %mul3A_40 : vector<12x1xf32>
    %convert_element_type3A = arith.fptosi %floor3A : vector<12x1xf32> to vector<12x1xi32>
    %jit3A_41 = arith.constant 0 : i32
    %jit3A_42 = arith.constant 8191 : i32
    %max3A = vector.broadcast %jit3A_41 : i32 to vector<12x1xi32>
    %max3A_43 = arith.maxsi %max3A, %convert_element_type3A : vector<12x1xi32>
    %min3A = vector.broadcast %jit3A_42 : i32 to vector<12x1xi32>
    %min3A_44 = arith.minsi %min3A, %max3A_43 : vector<12x1xi32>
    %convert_element_type3A_45 = arith.sitofp %min3A_44 : vector<12x1xi32> to vector<12x1xf32>
    %sub3A_46 = arith.subf %mul3A_40, %convert_element_type3A_45 : vector<12x1xf32>
    %sub3A_47 = arith.subf %bitcast_convert_type3A_16, %bitcast_convert_type3A : vector<12x1xf32>
    %mul3A_48 = arith.mulf %sub3A_46, %sub3A_47 : vector<12x1xf32>
    %add3A = arith.addf %bitcast_convert_type3A, %mul3A_48 : vector<12x1xf32>
    %sub3A_49 = arith.constant 1.000000e+00 : f32
    %sub3A_50 = vector.broadcast %sub3A_49 : f32 to vector<12x1xf32>
    %sub3A_51 = arith.subf %broadcast_in_dim3A_35, %sub3A_50 : vector<12x1xf32>
    %mul3A_52 = arith.constant 3.000000e-01 : f32
    %mul3A_53 = vector.broadcast %mul3A_52 : f32 to vector<12x1xf32>
    %mul3A_54 = arith.mulf %mul3A_53, %sub3A_51 : vector<12x1xf32>
    %floor3A_55 = math.floor %mul3A_54 : vector<12x1xf32>
    %convert_element_type3A_56 = arith.fptosi %floor3A_55 : vector<12x1xf32> to vector<12x1xi32>
    %jit3A_57 = arith.constant 0 : i32
    %jit3A_58 = arith.constant 8191 : i32
    %max3A_59 = vector.broadcast %jit3A_57 : i32 to vector<12x1xi32>
    %max3A_60 = arith.maxsi %max3A_59, %convert_element_type3A_56 : vector<12x1xi32>
    %min3A_61 = vector.broadcast %jit3A_58 : i32 to vector<12x1xi32>
    %min3A_62 = arith.minsi %min3A_61, %max3A_60 : vector<12x1xi32>
    %convert_element_type3A_63 = arith.sitofp %min3A_62 : vector<12x1xi32> to vector<12x1xf32>
    %sub3A_64 = arith.subf %mul3A_54, %convert_element_type3A_63 : vector<12x1xf32>
    %sub3A_65 = arith.subf %bitcast_convert_type3A_24, %bitcast_convert_type3A_20 : vector<12x1xf32>
    %mul3A_66 = arith.mulf %sub3A_64, %sub3A_65 : vector<12x1xf32>
    %add3A_67 = arith.addf %bitcast_convert_type3A_20, %mul3A_66 : vector<12x1xf32>
    %ge3A = vector.broadcast %add3A : vector<12x1xf32> to vector<12x8192xf32>
    %ge3A_68 = arith.cmpf oge, %select_n3A, %ge3A : vector<12x8192xf32>
    %le3A = vector.broadcast %add3A_67 : vector<12x1xf32> to vector<12x8192xf32>
    %le3A_69 = arith.cmpf ole, %get3A_1, %le3A : vector<12x8192xf32>
    %and3A = arith.andi %ge3A_68, %le3A_69 : vector<12x8192xi1>
    %gt3A = vector.broadcast %bitcast_convert_type3A_28 : vector<12x1xf32> to vector<12x8192xf32>
    %gt3A_70 = arith.cmpf ogt, %abs3A, %gt3A : vector<12x8192xf32>
    %and3A_71 = arith.andi %and3A, %gt3A_70 : vector<12x8192xi1>
    %not3A = arith.constant dense<true> : vector<12x8192xi1>
    %not3A_72 = arith.xori %and3A_71, %not3A : vector<12x8192xi1>
    %and3A_73 = arith.andi %le3A_69, %not3A_72 : vector<12x8192xi1>
    %not3A_74 = arith.constant dense<true> : vector<12x8192xi1>
    %not3A_75 = arith.xori %gt3A_70, %not3A_74 : vector<12x8192xi1>
    %and3A_76 = arith.andi %and3A, %not3A_75 : vector<12x8192xi1>
    %not3A_77 = arith.constant dense<true> : vector<12x8192xi1>
    %not3A_78 = arith.xori %and3A_76, %not3A_77 : vector<12x8192xi1>
    %and3A_79 = arith.andi %ge3A_68, %not3A_78 : vector<12x8192xi1>
    %jit3A_80 = arith.constant 1.000000e+00 : f32
    %jit3A_81 = arith.constant 0.000000e+00 : f32
    %broadcast_in_dim3A_82 = vector.broadcast %jit3A_80 : f32 to vector<12x8192xf32>
    %broadcast_in_dim3A_83 = vector.broadcast %jit3A_81 : f32 to vector<12x8192xf32>
    %select_n3A_84 = arith.select %and3A_73, %broadcast_in_dim3A_82, %broadcast_in_dim3A_83 : vector<12x8192xi1>, vector<12x8192xf32>
    %jit3A_85 = arith.constant 1.000000e+00 : f32
    %jit3A_86 = arith.constant 0.000000e+00 : f32
    %broadcast_in_dim3A_87 = vector.broadcast %jit3A_85 : f32 to vector<12x8192xf32>
    %broadcast_in_dim3A_88 = vector.broadcast %jit3A_86 : f32 to vector<12x8192xf32>
    %select_n3A_89 = arith.select %and3A_79, %broadcast_in_dim3A_87, %broadcast_in_dim3A_88 : vector<12x8192xi1>, vector<12x8192xf32>
    %reduce_sum3A_90 = arith.constant dense<0.000000e+00> : vector<12xf32>
    %reduce_sum3A_91 = vector.multi_reduction <add>, %select_n3A_89, %reduce_sum3A_90 [1] : vector<12x8192xf32> to vector<12xf32>
    %broadcast_in_dim3A_92 = vector.shape_cast %reduce_sum3A_91 : vector<12xf32> to vector<12x1xf32>
    %reduce_sum3A_93 = arith.constant dense<0.000000e+00> : vector<12xf32>
    %reduce_sum3A_94 = vector.multi_reduction <add>, %select_n3A_84, %reduce_sum3A_93 [1] : vector<12x8192xf32> to vector<12xf32>
    %broadcast_in_dim3A_95 = vector.shape_cast %reduce_sum3A_94 : vector<12xf32> to vector<12x1xf32>
    %iota3A = tpu.iota {dimensions = array<i32: 1>} : vector<12x8192xi32>
    %reduce_max3A = arith.constant dense<0xFF800000> : vector<12xf32>
    %reduce_max3A_96 = vector.multi_reduction <maximumf>, %abs3A, %reduce_max3A [1] : vector<12x8192xf32> to vector<12xf32>
    %broadcast_in_dim3A_97 = vector.shape_cast %reduce_max3A_96 : vector<12xf32> to vector<12x1xf32>
    %eq3A = vector.broadcast %broadcast_in_dim3A_97 : vector<12x1xf32> to vector<12x8192xf32>
    %eq3A_98 = arith.cmpf oeq, %abs3A, %eq3A : vector<12x8192xf32>
    %jit3A_99 = arith.constant 8192 : i32
    %broadcast_in_dim3A_100 = vector.broadcast %jit3A_99 : i32 to vector<12x8192xi32>
    %select_n3A_101 = arith.select %eq3A_98, %iota3A, %broadcast_in_dim3A_100 : vector<12x8192xi1>, vector<12x8192xi32>
    %reduce_min3A = arith.constant dense<2147483647> : vector<12xi32>
    %reduce_min3A_102 = vector.multi_reduction <minsi>, %select_n3A_101, %reduce_min3A [1] : vector<12x8192xi32> to vector<12xi32>
    %broadcast_in_dim3A_103 = vector.shape_cast %reduce_min3A_102 : vector<12xi32> to vector<12x1xi32>
    %reduce_min3A_104 = arith.constant dense<0x7F800000> : vector<12xf32>
    %reduce_min3A_105 = vector.multi_reduction <minimumf>, %abs3A, %reduce_min3A_104 [1] : vector<12x8192xf32> to vector<12xf32>
    %broadcast_in_dim3A_106 = vector.shape_cast %reduce_min3A_105 : vector<12xf32> to vector<12x1xf32>
    %eq3A_107 = vector.broadcast %broadcast_in_dim3A_106 : vector<12x1xf32> to vector<12x8192xf32>
    %eq3A_108 = arith.cmpf oeq, %abs3A, %eq3A_107 : vector<12x8192xf32>
    %jit3A_109 = arith.constant 8192 : i32
    %broadcast_in_dim3A_110 = vector.broadcast %jit3A_109 : i32 to vector<12x8192xi32>
    %select_n3A_111 = arith.select %eq3A_108, %iota3A, %broadcast_in_dim3A_110 : vector<12x8192xi1>, vector<12x8192xi32>
    %reduce_min3A_112 = arith.constant dense<2147483647> : vector<12xi32>
    %reduce_min3A_113 = vector.multi_reduction <minsi>, %select_n3A_111, %reduce_min3A_112 [1] : vector<12x8192xi32> to vector<12xi32>
    %broadcast_in_dim3A_114 = vector.shape_cast %reduce_min3A_113 : vector<12xi32> to vector<12x1xi32>
    %eq3A_115 = vector.broadcast %broadcast_in_dim3A_103 : vector<12x1xi32> to vector<12x8192xi32>
    %eq3A_116 = arith.cmpi eq, %iota3A, %eq3A_115 : vector<12x8192xi32>
    %jit3A_117 = arith.constant 1.000000e+00 : f32
    %jit3A_118 = arith.constant 0.000000e+00 : f32
    %broadcast_in_dim3A_119 = vector.broadcast %jit3A_117 : f32 to vector<12x8192xf32>
    %broadcast_in_dim3A_120 = vector.broadcast %jit3A_118 : f32 to vector<12x8192xf32>
    %select_n3A_121 = arith.select %eq3A_116, %broadcast_in_dim3A_119, %broadcast_in_dim3A_120 : vector<12x8192xi1>, vector<12x8192xf32>
    %eq3A_122 = vector.broadcast %broadcast_in_dim3A_114 : vector<12x1xi32> to vector<12x8192xi32>
    %eq3A_123 = arith.cmpi eq, %iota3A, %eq3A_122 : vector<12x8192xi32>
    %jit3A_124 = arith.constant 1.000000e+00 : f32
    %jit3A_125 = arith.constant 0.000000e+00 : f32
    %broadcast_in_dim3A_126 = vector.broadcast %jit3A_124 : f32 to vector<12x8192xf32>
    %broadcast_in_dim3A_127 = vector.broadcast %jit3A_125 : f32 to vector<12x8192xf32>
    %select_n3A_128 = arith.select %eq3A_123, %broadcast_in_dim3A_126, %broadcast_in_dim3A_127 : vector<12x8192xi1>, vector<12x8192xf32>
    %eq3A_129 = arith.constant 0 : i32
    %eq3A_130 = vector.broadcast %eq3A_129 : i32 to vector<12x8192xi32>
    %eq3A_131 = arith.cmpi eq, %iota3A, %eq3A_130 : vector<12x8192xi32>
    %jit3A_132 = arith.constant 1.000000e+00 : f32
    %jit3A_133 = arith.constant 0.000000e+00 : f32
    %broadcast_in_dim3A_134 = vector.broadcast %jit3A_132 : f32 to vector<12x8192xf32>
    %broadcast_in_dim3A_135 = vector.broadcast %jit3A_133 : f32 to vector<12x8192xf32>
    %select_n3A_136 = arith.select %eq3A_131, %broadcast_in_dim3A_134, %broadcast_in_dim3A_135 : vector<12x8192xi1>, vector<12x8192xf32>
    %eq3A_137 = arith.constant 1 : i32
    %eq3A_138 = vector.broadcast %eq3A_137 : i32 to vector<12x8192xi32>
    %eq3A_139 = arith.cmpi eq, %iota3A, %eq3A_138 : vector<12x8192xi32>
    %jit3A_140 = arith.constant 1.000000e+00 : f32
    %jit3A_141 = arith.constant 0.000000e+00 : f32
    %broadcast_in_dim3A_142 = vector.broadcast %jit3A_140 : f32 to vector<12x8192xf32>
    %broadcast_in_dim3A_143 = vector.broadcast %jit3A_141 : f32 to vector<12x8192xf32>
    %select_n3A_144 = arith.select %eq3A_139, %broadcast_in_dim3A_142, %broadcast_in_dim3A_143 : vector<12x8192xi1>, vector<12x8192xf32>
    %eq3A_145 = arith.constant 0.000000e+00 : f32
    %eq3A_146 = vector.broadcast %eq3A_145 : f32 to vector<12x1xf32>
    %eq3A_147 = arith.cmpf oeq, %broadcast_in_dim3A_92, %eq3A_146 : vector<12x1xf32>
    %broadcast_in_dim3A_148 = vector.shape_cast %eq3A_147 : vector<12x1xi1> to vector<12x1xi1>
    %broadcast_in_dim3A_149 = vector.broadcast %broadcast_in_dim3A_148 : vector<12x1xi1> to vector<12x8192xi1>
    %select_n3A_150 = arith.select %broadcast_in_dim3A_149, %select_n3A_121, %select_n3A_89 : vector<12x8192xi1>, vector<12x8192xf32>
    %eq3A_151 = arith.constant 0.000000e+00 : f32
    %eq3A_152 = vector.broadcast %eq3A_151 : f32 to vector<12x1xf32>
    %eq3A_153 = arith.cmpf oeq, %broadcast_in_dim3A_95, %eq3A_152 : vector<12x1xf32>
    %broadcast_in_dim3A_154 = vector.shape_cast %eq3A_153 : vector<12x1xi1> to vector<12x1xi1>
    %broadcast_in_dim3A_155 = vector.broadcast %broadcast_in_dim3A_154 : vector<12x1xi1> to vector<12x8192xi1>
    %select_n3A_156 = arith.select %broadcast_in_dim3A_155, %select_n3A_128, %select_n3A_84 : vector<12x8192xi1>, vector<12x8192xf32>
    %eq3A_157 = arith.constant 0.000000e+00 : f32
    %eq3A_158 = vector.broadcast %eq3A_157 : f32 to vector<12x1xf32>
    %eq3A_159 = arith.cmpf oeq, %broadcast_in_dim3A_35, %eq3A_158 : vector<12x1xf32>
    %broadcast_in_dim3A_160 = vector.shape_cast %eq3A_159 : vector<12x1xi1> to vector<12x1xi1>
    %broadcast_in_dim3A_161 = vector.broadcast %broadcast_in_dim3A_160 : vector<12x1xi1> to vector<12x8192xi1>
    %select_n3A_162 = arith.select %broadcast_in_dim3A_161, %select_n3A_136, %select_n3A_150 : vector<12x8192xi1>, vector<12x8192xf32>
    %broadcast_in_dim3A_163 = vector.shape_cast %eq3A_159 : vector<12x1xi1> to vector<12x1xi1>
    %broadcast_in_dim3A_164 = vector.broadcast %broadcast_in_dim3A_163 : vector<12x1xi1> to vector<12x8192xi1>
    %select_n3A_165 = arith.select %broadcast_in_dim3A_164, %select_n3A_144, %select_n3A_156 : vector<12x8192xi1>, vector<12x8192xf32>
    %swap3A = arith.constant 0 : index
    %swap3A_166 = arith.constant 0 : index
    %swap3A_167 = vector.load %arg4[%swap3A, %swap3A_166] : memref<12x8192xf32, #tpu.memory_space<vmem>>, vector<12x8192xf32>
    tpu.vector_store %arg4[%swap3A, %swap3A_166], %select_n3A_165 {strides = array<i32>} : memref<12x8192xf32, #tpu.memory_space<vmem>>, vector<12x8192xf32>,
    %swap3A_168 = arith.constant 0 : index
    %swap3A_169 = arith.constant 0 : index
    %swap3A_170 = vector.load %arg5[%swap3A_168, %swap3A_169] : memref<12x8192xf32, #tpu.memory_space<vmem>>, vector<12x8192xf32>
    tpu.vector_store %arg5[%swap3A_168, %swap3A_169], %select_n3A_162 {strides = array<i32>} : memref<12x8192xf32, #tpu.memory_space<vmem>>, vector<12x8192xf32>,
    return
  }
}

</mosaic_0001>

<sc_bundles>
// kernel: kernel.5.cloned.1.call-start
scs
__scs_entry_jumppad:
0x0: {  	(pc) =	sbr.rel $0x88, $3  }
0x1: {  	(tag) =	ssettag $0x0;
	lr =	simm.s32 $0x1  }
0x2: {  	[smem:$0x3F98] =	sst lr;
	_ =	strace $0xD0000000  }
0x3: {  	_ = 	snop  }
0x4: {  	_ = 	snop  }
0x5: {  	_ = 	snop  }
0x6: {  	_ = 	snop  }
0x7: {  	_ = 	snop  }
__scs_overlays_trampoline_lowered:
0x8: {  	[smem:$0x3FA7] =	sst s0  }
0x9: {  	[smem:$0x3FA8] =	sst s1  }
0xa: {  	[smem:$0x3FA9] =	sst s2  }
0xb: {  	[smem:$0x3FAA] =	sst s3  }
0xc: {  	[smem:$0x3FAB] =	sst s4  }
0xd: {  	[smem:$0x3FAC] =	sst s5  }
0xe: {  	[smem:$0x3FAD] =	sst s6  }
0xf: {  	[smem:$0x3FAE] =	sst s7  }
0x10: {  	[smem:$0x3FAF] =	sst s8  }
0x11: {  	[smem:$0x3FB0] =	sst s9;
	s0 =	simm.s32 @!p0 $0x0  }
0x12: {  	s1 =	sld [smem:$0x3F96];
	s0 =	simm.s32 @p0 $0x1  }
0x13: {  	[smem:$0x3FB1] =	sst s0;
	s0 =	simm.s32 @!p1 $0x0  }
0x14: {  	s2 =	sld [smem:$0x3F95];
	s0 =	simm.s32 @p1 $0x1  }
0x15: {  	[smem:$0x3FB2] =	sst s0;
	s0 =	simm.s32 @!p2 $0x0  }
0x16: {  	s3 =	sld [smem:$0x3FDB];
	s0 =	simm.s32 @p2 $0x1  }
0x17: {  	s4 =	simm.s32 $0x1BF5;
	[smem:$0x3FB4] =	sst s0  }
0x18: {  	s0 =	sld [smem:$0x3F97];
	_ =	swait.ge [sflag:s4], $0x0  }
0x19: {  	s7 =	sld [smem:$0x3F98]  }
0x1a: {  	s8 =	sadd.s32 $0xFFFFE003, lr  }
0x1b: {  	s9 =	sadd.s32 $0xFFFFFEF7, lr;
	s5 =	simm.s32 $0xFFFFFFFF;
	p2 =	slt.u32 s8, $0xFFFFF086  }
0x1c: {  	p1 =	slt.u32 s9, $0xF7A;
	s5 =	simm.s32 @!p2 $0x0  }
0x1d: {  	s5 =	simm.s32 @p1 $0x1;
	p0 =	seq.s32 s7, s2  }
0x1e: {  	s7 =	smul.u32 @!p0 $0xF7A, s2;
	p2 =	seq.s32 @!p0 s5, $0x0  }
0x1f: {  	s9 =	smul.u32 $0xF7A, s1;
	s8 =	simm.s32 @!p0 $0x1BF5;
	p2 =	por !p2, p0  }
0x20: {  	[sflag:s8] =	ssyncset.s32 @!p0 $0xFFFFF086;
	s6 =	sadd.s32 @!p0 s3, s7;
	s7 =	simm.s32 @!p0 $0x108  }
0x21: {  	s3 =	sadd.s32 s3, s9;
	s6 =	sadd.s32 @!p0 $0x88, s6;
	s7 =	simm.s32 @p2 $0x1082  }
0x22: {  	[simem:s7], [sflag:s8] =	dma.local @!p0 [hbm:s6], $0xF7A  }
0x23: {  	s9 =	sor.u32 $0xD0000000, s2;
	s6 =	simm.s32 $0x108;
	_ =	swait.ge @!p0 [sflag:s8], $0x0  }
0x24: {  	s3 =	sadd.s32 $0x88, s3;
	s6 =	simm.s32 @!p1 $0x1082;
	[sflag:s4] =	ssyncset.s32 $0xFFFFF086  }
0x25: {  	[simem:s6], [sflag:s4] =	dma.local [hbm:s3], $0xF7A  }
0x26: {  	[smem:$0x3F98] =	sst s1;
	(tag) =	ssettag s2;
	_ =	strace s9  }
0x27: {  	s1 =	sld [smem:$0x3FA8]  }
0x28: {  	s2 =	sld [smem:$0x3FA9]  }
0x29: {  	s4 =	sld [smem:$0x3FAB]  }
0x2a: {  	p0 =	seq.s32 s5, $0x0;
	s5 =	sld [smem:$0x3FAC]  }
0x2b: {  	s6 =	sld [smem:$0x3FAD]  }
0x2c: {  	s7 =	sld [smem:$0x3FAE]  }
0x2d: {  	s3 =	simm.s32 $0x108;
	s8 =	sld [smem:$0x3FAF]  }
0x2e: {  	s3 =	simm.s32 @!p0 $0x1082;
	s9 =	sld [smem:$0x3FB0]  }
0x2f: {  	lr =	sadd.s32 s0, s3;
	s0 =	sld [smem:$0x3FA7]  }
0x30: {  	s3 =	sld [smem:$0x3FAA]  }
0x31: {  	[smem:$0x3FB3] =	sst s10  }
0x32: {  	s10 =	sld [smem:$0x3FB1];
	_ =	sdelay $0x3  }
0x33: {  	p0 =	seq.s32 s10, $0x1;
	s10 =	sld [smem:$0x3FB3];
	_ =	sdelay $0x3  }
0x34: {  	[smem:$0x3FB3] =	sst s10  }
0x35: {  	s10 =	sld [smem:$0x3FB2];
	_ =	sdelay $0x3  }
0x36: {  	p1 =	seq.s32 s10, $0x1;
	s10 =	sld [smem:$0x3FB3];
	_ =	sdelay $0x3  }
0x37: {  	[smem:$0x3FB3] =	sst s10  }
0x38: {  	s10 =	sld [smem:$0x3FB4]  }
0x39: {  	_ = 	snop;
	(pc) =	sbr.ind lr, $3  }
0x3a: {  	_ = 	snop  }
0x3b: {  	_ = 	snop  }
0x3c: {  	p2 =	seq.s32 s10, $0x1;
	s10 =	sld [smem:$0x3FB3]  }
0x3d: {  	_ =	shalt  }
0x3e: {  	_ =	shalt  }
0x3f: {  	_ =	shalt  }
0x40: {  	_ =	shalt  }
0x41: {  	_ =	shalt  }
0x42: {  	_ =	shalt  }
0x43: {  	_ =	shalt  }
0x44: {  	_ =	shalt  }
0x45: {  	_ =	shalt  }
0x46: {  	_ =	shalt  }
0x47: {  	_ =	shalt  }
0x48: {  	_ =	shalt  }
0x49: {  	_ =	shalt  }
0x4a: {  	_ =	shalt  }
0x4b: {  	_ =	shalt  }
0x4c: {  	_ =	shalt  }
0x4d: {  	_ =	shalt  }
0x4e: {  	_ =	shalt  }
0x4f: {  	_ =	shalt  }
0x50: {  	_ =	shalt  }
0x51: {  	_ =	shalt  }
0x52: {  	_ =	shalt  }
0x53: {  	_ =	shalt  }
0x54: {  	_ =	shalt  }
0x55: {  	_ =	shalt  }
0x56: {  	_ =	shalt  }
0x57: {  	_ =	shalt  }
0x58: {  	_ =	shalt  }
0x59: {  	_ =	shalt  }
0x5a: {  	_ =	shalt  }
0x5b: {  	_ =	shalt  }
0x5c: {  	_ =	shalt  }
0x5d: {  	_ =	shalt  }
0x5e: {  	_ =	shalt  }
0x5f: {  	_ =	shalt  }
0x60: {  	_ =	shalt  }
0x61: {  	_ =	shalt  }
0x62: {  	_ =	shalt  }
0x63: {  	_ =	shalt  }
0x64: {  	_ =	shalt  }
0x65: {  	_ =	shalt  }
0x66: {  	_ =	shalt  }
0x67: {  	_ =	shalt  }
0x68: {  	_ =	shalt  }
0x69: {  	_ =	shalt  }
0x6a: {  	_ =	shalt  }
0x6b: {  	_ =	shalt  }
0x6c: {  	_ =	shalt  }
0x6d: {  	_ =	shalt  }
0x6e: {  	_ =	shalt  }
0x6f: {  	_ =	shalt  }
0x70: {  	_ =	shalt  }
0x71: {  	_ =	shalt  }
0x72: {  	_ =	shalt  }
0x73: {  	_ =	shalt  }
0x74: {  	_ =	shalt  }
0x75: {  	_ =	shalt  }
0x76: {  	_ =	shalt  }
0x77: {  	_ =	shalt  }
0x78: {  	_ =	shalt  }
0x79: {  	_ =	shalt  }
0x7a: {  	_ =	shalt  }
0x7b: {  	_ =	shalt  }
0x7c: {  	_ =	shalt  }
0x7d: {  	_ =	shalt  }
0x7e: {  	_ =	shalt  }
0x7f: {  	_ =	shalt  }
0x80: {  	_ =	shalt  }
0x81: {  	_ =	shalt  }
0x82: {  	_ =	shalt  }
0x83: {  	_ =	shalt  }
0x84: {  	_ =	shalt  }
0x85: {  	_ =	shalt  }
0x86: {  	_ =	shalt  }
0x87: {  	_ =	shalt  }
.Lfunc_end0:
.L_simem_size_0:
called_computation_lowered:
.L_overlay_start_0:
0x88: {  	s2 =	sld [smem:$0x3FD9]  }
0x89: {  	s3 =	sld [smem:$0x3FFE];
	_ =	sdelay $0x1  }
0x8a: {  	s1 =	srdreg.scid  }
0x8b: {  	s0 =	sand.u32 $0x1, s1  }
0x8c: {  	s14 =	sshll.u32 s0, $0xA;
	s2 =	sadd.s32 s3, s2  }
0x8d: {  	s2 =	sadd.s32 s2, s14  }
0x8e: {  	[smem:$0x3FBF] =	sst s2  }
0x8f: {  	_ = 	snop  }
0x90: {  	s2 =	sld [smem:$0x3FD0];
	_ =	sdelay $0x2  }
0x91: {  	s15 =	simm.s32 $0xA;
	s4 =	simm.s32 $0x10  }
0x92: {  	[smem:s4], [sflag:s15] =	dma.local [hbm:s2], $0x1  }
0x93: {  	_ =	swait.eq [sflag:s15], $0x1  }
0x94: {  	[sflag:s15] =	ssyncset.done $0x0  }
0x95: {  	s16 =	sld [smem:$0x14];
	[sflag:s15] =	ssyncadd.s32 $0xFFFFFFFF  }
0x96: {  	s17 =	sld [smem:$0x15];
	(tm) =	ssettm $0x1  }
0x97: {  	s18 =	sld [smem:$0x3FFB];
	_ =	sdelay $0x3  }
0x98: {  	_ =	strace s18  }
0x99: {  	s4 =	sld [smem:$0x3FFC];
	_ =	sdelay $0x3  }
0x9a: {  	_ =	strace s4  }
0x9b: {  	s4 =	sld [smem:$0x3FFD];
	_ =	sdelay $0x3  }
0x9c: {  	_ =	strace s4  }
0x9d: {  	_ =	strace $0x8FFFFFFF  }
0x9e: {  	s19 =	sld [smem:$0x3FDB];
	_ =	sdelay $0x1  }
0x9f: {  	s5 =	simm.s32 $_scs_section_size  }
0xa0: {  	s6 =	simm.s32 $_size__tile_overlayer_lowered;
	s7 =	simm.s32 $_tile_overlayer_lowered  }
0xa1: {  	s22 =	simm.s32 $0x1BFF;
	s21 =	sshll.u32 s7, $0x1;
	s4 =	sadd.s32 s5, s19  }
0xa2: {  	s8 =	simm.s32 $0x0;
	s20 =	sshll.u32 s6, $0x1;
	s6 =	sadd.s32 s21, s4  }
0xa3: {  	[timem:s8], [sflag:s22] =	dma.local [hbm:s6], s20  }
0xa4: {  	_ =	swait.ge [sflag:s22], s20  }
0xa5: {  	s5 =	ssub.s32 $0x0, s20;
	[sflag:s22] =	ssyncset.done $0x0  }
0xa6: {  	[sflag:s22] =	ssyncadd.s32 s5;
	_ =	sdelay $0x1  }
0xa7: {  	s23 =	simm.s32 $0x1B8B  }
0xa8: {  	_ =	swait.ge [sflag:s23], $0x1  }
0xa9: {  	[sflag:s23] =	ssyncset.done $0x0  }
0xaa: {  	s25 =	simm.s32 $0x1B8E;
	s24 =	sld [smem:$0x3FFE];
	[sflag:s23] =	ssyncadd.s32 $0xFFFFFFFF  }
0xab: {  	s26 =	simm.s32 $execute0_lowered;
	[smem:$0x3FD2] =	sst s25  }
0xac: {  	s6 =	sshll.u32 s26, $0x1;
	_ =	strace $0x80000046;
	[dreg:$0x1] =	wrdreg $0xFFFFFFFF  }
0xad: {  	s28 =	simm.s32 $_size_execute0_lowered;
	s4 =	sadd.s32 s4, s6;
	[dreg:$0x0] =	wrdreg $0x0  }
0xae: {  	s6 =	sshll.u32 s28, $0x1;
	[dreg:$0x2] =	wrdreg s4  }
0xaf: {  	[dreg:$0x3] =	wrdreg s6  }
0xb0: {  	[dreg:$0x4] =	wrdreg $0xC0  }
0xb1: {  	_ =	task [dreg:s8], $0x5FFFF  }
0xb2: {  	[dreg:$0x1] =	wrdreg $0xFFFFFFFF  }
0xb3: {  	[dreg:$0x0] =	wrdreg $0x60  }
0xb4: {  	[dreg:$0x2] =	wrdreg s24  }
0xb5: {  	[dreg:$0x3] =	wrdreg s17  }
0xb6: {  	[dreg:$0x4] =	wrdreg s16  }
0xb7: {  	[dreg:$0x5] =	wrdreg $0x9  }
0xb8: {  	_ =	task.clear_ibuf [dreg:s8], $0x6FFFF;
	_ =	strace $0x90000046  }
0xb9: {  	s29 =	simm.s32 $0x9;
	_ =	strace $0x80000048  }
0xba: {  	_ =	swait.ge [sflag:s29], $0x1  }
0xbb: {  	[sflag:s29] =	ssyncadd.s32 $0xFFFFFFFF  }
0xbc: {  	_ =	strace $0x90000048  }
0xbd: {  	_ =	sfence  }
0xbe: {  	s30 =	sld [smem:$0x0];
	_ =	sdelay $0x2  }
0xbf: {  	s31 =	sshll.u32 s1, $0xD;
	s1 =	sshrl.u32 s1, $0x2  }
0xc0: {  	s3 =	sand.u32 $0x4000, s31;
	s1 =	sadd.s32 s1, s30  }
0xc1: {  	s0 =	sor.u32 s3, s0;
	s1 =	sshll.u32 s1, $0x11  }
0xc2: {  	s0 =	sor.u32 s1, s0  }
0xc3: {  	s0 =	sadd.s32 $0x8F2B, s0  }
0xc4: {  	[sflag:s0] =	ssyncadd.remote.s32 $0x1  }
0xc5: {  	_ =	sfence.sel $0xFFFF  }
0xc6: {  	[dreg:$0x0] =	wrdreg $0xFFFFFFFF;
	(pc) =	sbr.abs _section_cstart, $3  }
0xc7: {  	[dreg:$0x1] =	wrdreg $0xFFFFFFFF  }
0xc8: {  	_ =	task.clear_ibuf [dreg:s8], $0x2FFFF;
	_ =	strace $0x9FFFFFFF  }
0xc9: {  	(tm) =	ssettm $0x7FFFFFFF  }
tec
execute0_lowered:
.L_overlay_start_1:
0x0: {  	(tag) =	ssettag $0x1  }
0x1: {  	s3 =	rddreg [dreg:$0x0]  }
0x2: {  	s1 =	srdreg.scid;
	s7 =	rddreg [dreg:$0x1]  }
0x3: {  	s0 =	stileid.u32;
	s10 =	rddreg [dreg:$0x2]  }
0x4: {  	s2 =	simm.s32 $0x0;
	s4 =	sand.u32 $0x1, s1;
	s1 =	rddreg [dreg:$0x3]  }
0x5: {  	s22 =	sshll.u32 s0, $0x1;
	[smem:$0x7FF] =	sst s2  }
0x6: {  	s8 =	sadd.s32 $0x1C00, s3;
	s12 =	sadd.s32 $0x5C00, s3;
	p5 =	sgt.u32 s0, $0xD  }
0x7: {  	s5 =	sor.u32 s4, s22;
	_ =	strace $0x80000047;
	s4 =	ssub.s32 $0x2, s4  }
0x8: {  	s6 =	smul.u32 $0x34, s5;
	s9 =	sshrl.u32 s4, $0x1;
	s23 =	sor.u32 $0x20, s5  }
0x9: {  	s15 =	sshll.u32 s5, $0x4;
	s13 =	ssub.s32 s4, s9;
	s24 =	smul.u32 $0x34, s23  }
0xa: {  	s16 =	sand.u32 $0x70, s15;
	s30 =	sshll.u32 s23, $0x4;
	s6 =	sshrl.u32 s6, $0x8  }
0xb: {  	s31 =	sand.u32 $0x380, s30;
	s11 =	smul.u32 $0xFFFFFFFB, s6;
	s6 =	sshll.u32 s6, $0x4  }
0xc: {  	s25 =	sshrl.u32 s24, $0x8;
	s17 =	sshrl.u32 s24, $0xB;
	s3 =	sadd.s32 s7, s6  }
0xd: {  	s4 =	sadd.s32 s8, s6;
	s18 =	smul.u32 $0xFFFFFFFB, s25;
	s26 =	sshll.u32 s17, $0xA  }
0xe: {  	s28 =	sshll.u32 s17, $0x10;
	s17 =	sshll.u32 s17, $0xF;
	s14 =	sadd.s32 s5, s11  }
0xf: {  	s5 =	sadd.s32 s12, s6;
	s11 =	sshrl.u32 s24, $0x1;
	s6 =	sadd.s32 s10, s15  }
0x10: {  	s10 =	sadd.s32 s10, s16;
	s16 =	simm.s32 $0x2000;
	s11 =	sand.u32 $0x380, s11  }
0x11: {  	s19 =	sadd.s32 s23, s18;
	s10 =	sadd.s32 s31, s10;
	p0 =	seq.s32 s14, $0x3  }
0x12: {  	p1 =	seq.s32 s14, $0x2;
	p2 =	seq.s32 s14, $0x1;
	p3 =	seq.s32 s14, $0x0  }
0x13: {  	s14 =	simm.s32 $0x80;
	s15 =	sor.u32 s11, s26;
	s18 =	sor.u32 s11, s28  }
0x14: {  	s11 =	sor.u32 s11, s17;
	s17 =	simm.s32 $0x3080;
	p4 =	seq.s32 s19, $0x3  }
0x15: {  	s15 =	sshrl.u32 s15, $0x3;
	s29 =	sshrl.u32 s18, $0x3;
	s18 =	simm.s32 @!p4 $0x0  }
0x16: {  	s11 =	sshrl.u32 s11, $0x3;
	s18 =	simm.s32 @p4 $0x1;
	p4 =	seq.s32 s19, $0x2  }
0x17: {  	s7 =	sadd.s32 s7, s15;
	[smem:$0x7FA] =	sst s18;
	s18 =	simm.s32 @!p4 $0x0  }
0x18: {  	s8 =	sadd.s32 s8, s29;
	s18 =	simm.s32 @p4 $0x1;
	p4 =	seq.s32 s19, $0x1  }
.Ltmp0:
0x19: {  	[smem:$0x7FB] =	sst s18;
	s18 =	simm.s32 @!p4 $0x0;
	(pc) =	sbr.rel .LBB2_1-.Ltmp0, $4  }
0x1a: {  	s9 =	sadd.s32 s12, s11;
	s18 =	simm.s32 @p4 $0x1;
	p4 =	seq.s32 s19, $0x0  }
0x1b: {  	s11 =	smax.u32 s13, $0x1;
	s12 =	simm.s32 $0x3000;
	s19 =	simm.s32 @!p4 $0x0  }
0x1c: {  	s13 =	simm.s32 $0x1;
	[smem:$0x7FC] =	sst s18;
	s19 =	simm.s32 @p4 $0x1  }
0x1d: {  	v0 =	vimm.s32 $0x0;
	s15 =	simm.s32 $0x400;
	s18 =	simm.s32 $0x0;
	[smem:$0x7FD] =	sst s19  }
.LBB2_19:
0x1e: {  	s18 =	sadd.s32 $0x1, s18  }
0x1f: {  	p4 =	sne.s32 s18, s11  }
.Ltmp1:
0x20: {  	_ = 	snop;
	(pc) =	sbr.rel @!p4 .LBB2_20-.Ltmp1, $1  }
0x21: {  	_ =	sdelay $0x3  }
.LBB2_1:
0x22: {  	[tilespmem:s12], [sflag:$0x1] =	stream.linear.gather [hbm4b:s3+s2], $0x80, $0x38;
	[tilespmem:$0x3100] =	vst v63  }
0x23: {  	_ =	swait.ge [sflag:s13], $0x80  }
0x24: {  	[sflag:s13] =	ssyncset.done $0x0  }
0x25: {  	[sflag:s13] =	ssyncadd.s32 $0xFFFFFF80  }
0x26: {  	v1 =	vld [tilespmem:$0x3000];
	_ =	sdelay $0x4  }
0x27: {  	(v2sf) =	vpush v1, $0x0  }
0x28: {  	(v2sf) =	vpush v1, $0x1  }
0x29: {  	(v2sf) =	vpush v1, $0x2  }
0x2a: {  	(v2sf) =	vpush v1, $0x3  }
0x2b: {  	(v2sf) =	vpush v1, $0x4;
	_ =	sdelay $0x9  }
0x2c: {  	[tilespmem:s2], [sflag:$0x1] =	stream.strided.gather [hbm4b:s4+s14], $0x2000, s15, s14, $0x38;
	[tilespmem:$0x3100] =	vst v63  }
0x2d: {  	s19 =	spop (v2sf)  }
0x2e: {  	s20 =	spop (v2sf)  }
0x2f: {  	s21 =	spop (v2sf)  }
0x30: {  	s22 =	spop (v2sf)  }
0x31: {  	s23 =	spop (v2sf)  }
0x32: {  	_ =	swait.ge [sflag:s13], $0x2000  }
0x33: {  	s23 =	smov.u32 @p0 s22;
	[sflag:s13] =	ssyncset.done $0x0  }
0x34: {  	s23 =	smov.u32 @p1 s21;
	[sflag:s13] =	ssyncadd.s32 $0xFFFFE000  }
0x35: {  	[tilespmem:s16], [sflag:$0x1] =	stream.strided.gather [hbm4b:s5+s14], $0x1000, s15, s14, $0x38;
	[tilespmem:$0x3100] =	vst v63  }
0x36: {  	s22 =	simm.s32 $0x7F80;
	s23 =	smov.u32 @p2 s20;
	_ =	swait.ge [sflag:s13], $0x1000  }
0x37: {  	s21 =	simm.s32 $0x0;
	s23 =	smov.u32 @p3 s19;
	[sflag:s13] =	ssyncset.done $0x0  }
0x38: {  	s20 =	simm.s32 $0x0;
	s19 =	sadd.s32 $0x1, s23;
	[sflag:s13] =	ssyncadd.s32 $0xFFFFF000  }
.LBB2_2:
0x39: {  	s25 =	simm.s32 $0x0  }
0x3a: {  	v1 =	vld [tilespmem:s25+$0x20E0]  }
0x3b: {  	v3 =	vld [tilespmem:s25+$0x20D0]  }
0x3c: {  	v4 =	vld [tilespmem:s25+$0x20A0]  }
0x3d: {  	s23 =	ssub.s32 s22, s20;
	v5 =	vld [tilespmem:s25+$0x20F0]  }
0x3e: {  	s23 =	sshrl.u32 s23, $0x1;
	v8 =	vld [tilespmem:s25+$0x20C0]  }
0x3f: {  	v9 =	vld [tilespmem:s25+$0x2060];
	s23 =	sadd.s32 s20, s23  }
0x40: {  	v10 =	vld [tilespmem:s25+$0x2070];
	s24 =	smul.u32 $0x10001, s23  }
0x41: {  	v17 =	vld [tilespmem:s25+$0x2030]  }
0x42: {  	v7 =	vld [tilespmem:s25+$0x20B0];
	s24 =	sadd.s32 $0x80008000, s24  }
0x43: {  	v6 =	vimm.s32 $0x0;
	v11 =	vld [tilespmem:s25+$0x2080];
	v2 =	vmov s24  }
0x44: {  	v13 =	vld [tilespmem:s25+$0x2010];
	v1 =	vsub.s32 v2, v1;
	v3 =	vsub.s32 v2, v3;
	v4 =	vsub.s32 v2, v4  }
0x45: {  	v15 =	vld [tilespmem:s25+$0x2050];
	v9 =	vsub.s32 v2, v9;
	v8 =	vsub.s32 v2, v8;
	v10 =	vsub.s32 v2, v10  }
0x46: {  	v16 =	vld [tilespmem:s25+$0x2000];
	v19 =	vsub.s32 v2, v17;
	v12 =	vshrl.u32 v1, $0xF;
	v1 =	vshrl.u32 v4, $0xF  }
0x47: {  	v4 =	vsub.s32 v2, v5;
	v5 =	vsub.s32 v2, v7;
	v14 =	vshrl.u32 v3, $0xF  }
0x48: {  	v8 =	vshrl.u32 v8, $0xF;
	v1 =	vand.u32 $0x10001, v1;
	v5 =	vshrl.u32 v5, $0xF  }
0x49: {  	v7 =	vld [tilespmem:s25+$0x2020];
	v3 =	vand.u32 $0x10001, v12;
	v12 =	vshrl.u32 v9, $0xF;
	v4 =	vshrl.u32 v4, $0xF  }
0x4a: {  	v9 =	vsub.s32 v2, v11;
	v11 =	vsub.s32 v2, v13;
	v13 =	vsub.s32 v2, v15  }
0x4b: {  	v15 =	vsub.s32 v2, v16;
	v4 =	vand.u32 $0x10001, v4;
	v11 =	vshrl.u32 v11, $0xF  }
0x4c: {  	v5 =	vand.u32 $0x10001, v5;
	v9 =	vshrl.u32 v9, $0xF;
	v20 =	vand.u32 $0x10001, v11  }
0x4d: {  	v16 =	vld [tilespmem:s25+$0x2090];
	v9 =	vand.u32 $0x10001, v9;
	v11 =	vand.u32 $0x10001, v14;
	v17 =	vadd.s32 v6, v20  }
0x4e: {  	v14 =	vld [tilespmem:s25+$0x2040];
	v18 =	vsub.s32 v2, v7;
	v7 =	vand.u32 $0x10001, v8;
	v8 =	vshrl.u32 v10, $0xF  }
0x4f: {  	v10 =	vshrl.u32 v13, $0xF;
	v13 =	vand.u32 $0x10001, v8;
	v20 =	vshrl.u32 v18, $0xF  }
0x50: {  	s24 =	simm.s32 $0x400;
	v18 =	vand.u32 $0x10001, v10;
	v8 =	vimm.s32 $0x0;
	v10 =	vimm.s32 $0x0  }
.LBB2_3:
0x51: {  	s25 =	sshra.s32 s24, $0x2;
	p6 =	sne.s32 s24, $0x3C00;
	s24 =	sadd.s32 $0x400, s24;
	v20 =	vand.u32 $0x10001, v20;
	v19 =	vshrl.u32 v19, $0xF;
	v12 =	vand.u32 $0x10001, v12  }
0x52: {  	v15 =	vshrl.u32 v15, $0xF;
	v21 =	vld [tilespmem:s25+$0x20E0];
	v6 =	vadd.s32 v6, v20;
	v16 =	vsub.s32 v2, v16  }
0x53: {  	v14 =	vsub.s32 v2, v14;
	v17 =	vadd.s32 v18, v17;
	v15 =	vand.u32 $0x10001, v15;
	v20 =	vld [tilespmem:s25+$0x20D0]  }
0x54: {  	v19 =	vand.u32 $0x10001, v19;
	v14 =	vshrl.u32 v14, $0xF;
	v16 =	vshrl.u32 v16, $0xF;
	v18 =	vld [tilespmem:s25+$0x20A0]  }
0x55: {  	v8 =	vadd.s32 v8, v15;
	v10 =	vadd.s32 v10, v19;
	v6 =	vadd.s32 v12, v6;
	v22 =	vld [tilespmem:s25+$0x20F0]  }
0x56: {  	v14 =	vand.u32 $0x10001, v14;
	v10 =	vadd.s32 v13, v10;
	v13 =	vand.u32 $0x10001, v16;
	v12 =	vld [tilespmem:s25+$0x20B0]  }
0x57: {  	v8 =	vadd.s32 v14, v8;
	v13 =	vadd.s32 v13, v17;
	v15 =	vld [tilespmem:s25+$0x20C0];
	v16 =	vsub.s32 v2, v21  }
0x58: {  	v8 =	vadd.s32 v9, v8;
	v14 =	vld [tilespmem:s25+$0x2060];
	v17 =	vsub.s32 v2, v20;
	v20 =	vadd.s32 v11, v13  }
0x59: {  	v5 =	vadd.s32 v5, v10;
	v13 =	vshrl.u32 v16, $0xF;
	v9 =	vld [tilespmem:s25+$0x2050];
	v11 =	vsub.s32 v2, v18  }
0x5a: {  	v8 =	vadd.s32 v7, v8;
	v16 =	vld [tilespmem:s25+$0x2070];
	v11 =	vshrl.u32 v11, $0xF;
	v18 =	vsub.s32 v2, v22  }
0x5b: {  	v10 =	vadd.s32 v4, v5;
	v17 =	vshrl.u32 v17, $0xF;
	v7 =	vld [tilespmem:s25+$0x2080];
	v12 =	vsub.s32 v2, v12  }
0x5c: {  	v4 =	vadd.s32 v1, v6;
	v1 =	vand.u32 $0x10001, v11;
	v19 =	vld [tilespmem:s25+$0x2010];
	v5 =	vshrl.u32 v12, $0xF  }
0x5d: {  	v6 =	vadd.s32 v3, v4;
	v3 =	vand.u32 $0x10001, v13;
	v11 =	vld [tilespmem:s25+$0x2020];
	v12 =	vsub.s32 v2, v14  }
0x5e: {  	v4 =	vsub.s32 v2, v15;
	v14 =	vshrl.u32 v18, $0xF;
	v13 =	vld [tilespmem:s25+$0x2000];
	v12 =	vshrl.u32 v12, $0xF  }
0x5f: {  	v15 =	vshrl.u32 v4, $0xF;
	v4 =	vand.u32 $0x10001, v14;
	v18 =	vld [tilespmem:s25+$0x2030]  }
0x60: {  	v5 =	vand.u32 $0x10001, v5;
	v14 =	vld [tilespmem:s25+$0x2040];
	v7 =	vsub.s32 v2, v7  }
0x61: {  	v21 =	vsub.s32 v2, v16;
	v19 =	vsub.s32 v2, v19;
	v7 =	vshrl.u32 v7, $0xF  }
.Ltmp2:
0x62: {  	v23 =	vsub.s32 v2, v9;
	v16 =	vshrl.u32 v19, $0xF;
	v22 =	vsub.s32 v2, v11;
	(pc) =	sbr.rel @p6 .LBB2_3-.Ltmp2, $4  }
0x63: {  	v9 =	vand.u32 $0x10001, v7;
	v7 =	vand.u32 $0x10001, v15;
	v24 =	vand.u32 $0x10001, v16;
	v16 =	vld [tilespmem:s25+$0x2090]  }
0x64: {  	v11 =	vand.u32 $0x10001, v17;
	v15 =	vsub.s32 v2, v13;
	v13 =	vshrl.u32 v21, $0xF  }
0x65: {  	v19 =	vsub.s32 v2, v18;
	v18 =	vshrl.u32 v23, $0xF;
	v13 =	vand.u32 $0x10001, v13  }
0x66: {  	v17 =	vadd.s32 v20, v24;
	v20 =	vshrl.u32 v22, $0xF;
	v18 =	vand.u32 $0x10001, v18  }
0x67: {  	v20 =	vand.u32 $0x10001, v20;
	v19 =	vshrl.u32 v19, $0xF;
	v12 =	vand.u32 $0x10001, v12  }
0x68: {  	v15 =	vshrl.u32 v15, $0xF;
	v58 =	vadd.s32 v18, v17;
	v6 =	vadd.s32 v6, v20  }
0x69: {  	v16 =	vsub.s32 v2, v16;
	v15 =	vand.u32 $0x10001, v15;
	v2 =	vsub.s32 v2, v14  }
0x6a: {  	v59 =	vand.u32 $0x10001, v19;
	v2 =	vshrl.u32 v2, $0xF;
	v16 =	vshrl.u32 v16, $0xF  }
0x6b: {  	v8 =	vadd.s32 v8, v15;
	v10 =	vadd.s32 v10, v59;
	v2 =	vand.u32 $0x10001, v2  }
0x6c: {  	v6 =	vadd.s32 v12, v6;
	v60 =	vand.u32 $0x10001, v16;
	v2 =	vadd.s32 v2, v8  }
0x6d: {  	v61 =	vadd.s32 v13, v10;
	v62 =	vadd.s32 v60, v58;
	v2 =	vadd.s32 v9, v2  }
0x6e: {  	v1 =	vadd.s32 v1, v6;
	v63 =	vadd.s32 v11, v62;
	v2 =	vadd.s32 v7, v2  }
0x6f: {  	v5 =	vadd.s32 v5, v61;
	v1 =	vadd.s32 v3, v1;
	v2 =	vadd.s32 v2, v63  }
0x70: {  	v3 =	vadd.s32 v4, v5;
	v1 =	vadd.s32 v1, v2  }
0x71: {  	v1 =	vadd.s32 v3, v1  }
0x72: {  	v2 =	vand.u32 $0xFFFF, v1;
	v1 =	vshrl.u32 v1, $0x10  }
0x73: {  	v1 =	vadd.s32 v1, v2  }
0x74: {  	(v2sf) =	vpush v1, $0x0  }
0x75: {  	(v2sf) =	vpush v1, $0x1  }
0x76: {  	(v2sf) =	vpush v1, $0x2  }
0x77: {  	(v2sf) =	vpush v1, $0x3  }
0x78: {  	(v2sf) =	vpush v1, $0x4  }
0x79: {  	(v2sf) =	vpush v1, $0x5  }
0x7a: {  	(v2sf) =	vpush v1, $0x6  }
0x7b: {  	(v2sf) =	vpush v1, $0x7  }
0x7c: {  	(v2sf) =	vpush v1, $0x8  }
0x7d: {  	(v2sf) =	vpush v1, $0x9  }
0x7e: {  	(v2sf) =	vpush v1, $0xA  }
0x7f: {  	(v2sf) =	vpush v1, $0xB  }
0x80: {  	(v2sf) =	vpush v1, $0xC  }
0x81: {  	(v2sf) =	vpush v1, $0xD  }
0x82: {  	(v2sf) =	vpush v1, $0xE  }
0x83: {  	s24 =	spop (v2sf);
	(v2sf) =	vpush v1, $0xF  }
0x84: {  	s25 =	spop (v2sf)  }
0x85: {  	s24 =	sadd.s32 s25, s24;
	s28 =	spop (v2sf)  }
0x86: {  	s24 =	sadd.s32 s28, s24;
	s29 =	spop (v2sf)  }
0x87: {  	s24 =	sadd.s32 s29, s24;
	s30 =	spop (v2sf)  }
0x88: {  	s24 =	sadd.s32 s30, s24;
	s31 =	spop (v2sf)  }
0x89: {  	s24 =	sadd.s32 s31, s24;
	s26 =	spop (v2sf)  }
0x8a: {  	s24 =	sadd.s32 s26, s24;
	s28 =	spop (v2sf)  }
0x8b: {  	s24 =	sadd.s32 s28, s24;
	s29 =	spop (v2sf)  }
0x8c: {  	s24 =	sadd.s32 s29, s24;
	s30 =	spop (v2sf)  }
0x8d: {  	s24 =	sadd.s32 s30, s24;
	s31 =	spop (v2sf)  }
0x8e: {  	s24 =	sadd.s32 s31, s24;
	s26 =	spop (v2sf)  }
0x8f: {  	s24 =	sadd.s32 s26, s24;
	s28 =	spop (v2sf)  }
0x90: {  	s21 =	sadd.s32 $0x1, s21;
	s24 =	sadd.s32 s28, s24;
	s29 =	spop (v2sf)  }
0x91: {  	p4 =	sne.s32 s21, $0xF;
	s24 =	sadd.s32 s29, s24;
	s30 =	spop (v2sf)  }
.Ltmp3:
0x92: {  	s24 =	sadd.s32 s30, s24;
	s31 =	spop (v2sf);
	(pc) =	sbr.rel @p4 .LBB2_2-.Ltmp3, $4  }
0x93: {  	s24 =	sadd.s32 s31, s24  }
0x94: {  	p6 =	slt.s32 s24, s19  }
0x95: {  	s24 =	sadd.s32 $0x1, s23;
	s23 =	smov.u32 @p6 s22  }
0x96: {  	s20 =	smov.u32 @p6 s24;
	s22 =	smov.u32 s23  }
0x97: {  	s20 =	sshll.u32 s20, $0x10  }
0x98: {  	s21 =	simm.s32 $0x0;
	s22 =	sor.u32 $0xFFFF, s20  }
.LBB2_6:
0x99: {  	s24 =	simm.s32 $0x0  }
0x9a: {  	v3 =	vld [tilespmem:s24+$0x40]  }
0x9b: {  	v2 =	vld [tilespmem:s24+$0x90]  }
0x9c: {  	v4 =	vld [tilespmem:s24+$0x50]  }
0x9d: {  	v5 =	vld [tilespmem:s24+$0x30]  }
0x9e: {  	v6 =	vld [tilespmem:s24+$0x0]  }
0x9f: {  	s23 =	ssub.s32 s22, s20;
	v7 =	vld [tilespmem:s24+$0xA0]  }
0xa0: {  	s23 =	sshrl.u32 s23, $0x1;
	v11 =	vld [tilespmem:s24+$0x20]  }
0xa1: {  	v13 =	vld [tilespmem:s24+$0x70];
	s23 =	sadd.s32 s20, s23  }
0xa2: {  	v14 =	vld [tilespmem:s24+$0x10];
	v1 =	vmov s23  }
0xa3: {  	v10 =	vimm.s32 $0x0;
	vm0 =	vle.s32 v2, v1  }
0xa4: {  	v8 =	vld [tilespmem:s24+$0x60];
	vm1 =	vle.s32 v4, v1;
	vm2 =	vle.s32 v5, v1;
	vm3 =	vle.s32 v6, v1  }
0xa5: {  	v9 =	vld [tilespmem:s24+$0xB0];
	vm4 =	vle.s32 v3, v1;
	v12 =	vsel vm2, $0x1, v0;
	vm2 =	vle.s32 v7, v1  }
0xa6: {  	v5 =	vld [tilespmem:s24+$0xE0];
	v4 =	vsel vm3, $0x1, v0;
	vm3 =	vle.s32 v11, v1;
	v2 =	vsel vm0, $0x1, v0  }
0xa7: {  	v3 =	vsel vm1, $0x1, v0;
	v11 =	vld [tilespmem:s24+$0x80];
	vm1 =	vle.s32 v13, v1;
	vm0 =	vle.s32 v14, v1  }
0xa8: {  	v16 =	vsel vm4, $0x1, v0;
	v13 =	vld [tilespmem:s24+$0xC0];
	v6 =	vsel vm2, $0x1, v0;
	v7 =	vsel vm3, $0x1, v0  }
0xa9: {  	s25 =	simm.s32 $0x400;
	v15 =	vadd.s32 v4, v10;
	v4 =	vld [tilespmem:s24+$0xF0];
	v14 =	vadd.s32 v7, v10;
	v7 =	vimm.s32 $0x0  }
.LBB2_7:
0xaa: {  	p6 =	sne.s32 s25, $0x7C00;
	v10 =	vadd.s32 v12, v10;
	v12 =	vadd.s32 v16, v15;
	vm2 =	vle.s32 v8, v1;
	v8 =	vld [tilespmem:s24+$0xD0];
	s24 =	sshra.s32 s25, $0x2;
	s25 =	sadd.s32 $0x400, s25  }
0xab: {  	v17 =	vsel vm1, $0x1, v0;
	vm1 =	vle.s32 v9, v1;
	v15 =	vld [tilespmem:s24+$0x40];
	v16 =	vsel vm2, $0x1, v0  }
0xac: {  	v18 =	vsel vm0, $0x1, v0;
	v10 =	vadd.s32 v17, v10;
	v9 =	vld [tilespmem:s24+$0x90];
	vm0 =	vle.s32 v11, v1  }
0xad: {  	v17 =	vsel vm1, $0x1, v0;
	v14 =	vadd.s32 v16, v14;
	v11 =	vld [tilespmem:s24+$0xA0];
	v16 =	vsel vm0, $0x1, v0  }
0xae: {  	v10 =	vadd.s32 v17, v10;
	v19 =	vld [tilespmem:s24+$0x50];
	v12 =	vadd.s32 v16, v12;
	vm0 =	vle.s32 v13, v1  }
0xaf: {  	v7 =	vadd.s32 v18, v7;
	v13 =	vld [tilespmem:s24+$0x30];
	v16 =	vsel vm0, $0x1, v0;
	vm0 =	vle.s32 v5, v1  }
0xb0: {  	v6 =	vadd.s32 v6, v14;
	vm1 =	vle.s32 v8, v1;
	v5 =	vld [tilespmem:s24+$0x0];
	v8 =	vsel vm0, $0x1, v0  }
0xb1: {  	v16 =	vadd.s32 v16, v12;
	v12 =	vsel vm1, $0x1, v0;
	v14 =	vld [tilespmem:s24+$0x20];
	v17 =	vadd.s32 v8, v6  }
0xb2: {  	v3 =	vadd.s32 v3, v7;
	vm1 =	vle.s32 v4, v1;
	vm0 =	vle.s32 v9, v1;
	v18 =	vld [tilespmem:s24+$0x70]  }
0xb3: {  	v2 =	vadd.s32 v2, v3;
	v3 =	vsel vm1, $0x1, v0;
	vm2 =	vle.s32 v19, v1;
	v8 =	vld [tilespmem:s24+$0x60]  }
0xb4: {  	v7 =	vadd.s32 v12, v2;
	v10 =	vadd.s32 v3, v10;
	v19 =	vld [tilespmem:s24+$0x10];
	vm1 =	vle.s32 v13, v1  }
.Ltmp4:
0xb5: {  	vm3 =	vle.s32 v5, v1;
	v12 =	vsel vm1, $0x1, v0;
	vm1 =	vle.s32 v11, v1;
	v9 =	vld [tilespmem:s24+$0xB0];
	(pc) =	sbr.rel @p6 .LBB2_7-.Ltmp4, $4  }
0xb6: {  	v2 =	vsel vm0, $0x1, v0;
	v4 =	vsel vm3, $0x1, v0;
	vm3 =	vle.s32 v14, v1;
	v5 =	vld [tilespmem:s24+$0xE0]  }
0xb7: {  	vm4 =	vle.s32 v15, v1;
	v3 =	vsel vm2, $0x1, v0;
	v6 =	vsel vm1, $0x1, v0;
	v11 =	vld [tilespmem:s24+$0x80]  }
0xb8: {  	v15 =	vadd.s32 v4, v16;
	v13 =	vsel vm3, $0x1, v0;
	vm1 =	vle.s32 v18, v1;
	v4 =	vld [tilespmem:s24+$0xF0]  }
0xb9: {  	v16 =	vsel vm4, $0x1, v0;
	v14 =	vadd.s32 v13, v17;
	vm0 =	vle.s32 v19, v1;
	v13 =	vld [tilespmem:s24+$0xC0]  }
0xba: {  	v10 =	vadd.s32 v12, v10;
	v52 =	vadd.s32 v16, v15;
	vm2 =	vle.s32 v8, v1  }
0xbb: {  	v53 =	vld [tilespmem:s24+$0xD0];
	v55 =	vsel vm1, $0x1, v0;
	vm10 =	vle.s32 v9, v1;
	v56 =	vsel vm0, $0x1, v0  }
0xbc: {  	v54 =	vsel vm2, $0x1, v0;
	v10 =	vadd.s32 v55, v10;
	v59 =	vsel vm10, $0x1, v0  }
0xbd: {  	v7 =	vadd.s32 v56, v7;
	vm13 =	vle.s32 v5, v1;
	vm11 =	vle.s32 v11, v1  }
0xbe: {  	v57 =	vadd.s32 v54, v14;
	v10 =	vadd.s32 v59, v10;
	v3 =	vadd.s32 v3, v7  }
0xbf: {  	v62 =	vsel vm13, $0x1, v0;
	v58 =	vsel vm11, $0x1, v0;
	v61 =	vadd.s32 v6, v57  }
0xc0: {  	v2 =	vadd.s32 v2, v3;
	vm12 =	vle.s32 v13, v1;
	vm14 =	vle.s32 v53, v1  }
0xc1: {  	v12 =	vadd.s32 v58, v52;
	v60 =	vsel vm12, $0x1, v0;
	v63 =	vsel vm14, $0x1, v0  }
0xc2: {  	vm15 =	vle.s32 v4, v1;
	v3 =	vadd.s32 v60, v12;
	v1 =	vadd.s32 v63, v2  }
0xc3: {  	v4 =	vsel vm15, $0x1, v0;
	v2 =	vadd.s32 v62, v61;
	v1 =	vadd.s32 v3, v1  }
0xc4: {  	v3 =	vadd.s32 v4, v10;
	v1 =	vadd.s32 v2, v1  }
0xc5: {  	v1 =	vadd.s32 v3, v1  }
0xc6: {  	(v2sf) =	vpush v1, $0x0  }
0xc7: {  	(v2sf) =	vpush v1, $0x1  }
0xc8: {  	(v2sf) =	vpush v1, $0x2  }
0xc9: {  	(v2sf) =	vpush v1, $0x3  }
0xca: {  	(v2sf) =	vpush v1, $0x4  }
0xcb: {  	(v2sf) =	vpush v1, $0x5  }
0xcc: {  	(v2sf) =	vpush v1, $0x6  }
0xcd: {  	(v2sf) =	vpush v1, $0x7  }
0xce: {  	(v2sf) =	vpush v1, $0x8  }
0xcf: {  	(v2sf) =	vpush v1, $0x9  }
0xd0: {  	(v2sf) =	vpush v1, $0xA  }
0xd1: {  	(v2sf) =	vpush v1, $0xB  }
0xd2: {  	(v2sf) =	vpush v1, $0xC  }
0xd3: {  	(v2sf) =	vpush v1, $0xD  }
0xd4: {  	(v2sf) =	vpush v1, $0xE  }
0xd5: {  	s26 =	spop (v2sf);
	(v2sf) =	vpush v1, $0xF  }
0xd6: {  	s25 =	spop (v2sf)  }
0xd7: {  	s24 =	sadd.s32 s25, s26;
	s28 =	spop (v2sf)  }
0xd8: {  	s24 =	sadd.s32 s28, s24;
	s29 =	spop (v2sf)  }
0xd9: {  	s24 =	sadd.s32 s29, s24;
	s30 =	spop (v2sf)  }
0xda: {  	s24 =	sadd.s32 s30, s24;
	s31 =	spop (v2sf)  }
0xdb: {  	s24 =	sadd.s32 s31, s24;
	s26 =	spop (v2sf)  }
0xdc: {  	s24 =	sadd.s32 s26, s24;
	s28 =	spop (v2sf)  }
0xdd: {  	s24 =	sadd.s32 s28, s24;
	s29 =	spop (v2sf)  }
0xde: {  	s24 =	sadd.s32 s29, s24;
	s30 =	spop (v2sf)  }
0xdf: {  	s24 =	sadd.s32 s30, s24;
	s31 =	spop (v2sf)  }
0xe0: {  	s24 =	sadd.s32 s31, s24;
	s26 =	spop (v2sf)  }
0xe1: {  	s24 =	sadd.s32 s26, s24;
	s28 =	spop (v2sf)  }
0xe2: {  	s21 =	sadd.s32 $0x1, s21;
	s24 =	sadd.s32 s28, s24;
	s29 =	spop (v2sf)  }
0xe3: {  	p6 =	sne.s32 s21, $0x10;
	s24 =	sadd.s32 s29, s24;
	s30 =	spop (v2sf)  }
.Ltmp5:
0xe4: {  	s24 =	sadd.s32 s30, s24;
	s31 =	spop (v2sf);
	(pc) =	sbr.rel @p6 .LBB2_6-.Ltmp5, $4  }
0xe5: {  	s24 =	sadd.s32 s31, s24  }
0xe6: {  	p4 =	slt.s32 s24, s19  }
0xe7: {  	s24 =	sadd.s32 $0x1, s23;
	s23 =	smov.u32 @p4 s22  }
0xe8: {  	s20 =	smov.u32 @p4 s24;
	s22 =	smov.u32 s23  }
0xe9: {  	v1 =	vmov s20  }
.Ltmp6:
0xea: {  	[tilespmem:$0x3080] =	vst v1;
	(pc) =	sbr.rel @p5 .LBB2_19-.Ltmp6, $4  }
0xeb: {  	[hbm4b:s6+s2] =	stream.linear.scatter [tilespmem:s17], [sflag:$0x1], $0x80, $0x38;
	[tilespmem:$0x3100] =	vst v63  }
0xec: {  	_ =	swait.ge [sflag:s13], $0x80  }
0xed: {  	[sflag:s13] =	ssyncset.done $0x0  }
0xee: {  	[sflag:s13] =	ssyncadd.s32 $0xFFFFFF80  }
0xef: {  	s20 =	simm.s32 $0x0  }
0xf0: {  	[tilespmem:s12], [sflag:$0x1] =	stream.linear.gather [hbm4b:s7+s20], $0x80, $0x38;
	[tilespmem:$0x3100] =	vst v63  }
0xf1: {  	_ =	swait.ge [sflag:s13], $0x80  }
0xf2: {  	[sflag:s13] =	ssyncset.done $0x0  }
0xf3: {  	[sflag:s13] =	ssyncadd.s32 $0xFFFFFF80  }
0xf4: {  	v1 =	vld [tilespmem:$0x3000];
	_ =	sdelay $0x4  }
0xf5: {  	(v2sf) =	vpush v1, $0x0  }
0xf6: {  	(v2sf) =	vpush v1, $0x1  }
0xf7: {  	(v2sf) =	vpush v1, $0x2  }
0xf8: {  	(v2sf) =	vpush v1, $0x3  }
0xf9: {  	(v2sf) =	vpush v1, $0x4;
	_ =	sdelay $0x9  }
0xfa: {  	[tilespmem:s20], [sflag:$0x1] =	stream.strided.gather [hbm4b:s8+s14], $0x2000, s15, s14, $0x38;
	[tilespmem:$0x3100] =	vst v63  }
0xfb: {  	s19 =	spop (v2sf)  }
0xfc: {  	s21 =	spop (v2sf)  }
0xfd: {  	s22 =	spop (v2sf)  }
0xfe: {  	s23 =	spop (v2sf)  }
0xff: {  	s24 =	spop (v2sf)  }
0x100: {  	_ =	swait.ge [sflag:s13], $0x2000  }
0x101: {  	[sflag:s13] =	ssyncset.done $0x0  }
0x102: {  	s25 =	sld [smem:$0x7FA];
	[sflag:s13] =	ssyncadd.s32 $0xFFFFE000  }
0x103: {  	[tilespmem:s16], [sflag:$0x1] =	stream.strided.gather [hbm4b:s9+s14], $0x1000, s15, s14, $0x38;
	[tilespmem:$0x3100] =	vst v63  }
0x104: {  	s29 =	sld [smem:$0x7FB];
	_ =	swait.ge [sflag:s13], $0x1000  }
0x105: {  	s30 =	sld [smem:$0x7FC]  }
0x106: {  	p4 =	seq.s32 s25, $0x1;
	s31 =	sld [smem:$0x7FD]  }
0x107: {  	s24 =	smov.u32 @p4 s23;
	p4 =	seq.s32 s29, $0x1  }
0x108: {  	s24 =	smov.u32 @p4 s22;
	p4 =	seq.s32 s30, $0x1  }
0x109: {  	[sflag:s13] =	ssyncset.done $0x0;
	s24 =	smov.u32 @p4 s21;
	p4 =	seq.s32 s31, $0x1  }
0x10a: {  	[sflag:s13] =	ssyncadd.s32 $0xFFFFF000;
	s24 =	smov.u32 @p4 s19  }
0x10b: {  	s22 =	simm.s32 $0x7F80;
	s21 =	simm.s32 $0x0;
	s19 =	sadd.s32 $0x1, s24  }
.LBB2_11:
0x10c: {  	s25 =	simm.s32 $0x0  }
0x10d: {  	v1 =	vld [tilespmem:s25+$0x20E0]  }
0x10e: {  	v3 =	vld [tilespmem:s25+$0x20D0]  }
0x10f: {  	v4 =	vld [tilespmem:s25+$0x20A0]  }
0x110: {  	s23 =	ssub.s32 s22, s20;
	v5 =	vld [tilespmem:s25+$0x20F0]  }
0x111: {  	s23 =	sshrl.u32 s23, $0x1;
	v8 =	vld [tilespmem:s25+$0x20C0]  }
0x112: {  	v9 =	vld [tilespmem:s25+$0x2060];
	s23 =	sadd.s32 s20, s23  }
0x113: {  	v10 =	vld [tilespmem:s25+$0x2070];
	s24 =	smul.u32 $0x10001, s23  }
0x114: {  	v17 =	vld [tilespmem:s25+$0x2030]  }
0x115: {  	v7 =	vld [tilespmem:s25+$0x20B0];
	s24 =	sadd.s32 $0x80008000, s24  }
0x116: {  	v6 =	vimm.s32 $0x0;
	v11 =	vld [tilespmem:s25+$0x2080];
	v2 =	vmov s24  }
0x117: {  	v13 =	vld [tilespmem:s25+$0x2010];
	v1 =	vsub.s32 v2, v1;
	v3 =	vsub.s32 v2, v3;
	v4 =	vsub.s32 v2, v4  }
0x118: {  	v15 =	vld [tilespmem:s25+$0x2050];
	v9 =	vsub.s32 v2, v9;
	v8 =	vsub.s32 v2, v8;
	v10 =	vsub.s32 v2, v10  }
0x119: {  	v16 =	vld [tilespmem:s25+$0x2000];
	v19 =	vsub.s32 v2, v17;
	v12 =	vshrl.u32 v1, $0xF;
	v1 =	vshrl.u32 v4, $0xF  }
0x11a: {  	v4 =	vsub.s32 v2, v5;
	v5 =	vsub.s32 v2, v7;
	v14 =	vshrl.u32 v3, $0xF  }
0x11b: {  	v8 =	vshrl.u32 v8, $0xF;
	v1 =	vand.u32 $0x10001, v1;
	v5 =	vshrl.u32 v5, $0xF  }
0x11c: {  	v7 =	vld [tilespmem:s25+$0x2020];
	v3 =	vand.u32 $0x10001, v12;
	v12 =	vshrl.u32 v9, $0xF;
	v4 =	vshrl.u32 v4, $0xF  }
0x11d: {  	v9 =	vsub.s32 v2, v11;
	v11 =	vsub.s32 v2, v13;
	v13 =	vsub.s32 v2, v15  }
0x11e: {  	v15 =	vsub.s32 v2, v16;
	v4 =	vand.u32 $0x10001, v4;
	v11 =	vshrl.u32 v11, $0xF  }
0x11f: {  	v5 =	vand.u32 $0x10001, v5;
	v9 =	vshrl.u32 v9, $0xF;
	v20 =	vand.u32 $0x10001, v11  }
0x120: {  	v16 =	vld [tilespmem:s25+$0x2090];
	v9 =	vand.u32 $0x10001, v9;
	v11 =	vand.u32 $0x10001, v14;
	v17 =	vadd.s32 v6, v20  }
0x121: {  	v14 =	vld [tilespmem:s25+$0x2040];
	v18 =	vsub.s32 v2, v7;
	v7 =	vand.u32 $0x10001, v8;
	v8 =	vshrl.u32 v10, $0xF  }
0x122: {  	v10 =	vshrl.u32 v13, $0xF;
	v13 =	vand.u32 $0x10001, v8;
	v20 =	vshrl.u32 v18, $0xF  }
0x123: {  	s24 =	simm.s32 $0x400;
	v18 =	vand.u32 $0x10001, v10;
	v8 =	vimm.s32 $0x0;
	v10 =	vimm.s32 $0x0  }
.LBB2_12:
0x124: {  	s25 =	sshra.s32 s24, $0x2;
	p6 =	sne.s32 s24, $0x3C00;
	s24 =	sadd.s32 $0x400, s24;
	v20 =	vand.u32 $0x10001, v20;
	v19 =	vshrl.u32 v19, $0xF;
	v12 =	vand.u32 $0x10001, v12  }
0x125: {  	v15 =	vshrl.u32 v15, $0xF;
	v21 =	vld [tilespmem:s25+$0x20E0];
	v6 =	vadd.s32 v6, v20;
	v16 =	vsub.s32 v2, v16  }
0x126: {  	v14 =	vsub.s32 v2, v14;
	v17 =	vadd.s32 v18, v17;
	v15 =	vand.u32 $0x10001, v15;
	v20 =	vld [tilespmem:s25+$0x20D0]  }
0x127: {  	v19 =	vand.u32 $0x10001, v19;
	v14 =	vshrl.u32 v14, $0xF;
	v16 =	vshrl.u32 v16, $0xF;
	v18 =	vld [tilespmem:s25+$0x20A0]  }
0x128: {  	v8 =	vadd.s32 v8, v15;
	v10 =	vadd.s32 v10, v19;
	v6 =	vadd.s32 v12, v6;
	v22 =	vld [tilespmem:s25+$0x20F0]  }
0x129: {  	v14 =	vand.u32 $0x10001, v14;
	v10 =	vadd.s32 v13, v10;
	v13 =	vand.u32 $0x10001, v16;
	v12 =	vld [tilespmem:s25+$0x20B0]  }
0x12a: {  	v8 =	vadd.s32 v14, v8;
	v13 =	vadd.s32 v13, v17;
	v15 =	vld [tilespmem:s25+$0x20C0];
	v16 =	vsub.s32 v2, v21  }
0x12b: {  	v8 =	vadd.s32 v9, v8;
	v14 =	vld [tilespmem:s25+$0x2060];
	v17 =	vsub.s32 v2, v20;
	v20 =	vadd.s32 v11, v13  }
0x12c: {  	v5 =	vadd.s32 v5, v10;
	v13 =	vshrl.u32 v16, $0xF;
	v9 =	vld [tilespmem:s25+$0x2050];
	v11 =	vsub.s32 v2, v18  }
0x12d: {  	v8 =	vadd.s32 v7, v8;
	v16 =	vld [tilespmem:s25+$0x2070];
	v11 =	vshrl.u32 v11, $0xF;
	v18 =	vsub.s32 v2, v22  }
0x12e: {  	v10 =	vadd.s32 v4, v5;
	v17 =	vshrl.u32 v17, $0xF;
	v7 =	vld [tilespmem:s25+$0x2080];
	v12 =	vsub.s32 v2, v12  }
0x12f: {  	v4 =	vadd.s32 v1, v6;
	v1 =	vand.u32 $0x10001, v11;
	v19 =	vld [tilespmem:s25+$0x2010];
	v5 =	vshrl.u32 v12, $0xF  }
0x130: {  	v6 =	vadd.s32 v3, v4;
	v3 =	vand.u32 $0x10001, v13;
	v11 =	vld [tilespmem:s25+$0x2020];
	v12 =	vsub.s32 v2, v14  }
0x131: {  	v4 =	vsub.s32 v2, v15;
	v14 =	vshrl.u32 v18, $0xF;
	v13 =	vld [tilespmem:s25+$0x2000];
	v12 =	vshrl.u32 v12, $0xF  }
0x132: {  	v15 =	vshrl.u32 v4, $0xF;
	v4 =	vand.u32 $0x10001, v14;
	v18 =	vld [tilespmem:s25+$0x2030]  }
0x133: {  	v5 =	vand.u32 $0x10001, v5;
	v14 =	vld [tilespmem:s25+$0x2040];
	v7 =	vsub.s32 v2, v7  }
0x134: {  	v21 =	vsub.s32 v2, v16;
	v19 =	vsub.s32 v2, v19;
	v7 =	vshrl.u32 v7, $0xF  }
.Ltmp7:
0x135: {  	v23 =	vsub.s32 v2, v9;
	v16 =	vshrl.u32 v19, $0xF;
	v22 =	vsub.s32 v2, v11;
	(pc) =	sbr.rel @p6 .LBB2_12-.Ltmp7, $4  }
0x136: {  	v9 =	vand.u32 $0x10001, v7;
	v7 =	vand.u32 $0x10001, v15;
	v24 =	vand.u32 $0x10001, v16;
	v16 =	vld [tilespmem:s25+$0x2090]  }
0x137: {  	v11 =	vand.u32 $0x10001, v17;
	v15 =	vsub.s32 v2, v13;
	v13 =	vshrl.u32 v21, $0xF  }
0x138: {  	v19 =	vsub.s32 v2, v18;
	v18 =	vshrl.u32 v23, $0xF;
	v13 =	vand.u32 $0x10001, v13  }
0x139: {  	v17 =	vadd.s32 v20, v24;
	v20 =	vshrl.u32 v22, $0xF;
	v18 =	vand.u32 $0x10001, v18  }
0x13a: {  	v20 =	vand.u32 $0x10001, v20;
	v19 =	vshrl.u32 v19, $0xF;
	v12 =	vand.u32 $0x10001, v12  }
0x13b: {  	v15 =	vshrl.u32 v15, $0xF;
	v58 =	vadd.s32 v18, v17;
	v6 =	vadd.s32 v6, v20  }
0x13c: {  	v16 =	vsub.s32 v2, v16;
	v15 =	vand.u32 $0x10001, v15;
	v2 =	vsub.s32 v2, v14  }
0x13d: {  	v59 =	vand.u32 $0x10001, v19;
	v2 =	vshrl.u32 v2, $0xF;
	v16 =	vshrl.u32 v16, $0xF  }
0x13e: {  	v8 =	vadd.s32 v8, v15;
	v10 =	vadd.s32 v10, v59;
	v2 =	vand.u32 $0x10001, v2  }
0x13f: {  	v6 =	vadd.s32 v12, v6;
	v60 =	vand.u32 $0x10001, v16;
	v2 =	vadd.s32 v2, v8  }
0x140: {  	v61 =	vadd.s32 v13, v10;
	v62 =	vadd.s32 v60, v58;
	v2 =	vadd.s32 v9, v2  }
0x141: {  	v1 =	vadd.s32 v1, v6;
	v63 =	vadd.s32 v11, v62;
	v2 =	vadd.s32 v7, v2  }
0x142: {  	v5 =	vadd.s32 v5, v61;
	v1 =	vadd.s32 v3, v1;
	v2 =	vadd.s32 v2, v63  }
0x143: {  	v3 =	vadd.s32 v4, v5;
	v1 =	vadd.s32 v1, v2  }
0x144: {  	v1 =	vadd.s32 v3, v1  }
0x145: {  	v2 =	vand.u32 $0xFFFF, v1;
	v1 =	vshrl.u32 v1, $0x10  }
0x146: {  	v1 =	vadd.s32 v1, v2  }
0x147: {  	(v2sf) =	vpush v1, $0x0  }
0x148: {  	(v2sf) =	vpush v1, $0x1  }
0x149: {  	(v2sf) =	vpush v1, $0x2  }
0x14a: {  	(v2sf) =	vpush v1, $0x3  }
0x14b: {  	(v2sf) =	vpush v1, $0x4  }
0x14c: {  	(v2sf) =	vpush v1, $0x5  }
0x14d: {  	(v2sf) =	vpush v1, $0x6  }
0x14e: {  	(v2sf) =	vpush v1, $0x7  }
0x14f: {  	(v2sf) =	vpush v1, $0x8  }
0x150: {  	(v2sf) =	vpush v1, $0x9  }
0x151: {  	(v2sf) =	vpush v1, $0xA  }
0x152: {  	(v2sf) =	vpush v1, $0xB  }
0x153: {  	(v2sf) =	vpush v1, $0xC  }
0x154: {  	(v2sf) =	vpush v1, $0xD  }
0x155: {  	(v2sf) =	vpush v1, $0xE  }
0x156: {  	s24 =	spop (v2sf);
	(v2sf) =	vpush v1, $0xF  }
0x157: {  	s25 =	spop (v2sf)  }
0x158: {  	s24 =	sadd.s32 s25, s24;
	s28 =	spop (v2sf)  }
0x159: {  	s24 =	sadd.s32 s28, s24;
	s29 =	spop (v2sf)  }
0x15a: {  	s24 =	sadd.s32 s29, s24;
	s30 =	spop (v2sf)  }
0x15b: {  	s24 =	sadd.s32 s30, s24;
	s31 =	spop (v2sf)  }
0x15c: {  	s24 =	sadd.s32 s31, s24;
	s26 =	spop (v2sf)  }
0x15d: {  	s24 =	sadd.s32 s26, s24;
	s28 =	spop (v2sf)  }
0x15e: {  	s24 =	sadd.s32 s28, s24;
	s29 =	spop (v2sf)  }
0x15f: {  	s24 =	sadd.s32 s29, s24;
	s30 =	spop (v2sf)  }
0x160: {  	s24 =	sadd.s32 s30, s24;
	s31 =	spop (v2sf)  }
0x161: {  	s24 =	sadd.s32 s31, s24;
	s26 =	spop (v2sf)  }
0x162: {  	s24 =	sadd.s32 s26, s24;
	s28 =	spop (v2sf)  }
0x163: {  	s21 =	sadd.s32 $0x1, s21;
	s24 =	sadd.s32 s28, s24;
	s29 =	spop (v2sf)  }
0x164: {  	p6 =	sne.s32 s21, $0xF;
	s24 =	sadd.s32 s29, s24;
	s30 =	spop (v2sf)  }
.Ltmp8:
0x165: {  	s24 =	sadd.s32 s30, s24;
	s31 =	spop (v2sf);
	(pc) =	sbr.rel @p6 .LBB2_11-.Ltmp8, $4  }
0x166: {  	s24 =	sadd.s32 s31, s24  }
0x167: {  	p4 =	slt.s32 s24, s19  }
0x168: {  	s24 =	sadd.s32 $0x1, s23;
	s23 =	smov.u32 @p4 s22  }
0x169: {  	s20 =	smov.u32 @p4 s24;
	s22 =	smov.u32 s23  }
0x16a: {  	s20 =	sshll.u32 s20, $0x10  }
0x16b: {  	s21 =	simm.s32 $0x0;
	s22 =	sor.u32 $0xFFFF, s20  }
.LBB2_15:
0x16c: {  	s24 =	simm.s32 $0x0  }
0x16d: {  	v3 =	vld [tilespmem:s24+$0x40]  }
0x16e: {  	v2 =	vld [tilespmem:s24+$0x90]  }
0x16f: {  	v4 =	vld [tilespmem:s24+$0x50]  }
0x170: {  	v5 =	vld [tilespmem:s24+$0x30]  }
0x171: {  	v6 =	vld [tilespmem:s24+$0x0]  }
0x172: {  	s23 =	ssub.s32 s22, s20;
	v7 =	vld [tilespmem:s24+$0xA0]  }
0x173: {  	s23 =	sshrl.u32 s23, $0x1;
	v11 =	vld [tilespmem:s24+$0x20]  }
0x174: {  	v13 =	vld [tilespmem:s24+$0x70];
	s23 =	sadd.s32 s20, s23  }
0x175: {  	v14 =	vld [tilespmem:s24+$0x10];
	v1 =	vmov s23  }
0x176: {  	v10 =	vimm.s32 $0x0;
	vm0 =	vle.s32 v2, v1  }
0x177: {  	v8 =	vld [tilespmem:s24+$0x60];
	vm1 =	vle.s32 v4, v1;
	vm2 =	vle.s32 v5, v1;
	vm3 =	vle.s32 v6, v1  }
0x178: {  	v9 =	vld [tilespmem:s24+$0xB0];
	vm4 =	vle.s32 v3, v1;
	v12 =	vsel vm2, $0x1, v0;
	vm2 =	vle.s32 v7, v1  }
0x179: {  	v5 =	vld [tilespmem:s24+$0xE0];
	v4 =	vsel vm3, $0x1, v0;
	vm3 =	vle.s32 v11, v1;
	v2 =	vsel vm0, $0x1, v0  }
0x17a: {  	v3 =	vsel vm1, $0x1, v0;
	v11 =	vld [tilespmem:s24+$0x80];
	vm1 =	vle.s32 v13, v1;
	vm0 =	vle.s32 v14, v1  }
0x17b: {  	v16 =	vsel vm4, $0x1, v0;
	v13 =	vld [tilespmem:s24+$0xC0];
	v6 =	vsel vm2, $0x1, v0;
	v7 =	vsel vm3, $0x1, v0  }
0x17c: {  	s25 =	simm.s32 $0x400;
	v15 =	vadd.s32 v4, v10;
	v4 =	vld [tilespmem:s24+$0xF0];
	v14 =	vadd.s32 v7, v10;
	v7 =	vimm.s32 $0x0  }
.LBB2_16:
0x17d: {  	p6 =	sne.s32 s25, $0x7C00;
	v10 =	vadd.s32 v12, v10;
	v12 =	vadd.s32 v16, v15;
	vm2 =	vle.s32 v8, v1;
	v8 =	vld [tilespmem:s24+$0xD0];
	s24 =	sshra.s32 s25, $0x2;
	s25 =	sadd.s32 $0x400, s25  }
0x17e: {  	v17 =	vsel vm1, $0x1, v0;
	vm1 =	vle.s32 v9, v1;
	v15 =	vld [tilespmem:s24+$0x40];
	v16 =	vsel vm2, $0x1, v0  }
0x17f: {  	v18 =	vsel vm0, $0x1, v0;
	v10 =	vadd.s32 v17, v10;
	v9 =	vld [tilespmem:s24+$0x90];
	vm0 =	vle.s32 v11, v1  }
0x180: {  	v17 =	vsel vm1, $0x1, v0;
	v14 =	vadd.s32 v16, v14;
	v11 =	vld [tilespmem:s24+$0xA0];
	v16 =	vsel vm0, $0x1, v0  }
0x181: {  	v10 =	vadd.s32 v17, v10;
	v19 =	vld [tilespmem:s24+$0x50];
	v12 =	vadd.s32 v16, v12;
	vm0 =	vle.s32 v13, v1  }
0x182: {  	v7 =	vadd.s32 v18, v7;
	v13 =	vld [tilespmem:s24+$0x30];
	v16 =	vsel vm0, $0x1, v0;
	vm0 =	vle.s32 v5, v1  }
0x183: {  	v6 =	vadd.s32 v6, v14;
	vm1 =	vle.s32 v8, v1;
	v5 =	vld [tilespmem:s24+$0x0];
	v8 =	vsel vm0, $0x1, v0  }
0x184: {  	v16 =	vadd.s32 v16, v12;
	v12 =	vsel vm1, $0x1, v0;
	v14 =	vld [tilespmem:s24+$0x20];
	v17 =	vadd.s32 v8, v6  }
0x185: {  	v3 =	vadd.s32 v3, v7;
	vm1 =	vle.s32 v4, v1;
	vm0 =	vle.s32 v9, v1;
	v18 =	vld [tilespmem:s24+$0x70]  }
0x186: {  	v2 =	vadd.s32 v2, v3;
	v3 =	vsel vm1, $0x1, v0;
	vm2 =	vle.s32 v19, v1;
	v8 =	vld [tilespmem:s24+$0x60]  }
0x187: {  	v7 =	vadd.s32 v12, v2;
	v10 =	vadd.s32 v3, v10;
	v19 =	vld [tilespmem:s24+$0x10];
	vm1 =	vle.s32 v13, v1  }
.Ltmp9:
0x188: {  	vm3 =	vle.s32 v5, v1;
	v12 =	vsel vm1, $0x1, v0;
	vm1 =	vle.s32 v11, v1;
	v9 =	vld [tilespmem:s24+$0xB0];
	(pc) =	sbr.rel @p6 .LBB2_16-.Ltmp9, $4  }
0x189: {  	v2 =	vsel vm0, $0x1, v0;
	v4 =	vsel vm3, $0x1, v0;
	vm3 =	vle.s32 v14, v1;
	v5 =	vld [tilespmem:s24+$0xE0]  }
0x18a: {  	vm4 =	vle.s32 v15, v1;
	v3 =	vsel vm2, $0x1, v0;
	v6 =	vsel vm1, $0x1, v0;
	v11 =	vld [tilespmem:s24+$0x80]  }
0x18b: {  	v15 =	vadd.s32 v4, v16;
	v13 =	vsel vm3, $0x1, v0;
	vm1 =	vle.s32 v18, v1;
	v4 =	vld [tilespmem:s24+$0xF0]  }
0x18c: {  	v16 =	vsel vm4, $0x1, v0;
	v14 =	vadd.s32 v13, v17;
	vm0 =	vle.s32 v19, v1;
	v13 =	vld [tilespmem:s24+$0xC0]  }
0x18d: {  	v10 =	vadd.s32 v12, v10;
	v52 =	vadd.s32 v16, v15;
	vm2 =	vle.s32 v8, v1  }
0x18e: {  	v53 =	vld [tilespmem:s24+$0xD0];
	v55 =	vsel vm1, $0x1, v0;
	vm10 =	vle.s32 v9, v1;
	v56 =	vsel vm0, $0x1, v0  }
0x18f: {  	v54 =	vsel vm2, $0x1, v0;
	v10 =	vadd.s32 v55, v10;
	v59 =	vsel vm10, $0x1, v0  }
0x190: {  	v7 =	vadd.s32 v56, v7;
	vm13 =	vle.s32 v5, v1;
	vm11 =	vle.s32 v11, v1  }
0x191: {  	v57 =	vadd.s32 v54, v14;
	v10 =	vadd.s32 v59, v10;
	v3 =	vadd.s32 v3, v7  }
0x192: {  	v62 =	vsel vm13, $0x1, v0;
	v58 =	vsel vm11, $0x1, v0;
	v61 =	vadd.s32 v6, v57  }
0x193: {  	v2 =	vadd.s32 v2, v3;
	vm12 =	vle.s32 v13, v1;
	vm14 =	vle.s32 v53, v1  }
0x194: {  	v12 =	vadd.s32 v58, v52;
	v60 =	vsel vm12, $0x1, v0;
	v63 =	vsel vm14, $0x1, v0  }
0x195: {  	vm15 =	vle.s32 v4, v1;
	v3 =	vadd.s32 v60, v12;
	v1 =	vadd.s32 v63, v2  }
0x196: {  	v4 =	vsel vm15, $0x1, v0;
	v2 =	vadd.s32 v62, v61;
	v1 =	vadd.s32 v3, v1  }
0x197: {  	v3 =	vadd.s32 v4, v10;
	v1 =	vadd.s32 v2, v1  }
0x198: {  	v1 =	vadd.s32 v3, v1  }
0x199: {  	(v2sf) =	vpush v1, $0x0  }
0x19a: {  	(v2sf) =	vpush v1, $0x1  }
0x19b: {  	(v2sf) =	vpush v1, $0x2  }
0x19c: {  	(v2sf) =	vpush v1, $0x3  }
0x19d: {  	(v2sf) =	vpush v1, $0x4  }
0x19e: {  	(v2sf) =	vpush v1, $0x5  }
0x19f: {  	(v2sf) =	vpush v1, $0x6  }
0x1a0: {  	(v2sf) =	vpush v1, $0x7  }
0x1a1: {  	(v2sf) =	vpush v1, $0x8  }
0x1a2: {  	(v2sf) =	vpush v1, $0x9  }
0x1a3: {  	(v2sf) =	vpush v1, $0xA  }
0x1a4: {  	(v2sf) =	vpush v1, $0xB  }
0x1a5: {  	(v2sf) =	vpush v1, $0xC  }
0x1a6: {  	(v2sf) =	vpush v1, $0xD  }
0x1a7: {  	(v2sf) =	vpush v1, $0xE  }
0x1a8: {  	s26 =	spop (v2sf);
	(v2sf) =	vpush v1, $0xF  }
0x1a9: {  	s25 =	spop (v2sf)  }
0x1aa: {  	s24 =	sadd.s32 s25, s26;
	s28 =	spop (v2sf)  }
0x1ab: {  	s24 =	sadd.s32 s28, s24;
	s29 =	spop (v2sf)  }
0x1ac: {  	s24 =	sadd.s32 s29, s24;
	s30 =	spop (v2sf)  }
0x1ad: {  	s24 =	sadd.s32 s30, s24;
	s31 =	spop (v2sf)  }
0x1ae: {  	s24 =	sadd.s32 s31, s24;
	s26 =	spop (v2sf)  }
0x1af: {  	s24 =	sadd.s32 s26, s24;
	s28 =	spop (v2sf)  }
0x1b0: {  	s24 =	sadd.s32 s28, s24;
	s29 =	spop (v2sf)  }
0x1b1: {  	s24 =	sadd.s32 s29, s24;
	s30 =	spop (v2sf)  }
0x1b2: {  	s24 =	sadd.s32 s30, s24;
	s31 =	spop (v2sf)  }
0x1b3: {  	s24 =	sadd.s32 s31, s24;
	s26 =	spop (v2sf)  }
0x1b4: {  	s24 =	sadd.s32 s26, s24;
	s28 =	spop (v2sf)  }
0x1b5: {  	s21 =	sadd.s32 $0x1, s21;
	s24 =	sadd.s32 s28, s24;
	s29 =	spop (v2sf)  }
0x1b6: {  	p6 =	sne.s32 s21, $0x10;
	s24 =	sadd.s32 s29, s24;
	s30 =	spop (v2sf)  }
.Ltmp10:
0x1b7: {  	s24 =	sadd.s32 s30, s24;
	s31 =	spop (v2sf);
	(pc) =	sbr.rel @p6 .LBB2_15-.Ltmp10, $4  }
0x1b8: {  	s24 =	sadd.s32 s31, s24  }
0x1b9: {  	p4 =	slt.s32 s24, s19  }
0x1ba: {  	s24 =	sadd.s32 $0x1, s23;
	s23 =	smov.u32 @p4 s22  }
0x1bb: {  	s20 =	smov.u32 @p4 s24;
	s22 =	smov.u32 s23  }
0x1bc: {  	v1 =	vmov s20  }
.Ltmp11:
0x1bd: {  	[tilespmem:$0x3080] =	vst v1;
	(pc) =	sbr.rel .LBB2_19-.Ltmp11, $4  }
0x1be: {  	[hbm4b:s10+s2] =	stream.linear.scatter [tilespmem:s17], [sflag:$0x1], $0x80, $0x38;
	[tilespmem:$0x3100] =	vst v63  }
0x1bf: {  	_ =	swait.ge [sflag:s13], $0x80  }
0x1c0: {  	[sflag:s13] =	ssyncset.done $0x0  }
0x1c1: {  	[sflag:s13] =	ssyncadd.s32 $0xFFFFFF80  }
.LBB2_20:
0x1c2: {  	_ =	sfence.sel $0x180000  }
0x1c3: {  	[bflag:$0x0] =	sbarrier.arrive $0xFFFF  }
0x1c4: {  	p0 =	sne.s32 s0, $0x0;
	_ =	strace $0x90000047  }
0x1c5: {  	s0 =	sadd.s32 @!p0 $0x100000, s1;
	[bflag:$0x2] =	sbarrier.arrive $0xFFFF  }
0x1c6: {  	[sflag:s0] =	ssyncadd.tile.s32 @!p0 $0x1;
	_ =	shalt  }
.Lfunc_end2:
_tile_overlayer_lowered:
.L_overlay_start_2:
0x1c7: {  	(tag) =	ssettag $0x2  }
0x1c8: {  	s0 =	rddreg [dreg:$0x0];
	s2 =	stileid.u32  }
0x1c9: {  	s1 =	rddreg [dreg:$0x1];
	p0 =	sne.s32 s2, $0x0  }
0x1ca: {  	s3 =	rddreg [dreg:$0x2];
	[bflag:$0x3] =	sbarrier.arrive $0xFFFF;
	s2 =	simm.s32 @!p0 $0x1C01  }
0x1cb: {  	[timem:s3], [sflag:s2] =	dma.local @!p0 [hbm:s0], s1  }
0x1cc: {  	s0 =	simm.s32 @!p0 $0x1  }
0x1cd: {  	_ =	swait.ge @!p0 [sflag:s0], s1  }
0x1ce: {  	s1 =	ssub.s32 @!p0 $0x0, s1;
	[sflag:s0] =	ssyncset.done @!p0 $0x0  }
0x1cf: {  	[sflag:s0] =	ssyncadd.s32 @!p0 s1  }
0x1d0: {  	[bflag:$0x3] =	sbarrier.arrive $0xFFFF  }
0x1d1: {  	_ =	shalt  }

</sc_bundles>
